<compile_context>
chip_gen: v7x
topology: tpu7x:2x2x1
jax: 0.10.2.dev20260603
libtpu: 0.0.44.dev20260713+nightly
codegen_flags: <defaults>
</compile_context>

<pallas_src>
import jax
import jax.numpy as jnp
from jax import lax
from jax.experimental import pallas as pl
from jax.experimental.pallas import tpu as pltpu
from jax.experimental.pallas import tpu_sc as plsc

T = 8192
H = 1024
K = 2
E = 64
S = T * K
NC = 2
NS = 16
NW = NC * NS
L = 16
CH = S // NW
NV = CH // L
TPW = T // NW
CC = 16
NCH = TPW // CC
NBUF = 3

_mesh = dict(core_axis_name="c", subcore_axis_name="s", num_cores=NC,
             num_subcores=NS)


def _slot_vec(e_v, row0, i, lane):
    sloc = i * L + lane
    return plsc.load_gather(e_v, [row0 + (sloc >> 1), sloc & 1])


def _moe_kernel(ti_hbm, x_hbm, out_hbm, splits_hbm, hist_hbm,
                e_v, hist0_v, hist1_v, all_hist_v, tot_v, off_v, dest_v,
                rows0, rows1, rows2,
                sem_e0, sem_o0, sem_e1, sem_o1, sem_e2, sem_o2,
                sem_l0, sem_l1, sem_l2, sem_t0, sem_t1, sem_h):
    c = lax.axis_index("c")
    s = lax.axis_index("s")
    g = c * NS + s
    lane = lax.iota(jnp.int32, L)

    bufs = (rows0, rows1, rows2)
    lsems = (sem_l0, sem_l1, sem_l2)

    def _load(ch):
        q = ch % NBUF
        return pltpu.async_copy(
            x_hbm.at[pl.ds(g * TPW + ch * CC, CC)], bufs[q], lsems[q])

    lh = [None] * NBUF
    for ch in range(NBUF - 1):
        lh[ch] = _load(ch)

    th0 = pltpu.async_copy(ti_hbm.at[pl.ds(s * (CH // K), CH // K)],
                           e_v.at[pl.ds(0, CH // K)], sem_t0)
    th1 = pltpu.async_copy(ti_hbm.at[pl.ds((s + NS) * (CH // K), CH // K)],
                           e_v.at[pl.ds(CH // K, CH // K)], sem_t1)
    th0.wait()
    th1.wait()
    zeros = jnp.zeros((L,), jnp.int32)
    for half in range(2):
        hist_v = hist0_v if half == 0 else hist1_v
        for j in range(E // L):
            hist_v[pl.ds(L * j, L)] = zeros

        def hist_body(i, _, half=half, hist_v=hist_v):
            ev = _slot_vec(e_v, half * (CH // K), i, lane)
            cnt, last = plsc.scan_count(ev)
            plsc.addupdate_scatter(hist_v, [ev], cnt, mask=last)
            return 0

        lax.fori_loop(0, NV, hist_body, 0)
        if half == 0:
            hh0 = pltpu.async_copy(hist0_v, hist_hbm.at[c, s], sem_h)
        else:
            hh1 = pltpu.async_copy(hist1_v, hist_hbm.at[c, s + NS], sem_h)

    hh0.wait()
    hh1.wait()
    plsc.subcore_barrier()
    pltpu.sync_copy(hist_hbm.at[c], all_hist_v)

    carry = jnp.int32(0)
    for j in range(E // L):
        sl = pl.ds(L * j, L)

        def acc_body(gp, tm, sl=sl):
            tot, mine = tm
            h = all_hist_v[gp, sl]
            return tot + h, mine + h * (gp < g).astype(jnp.int32)

        tot, mine = lax.fori_loop(
            0, NW, acc_body,
            (jnp.zeros((L,), jnp.int32), jnp.zeros((L,), jnp.int32)))
        tot_v[sl] = tot
        csum = plsc.cumsum(tot)
        off_v[sl] = mine + (csum - tot) + carry
        carry = carry + jnp.sum(tot)

    def rank_body(i, _):
        ev = _slot_vec(e_v, c * (CH // K), i, lane)
        cnt, last = plsc.scan_count(ev)
        base = plsc.load_gather(off_v, [ev])
        dest = base + cnt - 1
        plsc.addupdate_scatter(off_v, [ev], cnt, mask=last)
        sloc = i * L + lane
        t_loc = sloc >> 1
        row = (sloc & 1) * NCH + (t_loc // CC)
        plsc.store_scatter(dest_v, [row, t_loc & (CC - 1)], dest)
        return 0

    lax.fori_loop(0, NV, rank_body, 0)

    ssems = ((sem_e0, sem_o0), (sem_e1, sem_o1), (sem_e2, sem_o2))
    sh = [None] * NBUF
    for ch in range(NCH):
        p = ch % NBUF
        lh[p].wait()
        h_e = pltpu.async_copy(bufs[p], out_hbm.at[dest_v.at[ch]],
                               ssems[p][0])
        h_o = pltpu.async_copy(bufs[p], out_hbm.at[dest_v.at[NCH + ch]],
                               ssems[p][1])
        nxt = ch + NBUF - 1
        if nxt < NCH:
            q = nxt % NBUF
            if sh[q] is not None:
                sh[q][0].wait()
                sh[q][1].wait()
            lh[q] = _load(nxt)
        sh[p] = (h_e, h_o)

    @pl.when(g == 0)
    def _():
        pltpu.sync_copy(tot_v, splits_hbm)

    for p in range(NBUF):
        if sh[p] is not None:
            sh[p][0].wait()
            sh[p][1].wait()


def _combine_body(x_ref, w_ref, o_ref):
    wsum = jnp.sum(w_ref[...], axis=1, keepdims=True)
    o_ref[...] = x_ref[...] * wsum


def kernel(x, topk_indices, topk_weights):
    moe = pl.kernel(
        _moe_kernel,
        out_type=(jax.ShapeDtypeStruct((S, H), jnp.float32),
                  jax.ShapeDtypeStruct((E,), jnp.int32),
                  jax.ShapeDtypeStruct((NC, NW, E), jnp.int32)),
        mesh=plsc.VectorSubcoreMesh(**_mesh),
        compiler_params=pltpu.CompilerParams(needs_layout_passes=False),
        scratch_types=[
            pltpu.VMEM((CH, K), jnp.int32),
            pltpu.VMEM((E,), jnp.int32),
            pltpu.VMEM((E,), jnp.int32),
            pltpu.VMEM((NW, E), jnp.int32),
            pltpu.VMEM((E,), jnp.int32),
            pltpu.VMEM((E,), jnp.int32),
            pltpu.VMEM((2 * NCH, CC), jnp.int32),
            pltpu.VMEM((CC, H), jnp.float32),
            pltpu.VMEM((CC, H), jnp.float32),
            pltpu.VMEM((CC, H), jnp.float32),
        ] + [pltpu.SemaphoreType.DMA] * 12,
    )
    dispatched, splits, _ = moe(topk_indices, x)

    combined = pl.pallas_call(
        _combine_body,
        grid=(T // 512,),
        in_specs=[pl.BlockSpec((512, H), lambda i: (i, 0)),
                  pl.BlockSpec((512, K), lambda i: (i, 0))],
        out_specs=pl.BlockSpec((512, H), lambda i: (i, 0)),
        out_shape=jax.ShapeDtypeStruct((T, H), jnp.float32),
    )(x, topk_weights)

    return combined, dispatched, splits

# --- scband reference (transcript-rebuilt; emitter-appended) ---
"""Pipeline reference for scband-epall2-all-layer-15496242004360 (READ-ONLY COPY).

The authoritative reference and input builder live on the scoring server;
editing this copy changes nothing except your own understanding.
"""

import jax, jax.numpy as jnp
import numpy as np

MAX_TOKENS = 8192
HIDDEN = 1024
TOPK = 2
NUM_EXPERTS = 64


def setup_inputs(seed: int = 0) -> dict:
    key = jax.random.key(seed)
    k1, k2, k3 = jax.random.split(key, 3)
    x = jax.random.normal(k1, (MAX_TOKENS, HIDDEN), dtype=jnp.float32)
    topk_indices = jax.random.randint(k2, (MAX_TOKENS, TOPK), 0, NUM_EXPERTS, dtype=jnp.int32)
    topk_weights = jax.random.uniform(k3, (MAX_TOKENS, TOPK), dtype=jnp.float32)
    return {"x": x, "topk_indices": topk_indices, "topk_weights": topk_weights}


def reference(x, topk_indices, topk_weights):
    # Single-device emulation of EP all-to-all dispatch + combine.
    # dispatch: route each (token, topk-slot) pair to its expert bucket by
    # sorting on expert id (this is the permutation the a2a kernel realizes),
    # producing the expert-major dispatch_output_buf and per-expert splits.
    # combine: weighted scatter-add of dispatched tokens back to source slots.
    T, H = x.shape
    K = topk_indices.shape[1]
    flat_experts = topk_indices.reshape(-1)
    order = jnp.argsort(flat_experts)            # expert-major permutation
    token_ids = order // K                       # source token for each dispatched row
    dispatched = jnp.take(x, token_ids, axis=0)  # [T*K, H] dispatch_output_buf
    splits = jnp.bincount(flat_experts, length=NUM_EXPERTS)  # local_splits_buf
    w = jnp.take(topk_weights.reshape(-1), order)            # weight_recv_buf
    combined = jnp.zeros((T, H), dtype=x.dtype).at[token_ids].add(dispatched * w[:, None])
    return combined, dispatched, splits

if __name__ == "__main__":
    import jax
    _d = setup_inputs()
    print(jax.jit(kernel)(*tuple(_d.values())))

</pallas_src>

<mosaic_0001>
#map = affine_map<(d0, d1) -> (0, 0)>
#map1 = affine_map<(d0, d1) -> (0)>
#map2 = affine_map<(d0, d1) -> (0, 0, 0)>
module attributes {stable_mosaic.version = 14 : i64} {
  func.func @_moe_kernel(%arg0: i32, %arg1: i32, %arg2: memref<8192x2xi32, #tpu.memory_space<hbm>>, %arg3: memref<8192x1024xf32, #tpu.memory_space<hbm>>, %arg4: memref<16384x1024xf32, #tpu.memory_space<hbm>>, %arg5: memref<64xi32, #tpu.memory_space<hbm>>, %arg6: memref<2x32x64xi32, #tpu.memory_space<hbm>>, %arg7: memref<512x2xi32, #tpu.memory_space<vmem>>, %arg8: memref<64xi32, #tpu.memory_space<vmem>>, %arg9: memref<64xi32, #tpu.memory_space<vmem>>, %arg10: memref<32x64xi32, #tpu.memory_space<vmem>>, %arg11: memref<64xi32, #tpu.memory_space<vmem>>, %arg12: memref<64xi32, #tpu.memory_space<vmem>>, %arg13: memref<32x16xi32, #tpu.memory_space<vmem>>, %arg14: memref<16x1024xf32, #tpu.memory_space<vmem>>, %arg15: memref<16x1024xf32, #tpu.memory_space<vmem>>, %arg16: memref<16x1024xf32, #tpu.memory_space<vmem>>, %arg17: memref<!tpu.dma_semaphore, #tpu.memory_space<semaphore_mem>>, %arg18: memref<!tpu.dma_semaphore, #tpu.memory_space<semaphore_mem>>, %arg19: memref<!tpu.dma_semaphore, #tpu.memory_space<semaphore_mem>>, %arg20: memref<!tpu.dma_semaphore, #tpu.memory_space<semaphore_mem>>, %arg21: memref<!tpu.dma_semaphore, #tpu.memory_space<semaphore_mem>>, %arg22: memref<!tpu.dma_semaphore, #tpu.memory_space<semaphore_mem>>, %arg23: memref<!tpu.dma_semaphore, #tpu.memory_space<semaphore_mem>>, %arg24: memref<!tpu.dma_semaphore, #tpu.memory_space<semaphore_mem>>, %arg25: memref<!tpu.dma_semaphore, #tpu.memory_space<semaphore_mem>>, %arg26: memref<!tpu.dma_semaphore, #tpu.memory_space<semaphore_mem>>, %arg27: memref<!tpu.dma_semaphore, #tpu.memory_space<semaphore_mem>>, %arg28: memref<!tpu.dma_semaphore, #tpu.memory_space<semaphore_mem>>) attributes {dimension_semantics = [#tpu.dimension_semantics<core_parallel>, #tpu.dimension_semantics<subcore_parallel>], iteration_bounds = array<i64: 2, 16>, scalar_prefetch = 0 : i64, scratch_operands = 22 : i64, tpu.core_type = #tpu.core_type<sc_vector_subcore>, window_params = [{transform_indices = #map}, {transform_indices = #map}, {transform_indices = #map}, {transform_indices = #map1}, {transform_indices = #map2}]} {
    %mul3A = arith.constant 16 : i32
    %mul3A_0 = arith.muli %arg0, %mul3A : i32
    %add3A = arith.addi %mul3A_0, %arg1 : i32
    %iota3A = tpu.iota {dimensions = array<i32: 0>} : vector<16xi32>
    %mul3A_1 = arith.constant 256 : i32
    %mul3A_2 = arith.muli %add3A, %mul3A_1 : i32
    %add3A_3 = arith.constant 0 : i32
    %add3A_4 = arith.addi %mul3A_2, %add3A_3 : i32
    %dma_start3A = arith.constant 0 : i32
    %dma_start3A_5 = tpu.memref_slice %arg3[%add3A_4, %dma_start3A] : memref<8192x1024xf32, #tpu.memory_space<hbm>> -> memref<16x1024xf32, #tpu.memory_space<hbm>>
    %dma_start3A_6 = arith.constant 0 : i32
    %dma_start3A_7 = tpu.memref_slice %arg3[%add3A_4, %dma_start3A_6] : memref<8192x1024xf32, #tpu.memory_space<hbm>> -> memref<16x1024xf32, #tpu.memory_space<hbm>>
    tpu.enqueue_dma source(%dma_start3A_7 : memref<16x1024xf32, #tpu.memory_space<hbm>>) target(%arg14 : memref<16x1024xf32, #tpu.memory_space<vmem>>) target_semaphore(%arg23 : memref<!tpu.dma_semaphore, #tpu.memory_space<semaphore_mem>>)
    %mul3A_8 = arith.constant 256 : i32
    %mul3A_9 = arith.muli %add3A, %mul3A_8 : i32
    %add3A_10 = arith.constant 16 : i32
    %add3A_11 = arith.addi %mul3A_9, %add3A_10 : i32
    %dma_start3A_12 = arith.constant 0 : i32
    %dma_start3A_13 = tpu.memref_slice %arg3[%add3A_11, %dma_start3A_12] : memref<8192x1024xf32, #tpu.memory_space<hbm>> -> memref<16x1024xf32, #tpu.memory_space<hbm>>
    %dma_start3A_14 = arith.constant 0 : i32
    %dma_start3A_15 = tpu.memref_slice %arg3[%add3A_11, %dma_start3A_14] : memref<8192x1024xf32, #tpu.memory_space<hbm>> -> memref<16x1024xf32, #tpu.memory_space<hbm>>
    tpu.enqueue_dma source(%dma_start3A_15 : memref<16x1024xf32, #tpu.memory_space<hbm>>) target(%arg15 : memref<16x1024xf32, #tpu.memory_space<vmem>>) target_semaphore(%arg24 : memref<!tpu.dma_semaphore, #tpu.memory_space<semaphore_mem>>)
    %mul3A_16 = arith.constant 256 : i32
    %mul3A_17 = arith.muli %arg1, %mul3A_16 : i32
    %dma_start3A_18 = arith.constant 0 : i32
    %dma_start3A_19 = arith.constant 0 : i32
    %dma_start3A_20 = tpu.memref_slice %arg7[%dma_start3A_18, %dma_start3A_19] : memref<512x2xi32, #tpu.memory_space<vmem>> -> memref<256x2xi32, #tpu.memory_space<vmem>>
    %dma_start3A_21 = arith.constant 0 : i32
    %dma_start3A_22 = tpu.memref_slice %arg2[%mul3A_17, %dma_start3A_21] : memref<8192x2xi32, #tpu.memory_space<hbm>> -> memref<256x2xi32, #tpu.memory_space<hbm>>
    %dma_start3A_23 = arith.constant 0 : i32
    %dma_start3A_24 = arith.constant 0 : i32
    %dma_start3A_25 = tpu.memref_slice %arg7[%dma_start3A_23, %dma_start3A_24] : memref<512x2xi32, #tpu.memory_space<vmem>> -> memref<256x2xi32, #tpu.memory_space<vmem>>
    %dma_start3A_26 = arith.constant 0 : i32
    %dma_start3A_27 = tpu.memref_slice %arg2[%mul3A_17, %dma_start3A_26] : memref<8192x2xi32, #tpu.memory_space<hbm>> -> memref<256x2xi32, #tpu.memory_space<hbm>>
    tpu.enqueue_dma source(%dma_start3A_27 : memref<256x2xi32, #tpu.memory_space<hbm>>) target(%dma_start3A_25 : memref<256x2xi32, #tpu.memory_space<vmem>>) target_semaphore(%arg26 : memref<!tpu.dma_semaphore, #tpu.memory_space<semaphore_mem>>)
    %add3A_28 = arith.constant 16 : i32
    %add3A_29 = arith.addi %arg1, %add3A_28 : i32
    %mul3A_30 = arith.constant 256 : i32
    %mul3A_31 = arith.muli %add3A_29, %mul3A_30 : i32
    %dma_start3A_32 = arith.constant 256 : i32
    %dma_start3A_33 = arith.constant 0 : i32
    %dma_start3A_34 = tpu.memref_slice %arg7[%dma_start3A_32, %dma_start3A_33] : memref<512x2xi32, #tpu.memory_space<vmem>> -> memref<256x2xi32, #tpu.memory_space<vmem>>
    %dma_start3A_35 = arith.constant 0 : i32
    %dma_start3A_36 = tpu.memref_slice %arg2[%mul3A_31, %dma_start3A_35] : memref<8192x2xi32, #tpu.memory_space<hbm>> -> memref<256x2xi32, #tpu.memory_space<hbm>>
    %dma_start3A_37 = arith.constant 256 : i32
    %dma_start3A_38 = arith.constant 0 : i32
    %dma_start3A_39 = tpu.memref_slice %arg7[%dma_start3A_37, %dma_start3A_38] : memref<512x2xi32, #tpu.memory_space<vmem>> -> memref<256x2xi32, #tpu.memory_space<vmem>>
    %dma_start3A_40 = arith.constant 0 : i32
    %dma_start3A_41 = tpu.memref_slice %arg2[%mul3A_31, %dma_start3A_40] : memref<8192x2xi32, #tpu.memory_space<hbm>> -> memref<256x2xi32, #tpu.memory_space<hbm>>
    tpu.enqueue_dma source(%dma_start3A_41 : memref<256x2xi32, #tpu.memory_space<hbm>>) target(%dma_start3A_39 : memref<256x2xi32, #tpu.memory_space<vmem>>) target_semaphore(%arg27 : memref<!tpu.dma_semaphore, #tpu.memory_space<semaphore_mem>>)
    %dma_wait3A = arith.constant 0 : i32
    %dma_wait3A_42 = arith.constant 0 : i32
    %dma_wait3A_43 = tpu.memref_slice %arg7[%dma_wait3A, %dma_wait3A_42] : memref<512x2xi32, #tpu.memory_space<vmem>> -> memref<256x2xi32, #tpu.memory_space<vmem>>
    %dma_wait3A_44 = arith.constant 0 : i32
    %dma_wait3A_45 = tpu.memref_slice %arg2[%mul3A_17, %dma_wait3A_44] : memref<8192x2xi32, #tpu.memory_space<hbm>> -> memref<256x2xi32, #tpu.memory_space<hbm>>
    %dma_wait3A_46 = arith.constant 0 : i32
    %dma_wait3A_47 = arith.constant 0 : i32
    %dma_wait3A_48 = tpu.memref_slice %arg7[%dma_wait3A_46, %dma_wait3A_47] : memref<512x2xi32, #tpu.memory_space<vmem>> -> memref<256x2xi32, #tpu.memory_space<vmem>>
    %dma_wait3A_49 = arith.constant 0 : i32
    %dma_wait3A_50 = tpu.memref_slice %arg2[%mul3A_17, %dma_wait3A_49] : memref<8192x2xi32, #tpu.memory_space<hbm>> -> memref<256x2xi32, #tpu.memory_space<hbm>>
    tpu.wait_dma2 semaphore(%arg26 : memref<!tpu.dma_semaphore, #tpu.memory_space<semaphore_mem>>) src(%dma_wait3A_50 : memref<256x2xi32, #tpu.memory_space<hbm>>) dst(%dma_wait3A_48 : memref<256x2xi32, #tpu.memory_space<vmem>>)
    %dma_wait3A_51 = arith.constant 256 : i32
    %dma_wait3A_52 = arith.constant 0 : i32
    %dma_wait3A_53 = tpu.memref_slice %arg7[%dma_wait3A_51, %dma_wait3A_52] : memref<512x2xi32, #tpu.memory_space<vmem>> -> memref<256x2xi32, #tpu.memory_space<vmem>>
    %dma_wait3A_54 = arith.constant 0 : i32
    %dma_wait3A_55 = tpu.memref_slice %arg2[%mul3A_31, %dma_wait3A_54] : memref<8192x2xi32, #tpu.memory_space<hbm>> -> memref<256x2xi32, #tpu.memory_space<hbm>>
    %dma_wait3A_56 = arith.constant 256 : i32
    %dma_wait3A_57 = arith.constant 0 : i32
    %dma_wait3A_58 = tpu.memref_slice %arg7[%dma_wait3A_56, %dma_wait3A_57] : memref<512x2xi32, #tpu.memory_space<vmem>> -> memref<256x2xi32, #tpu.memory_space<vmem>>
    %dma_wait3A_59 = arith.constant 0 : i32
    %dma_wait3A_60 = tpu.memref_slice %arg2[%mul3A_31, %dma_wait3A_59] : memref<8192x2xi32, #tpu.memory_space<hbm>> -> memref<256x2xi32, #tpu.memory_space<hbm>>
    tpu.wait_dma2 semaphore(%arg27 : memref<!tpu.dma_semaphore, #tpu.memory_space<semaphore_mem>>) src(%dma_wait3A_60 : memref<256x2xi32, #tpu.memory_space<hbm>>) dst(%dma_wait3A_58 : memref<256x2xi32, #tpu.memory_space<vmem>>)
    %broadcast_in_dim3A = arith.constant 0 : i32
    %broadcast_in_dim3A_61 = vector.broadcast %broadcast_in_dim3A : i32 to vector<16xi32>
    %swap3A = arith.constant 0 : index
    %swap3A_62 = tpu.vector_load %arg8[%swap3A] {strides = array<i32>} : memref<64xi32, #tpu.memory_space<vmem>>, vector<16xi32>,
    tpu.vector_store %arg8[%swap3A], %broadcast_in_dim3A_61 {strides = array<i32>} : memref<64xi32, #tpu.memory_space<vmem>>, vector<16xi32>,
    %swap3A_63 = arith.constant 16 : index
    %swap3A_64 = tpu.vector_load %arg8[%swap3A_63] {strides = array<i32>} : memref<64xi32, #tpu.memory_space<vmem>>, vector<16xi32>,
    tpu.vector_store %arg8[%swap3A_63], %broadcast_in_dim3A_61 {strides = array<i32>} : memref<64xi32, #tpu.memory_space<vmem>>, vector<16xi32>,
    %swap3A_65 = arith.constant 32 : index
    %swap3A_66 = tpu.vector_load %arg8[%swap3A_65] {strides = array<i32>} : memref<64xi32, #tpu.memory_space<vmem>>, vector<16xi32>,
    tpu.vector_store %arg8[%swap3A_65], %broadcast_in_dim3A_61 {strides = array<i32>} : memref<64xi32, #tpu.memory_space<vmem>>, vector<16xi32>,
    %swap3A_67 = arith.constant 48 : index
    %swap3A_68 = tpu.vector_load %arg8[%swap3A_67] {strides = array<i32>} : memref<64xi32, #tpu.memory_space<vmem>>, vector<16xi32>,
    tpu.vector_store %arg8[%swap3A_67], %broadcast_in_dim3A_61 {strides = array<i32>} : memref<64xi32, #tpu.memory_space<vmem>>, vector<16xi32>,
    %scan3A = arith.constant 0 : i32
    %scan3A_69 = arith.constant 0 : i32
    %scan3A_70 = arith.constant 32 : i32
    %scan3A_71 = arith.addi %scan3A_69, %scan3A_70 : i32
    %scan3A_72 = arith.constant 1 : i32
    %scan3A_73 = scf.for %scan3A_852 = %scan3A_69 to %scan3A_71 step %scan3A_72 iter_args(%scan3A_853 = %scan3A) -> (i32)  : i32 {
      %mul3A_854 = arith.constant 16 : i32
      %mul3A_855 = arith.muli %scan3A_852, %mul3A_854 : i32
      %add3A_856 = vector.broadcast %mul3A_855 : i32 to vector<16xi32>
      %add3A_857 = arith.addi %add3A_856, %iota3A : vector<16xi32>
      %shift_right_arithmetic3A = arith.constant 1 : i32
      %shift_right_arithmetic3A_858 = vector.broadcast %shift_right_arithmetic3A : i32 to vector<16xi32>
      %shift_right_arithmetic3A_859 = arith.shrsi %add3A_857, %shift_right_arithmetic3A_858 : vector<16xi32>
      %add3A_860 = arith.constant 0 : i32
      %add3A_861 = vector.broadcast %add3A_860 : i32 to vector<16xi32>
      %add3A_862 = arith.addi %add3A_861, %shift_right_arithmetic3A_859 : vector<16xi32>
      %and3A = arith.constant 1 : i32
      %and3A_863 = vector.broadcast %and3A : i32 to vector<16xi32>
      %and3A_864 = arith.andi %add3A_857, %and3A_863 : vector<16xi32>
      %gather3A = tpu.vector_load_idx %arg7[%add3A_862, %and3A_864] : memref<512x2xi32, #tpu.memory_space<vmem>>[vector<16xi32>, vector<16xi32>], vector<16xi32>,
      %broadcast_in_dim3A_865 = arith.constant true
      %broadcast_in_dim3A_866 = vector.broadcast %broadcast_in_dim3A_865 : i1 to vector<16xi1>
      %unique3A, %unique3A_867 = tpu.scan_count mask(%broadcast_in_dim3A_866 : vector<16xi1>) value(%gather3A : vector<16xi32>) : vector<16xi1>, vector<16xi32>
      tpu.vector_store_idx %arg8[%gather3A], %unique3A_867 masked %unique3A {add = true} : memref<64xi32, #tpu.memory_space<vmem>>[vector<16xi32>], vector<16xi32>, vector<16xi1>
      %scan3A_868 = arith.constant 0 : i32
      scf.yield %scan3A_868 : i32
    }
    %scan3A_74 = arith.constant 32 : i32
    %dma_start3A_75 = arith.constant 0 : i32
    %dma_start3A_76 = tpu.memref_slice %arg6[%arg0, %arg1, %dma_start3A_75] : memref<2x32x64xi32, #tpu.memory_space<hbm>> -> memref<1x1x64xi32, #tpu.memory_space<hbm>>
    %dma_start3A_77 = tpu.memref_squeeze %dma_start3A_76 : memref<1x1x64xi32, #tpu.memory_space<hbm>> -> memref<64xi32, #tpu.memory_space<hbm>>
    %dma_start3A_78 = arith.constant 0 : i32
    %dma_start3A_79 = tpu.memref_slice %arg6[%arg0, %arg1, %dma_start3A_78] : memref<2x32x64xi32, #tpu.memory_space<hbm>> -> memref<1x1x64xi32, #tpu.memory_space<hbm>>
    %dma_start3A_80 = tpu.memref_squeeze %dma_start3A_79 : memref<1x1x64xi32, #tpu.memory_space<hbm>> -> memref<64xi32, #tpu.memory_space<hbm>>
    tpu.enqueue_dma source(%arg8 : memref<64xi32, #tpu.memory_space<vmem>>) target(%dma_start3A_80 : memref<64xi32, #tpu.memory_space<hbm>>) target_semaphore(%arg28 : memref<!tpu.dma_semaphore, #tpu.memory_space<semaphore_mem>>)
    %swap3A_81 = arith.constant 0 : index
    %swap3A_82 = tpu.vector_load %arg9[%swap3A_81] {strides = array<i32>} : memref<64xi32, #tpu.memory_space<vmem>>, vector<16xi32>,
    tpu.vector_store %arg9[%swap3A_81], %broadcast_in_dim3A_61 {strides = array<i32>} : memref<64xi32, #tpu.memory_space<vmem>>, vector<16xi32>,
    %swap3A_83 = arith.constant 16 : index
    %swap3A_84 = tpu.vector_load %arg9[%swap3A_83] {strides = array<i32>} : memref<64xi32, #tpu.memory_space<vmem>>, vector<16xi32>,
    tpu.vector_store %arg9[%swap3A_83], %broadcast_in_dim3A_61 {strides = array<i32>} : memref<64xi32, #tpu.memory_space<vmem>>, vector<16xi32>,
    %swap3A_85 = arith.constant 32 : index
    %swap3A_86 = tpu.vector_load %arg9[%swap3A_85] {strides = array<i32>} : memref<64xi32, #tpu.memory_space<vmem>>, vector<16xi32>,
    tpu.vector_store %arg9[%swap3A_85], %broadcast_in_dim3A_61 {strides = array<i32>} : memref<64xi32, #tpu.memory_space<vmem>>, vector<16xi32>,
    %swap3A_87 = arith.constant 48 : index
    %swap3A_88 = tpu.vector_load %arg9[%swap3A_87] {strides = array<i32>} : memref<64xi32, #tpu.memory_space<vmem>>, vector<16xi32>,
    tpu.vector_store %arg9[%swap3A_87], %broadcast_in_dim3A_61 {strides = array<i32>} : memref<64xi32, #tpu.memory_space<vmem>>, vector<16xi32>,
    %scan3A_89 = arith.constant 0 : i32
    %scan3A_90 = arith.constant 0 : i32
    %scan3A_91 = arith.constant 32 : i32
    %scan3A_92 = arith.addi %scan3A_90, %scan3A_91 : i32
    %scan3A_93 = arith.constant 1 : i32
    %scan3A_94 = scf.for %scan3A_852 = %scan3A_90 to %scan3A_92 step %scan3A_93 iter_args(%scan3A_853 = %scan3A_89) -> (i32)  : i32 {
      %mul3A_854 = arith.constant 16 : i32
      %mul3A_855 = arith.muli %scan3A_852, %mul3A_854 : i32
      %add3A_856 = vector.broadcast %mul3A_855 : i32 to vector<16xi32>
      %add3A_857 = arith.addi %add3A_856, %iota3A : vector<16xi32>
      %shift_right_arithmetic3A = arith.constant 1 : i32
      %shift_right_arithmetic3A_858 = vector.broadcast %shift_right_arithmetic3A : i32 to vector<16xi32>
      %shift_right_arithmetic3A_859 = arith.shrsi %add3A_857, %shift_right_arithmetic3A_858 : vector<16xi32>
      %add3A_860 = arith.constant 256 : i32
      %add3A_861 = vector.broadcast %add3A_860 : i32 to vector<16xi32>
      %add3A_862 = arith.addi %add3A_861, %shift_right_arithmetic3A_859 : vector<16xi32>
      %and3A = arith.constant 1 : i32
      %and3A_863 = vector.broadcast %and3A : i32 to vector<16xi32>
      %and3A_864 = arith.andi %add3A_857, %and3A_863 : vector<16xi32>
      %gather3A = tpu.vector_load_idx %arg7[%add3A_862, %and3A_864] : memref<512x2xi32, #tpu.memory_space<vmem>>[vector<16xi32>, vector<16xi32>], vector<16xi32>,
      %broadcast_in_dim3A_865 = arith.constant true
      %broadcast_in_dim3A_866 = vector.broadcast %broadcast_in_dim3A_865 : i1 to vector<16xi1>
      %unique3A, %unique3A_867 = tpu.scan_count mask(%broadcast_in_dim3A_866 : vector<16xi1>) value(%gather3A : vector<16xi32>) : vector<16xi1>, vector<16xi32>
      tpu.vector_store_idx %arg9[%gather3A], %unique3A_867 masked %unique3A {add = true} : memref<64xi32, #tpu.memory_space<vmem>>[vector<16xi32>], vector<16xi32>, vector<16xi1>
      %scan3A_868 = arith.constant 0 : i32
      scf.yield %scan3A_868 : i32
    }
    %scan3A_95 = arith.constant 32 : i32
    %add3A_96 = arith.constant 16 : i32
    %add3A_97 = arith.addi %arg1, %add3A_96 : i32
    %dma_start3A_98 = arith.constant 0 : i32
    %dma_start3A_99 = tpu.memref_slice %arg6[%arg0, %add3A_97, %dma_start3A_98] : memref<2x32x64xi32, #tpu.memory_space<hbm>> -> memref<1x1x64xi32, #tpu.memory_space<hbm>>
    %dma_start3A_100 = tpu.memref_squeeze %dma_start3A_99 : memref<1x1x64xi32, #tpu.memory_space<hbm>> -> memref<64xi32, #tpu.memory_space<hbm>>
    %dma_start3A_101 = arith.constant 0 : i32
    %dma_start3A_102 = tpu.memref_slice %arg6[%arg0, %add3A_97, %dma_start3A_101] : memref<2x32x64xi32, #tpu.memory_space<hbm>> -> memref<1x1x64xi32, #tpu.memory_space<hbm>>
    %dma_start3A_103 = tpu.memref_squeeze %dma_start3A_102 : memref<1x1x64xi32, #tpu.memory_space<hbm>> -> memref<64xi32, #tpu.memory_space<hbm>>
    tpu.enqueue_dma source(%arg9 : memref<64xi32, #tpu.memory_space<vmem>>) target(%dma_start3A_103 : memref<64xi32, #tpu.memory_space<hbm>>) target_semaphore(%arg28 : memref<!tpu.dma_semaphore, #tpu.memory_space<semaphore_mem>>)
    %dma_wait3A_104 = arith.constant 0 : i32
    %dma_wait3A_105 = tpu.memref_slice %arg6[%arg0, %arg1, %dma_wait3A_104] : memref<2x32x64xi32, #tpu.memory_space<hbm>> -> memref<1x1x64xi32, #tpu.memory_space<hbm>>
    %dma_wait3A_106 = tpu.memref_squeeze %dma_wait3A_105 : memref<1x1x64xi32, #tpu.memory_space<hbm>> -> memref<64xi32, #tpu.memory_space<hbm>>
    %dma_wait3A_107 = arith.constant 0 : i32
    %dma_wait3A_108 = tpu.memref_slice %arg6[%arg0, %arg1, %dma_wait3A_107] : memref<2x32x64xi32, #tpu.memory_space<hbm>> -> memref<1x1x64xi32, #tpu.memory_space<hbm>>
    %dma_wait3A_109 = tpu.memref_squeeze %dma_wait3A_108 : memref<1x1x64xi32, #tpu.memory_space<hbm>> -> memref<64xi32, #tpu.memory_space<hbm>>
    tpu.wait_dma2 semaphore(%arg28 : memref<!tpu.dma_semaphore, #tpu.memory_space<semaphore_mem>>) src(%arg8 : memref<64xi32, #tpu.memory_space<vmem>>) dst(%dma_wait3A_109 : memref<64xi32, #tpu.memory_space<hbm>>)
    %dma_wait3A_110 = arith.constant 0 : i32
    %dma_wait3A_111 = tpu.memref_slice %arg6[%arg0, %add3A_97, %dma_wait3A_110] : memref<2x32x64xi32, #tpu.memory_space<hbm>> -> memref<1x1x64xi32, #tpu.memory_space<hbm>>
    %dma_wait3A_112 = tpu.memref_squeeze %dma_wait3A_111 : memref<1x1x64xi32, #tpu.memory_space<hbm>> -> memref<64xi32, #tpu.memory_space<hbm>>
    %dma_wait3A_113 = arith.constant 0 : i32
    %dma_wait3A_114 = tpu.memref_slice %arg6[%arg0, %add3A_97, %dma_wait3A_113] : memref<2x32x64xi32, #tpu.memory_space<hbm>> -> memref<1x1x64xi32, #tpu.memory_space<hbm>>
    %dma_wait3A_115 = tpu.memref_squeeze %dma_wait3A_114 : memref<1x1x64xi32, #tpu.memory_space<hbm>> -> memref<64xi32, #tpu.memory_space<hbm>>
    tpu.wait_dma2 semaphore(%arg28 : memref<!tpu.dma_semaphore, #tpu.memory_space<semaphore_mem>>) src(%arg9 : memref<64xi32, #tpu.memory_space<vmem>>) dst(%dma_wait3A_115 : memref<64xi32, #tpu.memory_space<hbm>>)
    %barrier3A = arith.constant 0 : index
    tpu.barrier barrier_id(%barrier3A)
    "tpu.region"() ({
      %run_scoped3A = tpu.sem_alloc : memref<!tpu.dma_semaphore, #tpu.memory_space<semaphore_mem>>
      %dma_start3A_852 = arith.constant 0 : i32
      %dma_start3A_853 = arith.constant 0 : i32
      %dma_start3A_854 = tpu.memref_slice %arg6[%arg0, %dma_start3A_852, %dma_start3A_853] : memref<2x32x64xi32, #tpu.memory_space<hbm>> -> memref<1x32x64xi32, #tpu.memory_space<hbm>>
      %dma_start3A_855 = tpu.memref_squeeze %dma_start3A_854 : memref<1x32x64xi32, #tpu.memory_space<hbm>> -> memref<32x64xi32, #tpu.memory_space<hbm>>
      %dma_start3A_856 = arith.constant 0 : i32
      %dma_start3A_857 = arith.constant 0 : i32
      %dma_start3A_858 = tpu.memref_slice %arg6[%arg0, %dma_start3A_856, %dma_start3A_857] : memref<2x32x64xi32, #tpu.memory_space<hbm>> -> memref<1x32x64xi32, #tpu.memory_space<hbm>>
      %dma_start3A_859 = tpu.memref_squeeze %dma_start3A_858 : memref<1x32x64xi32, #tpu.memory_space<hbm>> -> memref<32x64xi32, #tpu.memory_space<hbm>>
      tpu.enqueue_dma source(%dma_start3A_859 : memref<32x64xi32, #tpu.memory_space<hbm>>) target(%arg10 : memref<32x64xi32, #tpu.memory_space<vmem>>) target_semaphore(%run_scoped3A : memref<!tpu.dma_semaphore, #tpu.memory_space<semaphore_mem>>)
      %dma_wait3A_860 = arith.constant 0 : i32
      %dma_wait3A_861 = arith.constant 0 : i32
      %dma_wait3A_862 = tpu.memref_slice %arg6[%arg0, %dma_wait3A_860, %dma_wait3A_861] : memref<2x32x64xi32, #tpu.memory_space<hbm>> -> memref<1x32x64xi32, #tpu.memory_space<hbm>>
      %dma_wait3A_863 = tpu.memref_squeeze %dma_wait3A_862 : memref<1x32x64xi32, #tpu.memory_space<hbm>> -> memref<32x64xi32, #tpu.memory_space<hbm>>
      %dma_wait3A_864 = arith.constant 0 : i32
      %dma_wait3A_865 = arith.constant 0 : i32
      %dma_wait3A_866 = tpu.memref_slice %arg6[%arg0, %dma_wait3A_864, %dma_wait3A_865] : memref<2x32x64xi32, #tpu.memory_space<hbm>> -> memref<1x32x64xi32, #tpu.memory_space<hbm>>
      %dma_wait3A_867 = tpu.memref_squeeze %dma_wait3A_866 : memref<1x32x64xi32, #tpu.memory_space<hbm>> -> memref<32x64xi32, #tpu.memory_space<hbm>>
      tpu.wait_dma2 semaphore(%run_scoped3A : memref<!tpu.dma_semaphore, #tpu.memory_space<semaphore_mem>>) src(%dma_wait3A_867 : memref<32x64xi32, #tpu.memory_space<hbm>>) dst(%arg10 : memref<32x64xi32, #tpu.memory_space<vmem>>)
      tpu.yield
    }) : () -> ()
    %broadcast_in_dim3A_116 = arith.constant 0 : i32
    %broadcast_in_dim3A_117 = vector.broadcast %broadcast_in_dim3A_116 : i32 to vector<16xi32>
    %broadcast_in_dim3A_118 = arith.constant 0 : i32
    %broadcast_in_dim3A_119 = vector.broadcast %broadcast_in_dim3A_118 : i32 to vector<16xi32>
    %scan3A_120 = arith.constant 0 : i32
    %scan3A_121 = arith.constant 32 : i32
    %scan3A_122 = arith.addi %scan3A_120, %scan3A_121 : i32
    %scan3A_123 = arith.constant 1 : i32
    %scan3A_124:2 = scf.for %scan3A_852 = %scan3A_120 to %scan3A_122 step %scan3A_123 iter_args(%scan3A_853 = %broadcast_in_dim3A_117, %scan3A_854 = %broadcast_in_dim3A_119) -> (vector<16xi32>, vector<16xi32>)  : i32 {
      %get3A = arith.index_cast %scan3A_852 : i32 to index
      %get3A_855 = arith.constant 0 : index
      %get3A_856 = tpu.vector_load %arg10[%get3A, %get3A_855] {strides = array<i32>} : memref<32x64xi32, #tpu.memory_space<vmem>>, vector<16xi32>,
      %add3A_857 = arith.addi %scan3A_853, %get3A_856 : vector<16xi32>
      %lt3A = arith.cmpi slt, %scan3A_852, %add3A : i32
      %convert_element_type3A_858 = arith.extui %lt3A : i1 to i32
      %mul3A_859 = vector.broadcast %convert_element_type3A_858 : i32 to vector<16xi32>
      %mul3A_860 = arith.muli %get3A_856, %mul3A_859 : vector<16xi32>
      %add3A_861 = arith.addi %scan3A_854, %mul3A_860 : vector<16xi32>
      scf.yield %add3A_857, %add3A_861 : vector<16xi32>, vector<16xi32>
    }
    %scan3A_125 = arith.constant 32 : i32
    %swap3A_126 = arith.constant 0 : index
    %swap3A_127 = tpu.vector_load %arg11[%swap3A_126] {strides = array<i32>} : memref<64xi32, #tpu.memory_space<vmem>>, vector<16xi32>,
    tpu.vector_store %arg11[%swap3A_126], %scan3A_124#0 {strides = array<i32>} : memref<64xi32, #tpu.memory_space<vmem>>, vector<16xi32>,
    %broadcast_in_dim3A_128 = arith.constant true
    %broadcast_in_dim3A_129 = vector.broadcast %broadcast_in_dim3A_128 : i1 to vector<16xi1>
    %masked_cumsum3A = tpu.scan <sum>, %scan3A_124#0 masked %broadcast_in_dim3A_129 : vector<16xi32>, vector<16xi1> -> vector<16xi32>
    %sub3A = arith.subi %masked_cumsum3A, %scan3A_124#0 : vector<16xi32>
    %add3A_130 = arith.addi %scan3A_124#1, %sub3A : vector<16xi32>
    %add3A_131 = arith.constant 0 : i32
    %add3A_132 = vector.broadcast %add3A_131 : i32 to vector<16xi32>
    %add3A_133 = arith.addi %add3A_130, %add3A_132 : vector<16xi32>
    %swap3A_134 = arith.constant 0 : index
    %swap3A_135 = tpu.vector_load %arg12[%swap3A_134] {strides = array<i32>} : memref<64xi32, #tpu.memory_space<vmem>>, vector<16xi32>,
    tpu.vector_store %arg12[%swap3A_134], %add3A_133 {strides = array<i32>} : memref<64xi32, #tpu.memory_space<vmem>>, vector<16xi32>,
    %reduce_sum3A = arith.constant true
    %reduce_sum3A_136 = vector.broadcast %reduce_sum3A : i1 to vector<16xi1>
    %reduce_sum3A_137 = tpu.scan <sum>, %scan3A_124#0 masked %reduce_sum3A_136 : vector<16xi32>, vector<16xi1> -> vector<16xi32>
    %reduce_sum3A_138 = vector.extract %reduce_sum3A_137[15] : i32 from vector<16xi32>
    %add3A_139 = arith.constant 0 : i32
    %add3A_140 = arith.addi %add3A_139, %reduce_sum3A_138 : i32
    %broadcast_in_dim3A_141 = arith.constant 0 : i32
    %broadcast_in_dim3A_142 = vector.broadcast %broadcast_in_dim3A_141 : i32 to vector<16xi32>
    %broadcast_in_dim3A_143 = arith.constant 0 : i32
    %broadcast_in_dim3A_144 = vector.broadcast %broadcast_in_dim3A_143 : i32 to vector<16xi32>
    %scan3A_145 = arith.constant 0 : i32
    %scan3A_146 = arith.constant 32 : i32
    %scan3A_147 = arith.addi %scan3A_145, %scan3A_146 : i32
    %scan3A_148 = arith.constant 1 : i32
    %scan3A_149:2 = scf.for %scan3A_852 = %scan3A_145 to %scan3A_147 step %scan3A_148 iter_args(%scan3A_853 = %broadcast_in_dim3A_142, %scan3A_854 = %broadcast_in_dim3A_144) -> (vector<16xi32>, vector<16xi32>)  : i32 {
      %get3A = arith.index_cast %scan3A_852 : i32 to index
      %get3A_855 = arith.constant 16 : index
      %get3A_856 = tpu.vector_load %arg10[%get3A, %get3A_855] {strides = array<i32>} : memref<32x64xi32, #tpu.memory_space<vmem>>, vector<16xi32>,
      %add3A_857 = arith.addi %scan3A_853, %get3A_856 : vector<16xi32>
      %lt3A = arith.cmpi slt, %scan3A_852, %add3A : i32
      %convert_element_type3A_858 = arith.extui %lt3A : i1 to i32
      %mul3A_859 = vector.broadcast %convert_element_type3A_858 : i32 to vector<16xi32>
      %mul3A_860 = arith.muli %get3A_856, %mul3A_859 : vector<16xi32>
      %add3A_861 = arith.addi %scan3A_854, %mul3A_860 : vector<16xi32>
      scf.yield %add3A_857, %add3A_861 : vector<16xi32>, vector<16xi32>
    }
    %scan3A_150 = arith.constant 32 : i32
    %swap3A_151 = arith.constant 16 : index
    %swap3A_152 = tpu.vector_load %arg11[%swap3A_151] {strides = array<i32>} : memref<64xi32, #tpu.memory_space<vmem>>, vector<16xi32>,
    tpu.vector_store %arg11[%swap3A_151], %scan3A_149#0 {strides = array<i32>} : memref<64xi32, #tpu.memory_space<vmem>>, vector<16xi32>,
    %broadcast_in_dim3A_153 = arith.constant true
    %broadcast_in_dim3A_154 = vector.broadcast %broadcast_in_dim3A_153 : i1 to vector<16xi1>
    %masked_cumsum3A_155 = tpu.scan <sum>, %scan3A_149#0 masked %broadcast_in_dim3A_154 : vector<16xi32>, vector<16xi1> -> vector<16xi32>
    %sub3A_156 = arith.subi %masked_cumsum3A_155, %scan3A_149#0 : vector<16xi32>
    %add3A_157 = arith.addi %scan3A_149#1, %sub3A_156 : vector<16xi32>
    %add3A_158 = vector.broadcast %add3A_140 : i32 to vector<16xi32>
    %add3A_159 = arith.addi %add3A_157, %add3A_158 : vector<16xi32>
    %swap3A_160 = arith.constant 16 : index
    %swap3A_161 = tpu.vector_load %arg12[%swap3A_160] {strides = array<i32>} : memref<64xi32, #tpu.memory_space<vmem>>, vector<16xi32>,
    tpu.vector_store %arg12[%swap3A_160], %add3A_159 {strides = array<i32>} : memref<64xi32, #tpu.memory_space<vmem>>, vector<16xi32>,
    %reduce_sum3A_162 = arith.constant true
    %reduce_sum3A_163 = vector.broadcast %reduce_sum3A_162 : i1 to vector<16xi1>
    %reduce_sum3A_164 = tpu.scan <sum>, %scan3A_149#0 masked %reduce_sum3A_163 : vector<16xi32>, vector<16xi1> -> vector<16xi32>
    %reduce_sum3A_165 = vector.extract %reduce_sum3A_164[15] : i32 from vector<16xi32>
    %add3A_166 = arith.addi %add3A_140, %reduce_sum3A_165 : i32
    %broadcast_in_dim3A_167 = arith.constant 0 : i32
    %broadcast_in_dim3A_168 = vector.broadcast %broadcast_in_dim3A_167 : i32 to vector<16xi32>
    %broadcast_in_dim3A_169 = arith.constant 0 : i32
    %broadcast_in_dim3A_170 = vector.broadcast %broadcast_in_dim3A_169 : i32 to vector<16xi32>
    %scan3A_171 = arith.constant 0 : i32
    %scan3A_172 = arith.constant 32 : i32
    %scan3A_173 = arith.addi %scan3A_171, %scan3A_172 : i32
    %scan3A_174 = arith.constant 1 : i32
    %scan3A_175:2 = scf.for %scan3A_852 = %scan3A_171 to %scan3A_173 step %scan3A_174 iter_args(%scan3A_853 = %broadcast_in_dim3A_168, %scan3A_854 = %broadcast_in_dim3A_170) -> (vector<16xi32>, vector<16xi32>)  : i32 {
      %get3A = arith.index_cast %scan3A_852 : i32 to index
      %get3A_855 = arith.constant 32 : index
      %get3A_856 = tpu.vector_load %arg10[%get3A, %get3A_855] {strides = array<i32>} : memref<32x64xi32, #tpu.memory_space<vmem>>, vector<16xi32>,
      %add3A_857 = arith.addi %scan3A_853, %get3A_856 : vector<16xi32>
      %lt3A = arith.cmpi slt, %scan3A_852, %add3A : i32
      %convert_element_type3A_858 = arith.extui %lt3A : i1 to i32
      %mul3A_859 = vector.broadcast %convert_element_type3A_858 : i32 to vector<16xi32>
      %mul3A_860 = arith.muli %get3A_856, %mul3A_859 : vector<16xi32>
      %add3A_861 = arith.addi %scan3A_854, %mul3A_860 : vector<16xi32>
      scf.yield %add3A_857, %add3A_861 : vector<16xi32>, vector<16xi32>
    }
    %scan3A_176 = arith.constant 32 : i32
    %swap3A_177 = arith.constant 32 : index
    %swap3A_178 = tpu.vector_load %arg11[%swap3A_177] {strides = array<i32>} : memref<64xi32, #tpu.memory_space<vmem>>, vector<16xi32>,
    tpu.vector_store %arg11[%swap3A_177], %scan3A_175#0 {strides = array<i32>} : memref<64xi32, #tpu.memory_space<vmem>>, vector<16xi32>,
    %broadcast_in_dim3A_179 = arith.constant true
    %broadcast_in_dim3A_180 = vector.broadcast %broadcast_in_dim3A_179 : i1 to vector<16xi1>
    %masked_cumsum3A_181 = tpu.scan <sum>, %scan3A_175#0 masked %broadcast_in_dim3A_180 : vector<16xi32>, vector<16xi1> -> vector<16xi32>
    %sub3A_182 = arith.subi %masked_cumsum3A_181, %scan3A_175#0 : vector<16xi32>
    %add3A_183 = arith.addi %scan3A_175#1, %sub3A_182 : vector<16xi32>
    %add3A_184 = vector.broadcast %add3A_166 : i32 to vector<16xi32>
    %add3A_185 = arith.addi %add3A_183, %add3A_184 : vector<16xi32>
    %swap3A_186 = arith.constant 32 : index
    %swap3A_187 = tpu.vector_load %arg12[%swap3A_186] {strides = array<i32>} : memref<64xi32, #tpu.memory_space<vmem>>, vector<16xi32>,
    tpu.vector_store %arg12[%swap3A_186], %add3A_185 {strides = array<i32>} : memref<64xi32, #tpu.memory_space<vmem>>, vector<16xi32>,
    %reduce_sum3A_188 = arith.constant true
    %reduce_sum3A_189 = vector.broadcast %reduce_sum3A_188 : i1 to vector<16xi1>
    %reduce_sum3A_190 = tpu.scan <sum>, %scan3A_175#0 masked %reduce_sum3A_189 : vector<16xi32>, vector<16xi1> -> vector<16xi32>
    %reduce_sum3A_191 = vector.extract %reduce_sum3A_190[15] : i32 from vector<16xi32>
    %add3A_192 = arith.addi %add3A_166, %reduce_sum3A_191 : i32
    %broadcast_in_dim3A_193 = arith.constant 0 : i32
    %broadcast_in_dim3A_194 = vector.broadcast %broadcast_in_dim3A_193 : i32 to vector<16xi32>
    %broadcast_in_dim3A_195 = arith.constant 0 : i32
    %broadcast_in_dim3A_196 = vector.broadcast %broadcast_in_dim3A_195 : i32 to vector<16xi32>
    %scan3A_197 = arith.constant 0 : i32
    %scan3A_198 = arith.constant 32 : i32
    %scan3A_199 = arith.addi %scan3A_197, %scan3A_198 : i32
    %scan3A_200 = arith.constant 1 : i32
    %scan3A_201:2 = scf.for %scan3A_852 = %scan3A_197 to %scan3A_199 step %scan3A_200 iter_args(%scan3A_853 = %broadcast_in_dim3A_194, %scan3A_854 = %broadcast_in_dim3A_196) -> (vector<16xi32>, vector<16xi32>)  : i32 {
      %get3A = arith.index_cast %scan3A_852 : i32 to index
      %get3A_855 = arith.constant 48 : index
      %get3A_856 = tpu.vector_load %arg10[%get3A, %get3A_855] {strides = array<i32>} : memref<32x64xi32, #tpu.memory_space<vmem>>, vector<16xi32>,
      %add3A_857 = arith.addi %scan3A_853, %get3A_856 : vector<16xi32>
      %lt3A = arith.cmpi slt, %scan3A_852, %add3A : i32
      %convert_element_type3A_858 = arith.extui %lt3A : i1 to i32
      %mul3A_859 = vector.broadcast %convert_element_type3A_858 : i32 to vector<16xi32>
      %mul3A_860 = arith.muli %get3A_856, %mul3A_859 : vector<16xi32>
      %add3A_861 = arith.addi %scan3A_854, %mul3A_860 : vector<16xi32>
      scf.yield %add3A_857, %add3A_861 : vector<16xi32>, vector<16xi32>
    }
    %scan3A_202 = arith.constant 32 : i32
    %swap3A_203 = arith.constant 48 : index
    %swap3A_204 = tpu.vector_load %arg11[%swap3A_203] {strides = array<i32>} : memref<64xi32, #tpu.memory_space<vmem>>, vector<16xi32>,
    tpu.vector_store %arg11[%swap3A_203], %scan3A_201#0 {strides = array<i32>} : memref<64xi32, #tpu.memory_space<vmem>>, vector<16xi32>,
    %broadcast_in_dim3A_205 = arith.constant true
    %broadcast_in_dim3A_206 = vector.broadcast %broadcast_in_dim3A_205 : i1 to vector<16xi1>
    %masked_cumsum3A_207 = tpu.scan <sum>, %scan3A_201#0 masked %broadcast_in_dim3A_206 : vector<16xi32>, vector<16xi1> -> vector<16xi32>
    %sub3A_208 = arith.subi %masked_cumsum3A_207, %scan3A_201#0 : vector<16xi32>
    %add3A_209 = arith.addi %scan3A_201#1, %sub3A_208 : vector<16xi32>
    %add3A_210 = vector.broadcast %add3A_192 : i32 to vector<16xi32>
    %add3A_211 = arith.addi %add3A_209, %add3A_210 : vector<16xi32>
    %swap3A_212 = arith.constant 48 : index
    %swap3A_213 = tpu.vector_load %arg12[%swap3A_212] {strides = array<i32>} : memref<64xi32, #tpu.memory_space<vmem>>, vector<16xi32>,
    tpu.vector_store %arg12[%swap3A_212], %add3A_211 {strides = array<i32>} : memref<64xi32, #tpu.memory_space<vmem>>, vector<16xi32>,
    %reduce_sum3A_214 = arith.constant true
    %reduce_sum3A_215 = vector.broadcast %reduce_sum3A_214 : i1 to vector<16xi1>
    %reduce_sum3A_216 = tpu.scan <sum>, %scan3A_201#0 masked %reduce_sum3A_215 : vector<16xi32>, vector<16xi1> -> vector<16xi32>
    %reduce_sum3A_217 = vector.extract %reduce_sum3A_216[15] : i32 from vector<16xi32>
    %add3A_218 = arith.addi %add3A_192, %reduce_sum3A_217 : i32
    %scan3A_219 = arith.constant 0 : i32
    %scan3A_220 = arith.constant 0 : i32
    %scan3A_221 = arith.constant 32 : i32
    %scan3A_222 = arith.addi %scan3A_220, %scan3A_221 : i32
    %scan3A_223 = arith.constant 1 : i32
    %scan3A_224 = scf.for %scan3A_852 = %scan3A_220 to %scan3A_222 step %scan3A_223 iter_args(%scan3A_853 = %scan3A_219) -> (i32)  : i32 {
      %mul3A_854 = arith.constant 256 : i32
      %mul3A_855 = arith.muli %arg0, %mul3A_854 : i32
      %mul3A_856 = arith.constant 16 : i32
      %mul3A_857 = arith.muli %scan3A_852, %mul3A_856 : i32
      %add3A_858 = vector.broadcast %mul3A_857 : i32 to vector<16xi32>
      %add3A_859 = arith.addi %add3A_858, %iota3A : vector<16xi32>
      %shift_right_arithmetic3A = arith.constant 1 : i32
      %shift_right_arithmetic3A_860 = vector.broadcast %shift_right_arithmetic3A : i32 to vector<16xi32>
      %shift_right_arithmetic3A_861 = arith.shrsi %add3A_859, %shift_right_arithmetic3A_860 : vector<16xi32>
      %add3A_862 = vector.broadcast %mul3A_855 : i32 to vector<16xi32>
      %add3A_863 = arith.addi %add3A_862, %shift_right_arithmetic3A_861 : vector<16xi32>
      %and3A = arith.constant 1 : i32
      %and3A_864 = vector.broadcast %and3A : i32 to vector<16xi32>
      %and3A_865 = arith.andi %add3A_859, %and3A_864 : vector<16xi32>
      %gather3A = tpu.vector_load_idx %arg7[%add3A_863, %and3A_865] : memref<512x2xi32, #tpu.memory_space<vmem>>[vector<16xi32>, vector<16xi32>], vector<16xi32>,
      %broadcast_in_dim3A_866 = arith.constant true
      %broadcast_in_dim3A_867 = vector.broadcast %broadcast_in_dim3A_866 : i1 to vector<16xi1>
      %unique3A, %unique3A_868 = tpu.scan_count mask(%broadcast_in_dim3A_867 : vector<16xi1>) value(%gather3A : vector<16xi32>) : vector<16xi1>, vector<16xi32>
      %gather3A_869 = tpu.vector_load_idx %arg12[%gather3A] : memref<64xi32, #tpu.memory_space<vmem>>[vector<16xi32>], vector<16xi32>,
      %add3A_870 = arith.addi %gather3A_869, %unique3A_868 : vector<16xi32>
      %sub3A_871 = arith.constant 1 : i32
      %sub3A_872 = vector.broadcast %sub3A_871 : i32 to vector<16xi32>
      %sub3A_873 = arith.subi %add3A_870, %sub3A_872 : vector<16xi32>
      tpu.vector_store_idx %arg12[%gather3A], %unique3A_868 masked %unique3A {add = true} : memref<64xi32, #tpu.memory_space<vmem>>[vector<16xi32>], vector<16xi32>, vector<16xi1>
      %mul3A_874 = arith.constant 16 : i32
      %mul3A_875 = arith.muli %scan3A_852, %mul3A_874 : i32
      %add3A_876 = vector.broadcast %mul3A_875 : i32 to vector<16xi32>
      %add3A_877 = arith.addi %add3A_876, %iota3A : vector<16xi32>
      %shift_right_arithmetic3A_878 = arith.constant 1 : i32
      %shift_right_arithmetic3A_879 = vector.broadcast %shift_right_arithmetic3A_878 : i32 to vector<16xi32>
      %shift_right_arithmetic3A_880 = arith.shrsi %add3A_877, %shift_right_arithmetic3A_879 : vector<16xi32>
      %and3A_881 = arith.constant 1 : i32
      %and3A_882 = vector.broadcast %and3A_881 : i32 to vector<16xi32>
      %and3A_883 = arith.andi %add3A_877, %and3A_882 : vector<16xi32>
      %mul3A_884 = arith.constant 16 : i32
      %mul3A_885 = vector.broadcast %mul3A_884 : i32 to vector<16xi32>
      %mul3A_886 = arith.muli %and3A_883, %mul3A_885 : vector<16xi32>
      %jit3A = arith.constant 16 : i32
      %div3A = vector.broadcast %jit3A : i32 to vector<16xi32>
      %div3A_887 = arith.divsi %shift_right_arithmetic3A_880, %div3A : vector<16xi32>
      %sign3A = arith.constant 0 : i32
      %sign3A_888 = vector.broadcast %sign3A : i32 to vector<16xi32>
      %sign3A_889 = arith.cmpi sgt, %shift_right_arithmetic3A_880, %sign3A_888 : vector<16xi32>
      %sign3A_890 = arith.extui %sign3A_889 : vector<16xi1> to vector<16xi32>
      %sign3A_891 = arith.constant 0 : i32
      %sign3A_892 = vector.broadcast %sign3A_891 : i32 to vector<16xi32>
      %sign3A_893 = arith.cmpi slt, %shift_right_arithmetic3A_880, %sign3A_892 : vector<16xi32>
      %sign3A_894 = arith.extui %sign3A_893 : vector<16xi1> to vector<16xi32>
      %sign3A_895 = arith.subi %sign3A_890, %sign3A_894 : vector<16xi32>
      %sign3A_896 = arith.constant 0 : i32
      %sign3A_897 = arith.cmpi sgt, %jit3A, %sign3A_896 : i32
      %sign3A_898 = arith.extui %sign3A_897 : i1 to i32
      %sign3A_899 = arith.constant 0 : i32
      %sign3A_900 = arith.cmpi slt, %jit3A, %sign3A_899 : i32
      %sign3A_901 = arith.extui %sign3A_900 : i1 to i32
      %sign3A_902 = arith.subi %sign3A_898, %sign3A_901 : i32
      %ne3A = vector.broadcast %sign3A_902 : i32 to vector<16xi32>
      %ne3A_903 = arith.cmpi ne, %sign3A_895, %ne3A : vector<16xi32>
      %rem3A = vector.broadcast %jit3A : i32 to vector<16xi32>
      %rem3A_904 = arith.remsi %shift_right_arithmetic3A_880, %rem3A : vector<16xi32>
      %ne3A_905 = arith.constant 0 : i32
      %ne3A_906 = vector.broadcast %ne3A_905 : i32 to vector<16xi32>
      %ne3A_907 = arith.cmpi ne, %rem3A_904, %ne3A_906 : vector<16xi32>
      %and3A_908 = arith.andi %ne3A_903, %ne3A_907 : vector<16xi1>
      %sub3A_909 = arith.constant 1 : i32
      %sub3A_910 = vector.broadcast %sub3A_909 : i32 to vector<16xi32>
      %sub3A_911 = arith.subi %div3A_887, %sub3A_910 : vector<16xi32>
      %select_n3A = arith.select %and3A_908, %sub3A_911, %div3A_887 : vector<16xi1>, vector<16xi32>
      %add3A_912 = arith.addi %mul3A_886, %select_n3A : vector<16xi32>
      %and3A_913 = arith.constant 15 : i32
      %and3A_914 = vector.broadcast %and3A_913 : i32 to vector<16xi32>
      %and3A_915 = arith.andi %shift_right_arithmetic3A_880, %and3A_914 : vector<16xi32>
      tpu.vector_store_idx %arg13[%add3A_912, %and3A_915], %sub3A_873 : memref<32x16xi32, #tpu.memory_space<vmem>>[vector<16xi32>, vector<16xi32>], vector<16xi32>,
      %scan3A_916 = arith.constant 0 : i32
      scf.yield %scan3A_916 : i32
    }
    %scan3A_225 = arith.constant 32 : i32
    %dma_wait3A_226 = arith.constant 0 : i32
    %dma_wait3A_227 = tpu.memref_slice %arg3[%add3A_4, %dma_wait3A_226] : memref<8192x1024xf32, #tpu.memory_space<hbm>> -> memref<16x1024xf32, #tpu.memory_space<hbm>>
    %dma_wait3A_228 = arith.constant 0 : i32
    %dma_wait3A_229 = tpu.memref_slice %arg3[%add3A_4, %dma_wait3A_228] : memref<8192x1024xf32, #tpu.memory_space<hbm>> -> memref<16x1024xf32, #tpu.memory_space<hbm>>
    tpu.wait_dma2 semaphore(%arg23 : memref<!tpu.dma_semaphore, #tpu.memory_space<semaphore_mem>>) src(%dma_wait3A_229 : memref<16x1024xf32, #tpu.memory_space<hbm>>) dst(%arg14 : memref<16x1024xf32, #tpu.memory_space<vmem>>)
    %dma_start3A_230 = arith.constant 0 : i32
    %dma_start3A_231 = arith.constant 0 : i32
    %dma_start3A_232 = tpu.memref_slice %arg13[%dma_start3A_230, %dma_start3A_231] : memref<32x16xi32, #tpu.memory_space<vmem>> -> memref<1x16xi32, #tpu.memory_space<vmem>>
    %dma_start3A_233 = tpu.memref_squeeze %dma_start3A_232 : memref<1x16xi32, #tpu.memory_space<vmem>> -> memref<16xi32, #tpu.memory_space<vmem>>
    %dma_start3A_234 = arith.constant 0 : i32
    %dma_start3A_235 = arith.constant 0 : i32
    %dma_start3A_236 = tpu.memref_slice %arg4[%dma_start3A_234, %dma_start3A_235] : memref<16384x1024xf32, #tpu.memory_space<hbm>> -> memref<16384x1024xf32, #tpu.memory_space<hbm>>
    tpu.enqueue_indirect_dma source(%arg14 : memref<16x1024xf32, #tpu.memory_space<vmem>>) target(%dma_start3A_236 : memref<16384x1024xf32, #tpu.memory_space<hbm>>) offsets(%dma_start3A_233 : memref<16xi32, #tpu.memory_space<vmem>>) semaphore(%arg17 : memref<!tpu.dma_semaphore, #tpu.memory_space<semaphore_mem>>)
    %dma_start3A_237 = arith.constant 16 : i32
    %dma_start3A_238 = arith.constant 0 : i32
    %dma_start3A_239 = tpu.memref_slice %arg13[%dma_start3A_237, %dma_start3A_238] : memref<32x16xi32, #tpu.memory_space<vmem>> -> memref<1x16xi32, #tpu.memory_space<vmem>>
    %dma_start3A_240 = tpu.memref_squeeze %dma_start3A_239 : memref<1x16xi32, #tpu.memory_space<vmem>> -> memref<16xi32, #tpu.memory_space<vmem>>
    %dma_start3A_241 = arith.constant 0 : i32
    %dma_start3A_242 = arith.constant 0 : i32
    %dma_start3A_243 = tpu.memref_slice %arg4[%dma_start3A_241, %dma_start3A_242] : memref<16384x1024xf32, #tpu.memory_space<hbm>> -> memref<16384x1024xf32, #tpu.memory_space<hbm>>
    tpu.enqueue_indirect_dma source(%arg14 : memref<16x1024xf32, #tpu.memory_space<vmem>>) target(%dma_start3A_243 : memref<16384x1024xf32, #tpu.memory_space<hbm>>) offsets(%dma_start3A_240 : memref<16xi32, #tpu.memory_space<vmem>>) semaphore(%arg18 : memref<!tpu.dma_semaphore, #tpu.memory_space<semaphore_mem>>)
    %mul3A_244 = arith.constant 256 : i32
    %mul3A_245 = arith.muli %add3A, %mul3A_244 : i32
    %add3A_246 = arith.constant 32 : i32
    %add3A_247 = arith.addi %mul3A_245, %add3A_246 : i32
    %dma_start3A_248 = arith.constant 0 : i32
    %dma_start3A_249 = tpu.memref_slice %arg3[%add3A_247, %dma_start3A_248] : memref<8192x1024xf32, #tpu.memory_space<hbm>> -> memref<16x1024xf32, #tpu.memory_space<hbm>>
    %dma_start3A_250 = arith.constant 0 : i32
    %dma_start3A_251 = tpu.memref_slice %arg3[%add3A_247, %dma_start3A_250] : memref<8192x1024xf32, #tpu.memory_space<hbm>> -> memref<16x1024xf32, #tpu.memory_space<hbm>>
    tpu.enqueue_dma source(%dma_start3A_251 : memref<16x1024xf32, #tpu.memory_space<hbm>>) target(%arg16 : memref<16x1024xf32, #tpu.memory_space<vmem>>) target_semaphore(%arg25 : memref<!tpu.dma_semaphore, #tpu.memory_space<semaphore_mem>>)
    %dma_wait3A_252 = arith.constant 0 : i32
    %dma_wait3A_253 = tpu.memref_slice %arg3[%add3A_11, %dma_wait3A_252] : memref<8192x1024xf32, #tpu.memory_space<hbm>> -> memref<16x1024xf32, #tpu.memory_space<hbm>>
    %dma_wait3A_254 = arith.constant 0 : i32
    %dma_wait3A_255 = tpu.memref_slice %arg3[%add3A_11, %dma_wait3A_254] : memref<8192x1024xf32, #tpu.memory_space<hbm>> -> memref<16x1024xf32, #tpu.memory_space<hbm>>
    tpu.wait_dma2 semaphore(%arg24 : memref<!tpu.dma_semaphore, #tpu.memory_space<semaphore_mem>>) src(%dma_wait3A_255 : memref<16x1024xf32, #tpu.memory_space<hbm>>) dst(%arg15 : memref<16x1024xf32, #tpu.memory_space<vmem>>)
    %dma_start3A_256 = arith.constant 1 : i32
    %dma_start3A_257 = arith.constant 0 : i32
    %dma_start3A_258 = tpu.memref_slice %arg13[%dma_start3A_256, %dma_start3A_257] : memref<32x16xi32, #tpu.memory_space<vmem>> -> memref<1x16xi32, #tpu.memory_space<vmem>>
    %dma_start3A_259 = tpu.memref_squeeze %dma_start3A_258 : memref<1x16xi32, #tpu.memory_space<vmem>> -> memref<16xi32, #tpu.memory_space<vmem>>
    %dma_start3A_260 = arith.constant 0 : i32
    %dma_start3A_261 = arith.constant 0 : i32
    %dma_start3A_262 = tpu.memref_slice %arg4[%dma_start3A_260, %dma_start3A_261] : memref<16384x1024xf32, #tpu.memory_space<hbm>> -> memref<16384x1024xf32, #tpu.memory_space<hbm>>
    tpu.enqueue_indirect_dma source(%arg15 : memref<16x1024xf32, #tpu.memory_space<vmem>>) target(%dma_start3A_262 : memref<16384x1024xf32, #tpu.memory_space<hbm>>) offsets(%dma_start3A_259 : memref<16xi32, #tpu.memory_space<vmem>>) semaphore(%arg19 : memref<!tpu.dma_semaphore, #tpu.memory_space<semaphore_mem>>)
    %dma_start3A_263 = arith.constant 17 : i32
    %dma_start3A_264 = arith.constant 0 : i32
    %dma_start3A_265 = tpu.memref_slice %arg13[%dma_start3A_263, %dma_start3A_264] : memref<32x16xi32, #tpu.memory_space<vmem>> -> memref<1x16xi32, #tpu.memory_space<vmem>>
    %dma_start3A_266 = tpu.memref_squeeze %dma_start3A_265 : memref<1x16xi32, #tpu.memory_space<vmem>> -> memref<16xi32, #tpu.memory_space<vmem>>
    %dma_start3A_267 = arith.constant 0 : i32
    %dma_start3A_268 = arith.constant 0 : i32
    %dma_start3A_269 = tpu.memref_slice %arg4[%dma_start3A_267, %dma_start3A_268] : memref<16384x1024xf32, #tpu.memory_space<hbm>> -> memref<16384x1024xf32, #tpu.memory_space<hbm>>
    tpu.enqueue_indirect_dma source(%arg15 : memref<16x1024xf32, #tpu.memory_space<vmem>>) target(%dma_start3A_269 : memref<16384x1024xf32, #tpu.memory_space<hbm>>) offsets(%dma_start3A_266 : memref<16xi32, #tpu.memory_space<vmem>>) semaphore(%arg20 : memref<!tpu.dma_semaphore, #tpu.memory_space<semaphore_mem>>)
    %dma_wait3A_270 = arith.constant 0 : i32
    %dma_wait3A_271 = arith.constant 0 : i32
    %dma_wait3A_272 = tpu.memref_slice %arg13[%dma_wait3A_270, %dma_wait3A_271] : memref<32x16xi32, #tpu.memory_space<vmem>> -> memref<1x16xi32, #tpu.memory_space<vmem>>
    %dma_wait3A_273 = tpu.memref_squeeze %dma_wait3A_272 : memref<1x16xi32, #tpu.memory_space<vmem>> -> memref<16xi32, #tpu.memory_space<vmem>>
    %dma_wait3A_274 = arith.constant 0 : i32
    %dma_wait3A_275 = arith.constant 0 : i32
    %dma_wait3A_276 = tpu.memref_slice %arg4[%dma_wait3A_274, %dma_wait3A_275] : memref<16384x1024xf32, #tpu.memory_space<hbm>> -> memref<16384x1024xf32, #tpu.memory_space<hbm>>
    tpu.wait_indirect_dma semaphore(%arg17 : memref<!tpu.dma_semaphore, #tpu.memory_space<semaphore_mem>>) src(%arg14 : memref<16x1024xf32, #tpu.memory_space<vmem>>) dst(%dma_wait3A_276 : memref<16384x1024xf32, #tpu.memory_space<hbm>>)
    %dma_wait3A_277 = arith.constant 16 : i32
    %dma_wait3A_278 = arith.constant 0 : i32
    %dma_wait3A_279 = tpu.memref_slice %arg13[%dma_wait3A_277, %dma_wait3A_278] : memref<32x16xi32, #tpu.memory_space<vmem>> -> memref<1x16xi32, #tpu.memory_space<vmem>>
    %dma_wait3A_280 = tpu.memref_squeeze %dma_wait3A_279 : memref<1x16xi32, #tpu.memory_space<vmem>> -> memref<16xi32, #tpu.memory_space<vmem>>
    %dma_wait3A_281 = arith.constant 0 : i32
    %dma_wait3A_282 = arith.constant 0 : i32
    %dma_wait3A_283 = tpu.memref_slice %arg4[%dma_wait3A_281, %dma_wait3A_282] : memref<16384x1024xf32, #tpu.memory_space<hbm>> -> memref<16384x1024xf32, #tpu.memory_space<hbm>>
    tpu.wait_indirect_dma semaphore(%arg18 : memref<!tpu.dma_semaphore, #tpu.memory_space<semaphore_mem>>) src(%arg14 : memref<16x1024xf32, #tpu.memory_space<vmem>>) dst(%dma_wait3A_283 : memref<16384x1024xf32, #tpu.memory_space<hbm>>)
    %mul3A_284 = arith.constant 256 : i32
    %mul3A_285 = arith.muli %add3A, %mul3A_284 : i32
    %add3A_286 = arith.constant 48 : i32
    %add3A_287 = arith.addi %mul3A_285, %add3A_286 : i32
    %dma_start3A_288 = arith.constant 0 : i32
    %dma_start3A_289 = tpu.memref_slice %arg3[%add3A_287, %dma_start3A_288] : memref<8192x1024xf32, #tpu.memory_space<hbm>> -> memref<16x1024xf32, #tpu.memory_space<hbm>>
    %dma_start3A_290 = arith.constant 0 : i32
    %dma_start3A_291 = tpu.memref_slice %arg3[%add3A_287, %dma_start3A_290] : memref<8192x1024xf32, #tpu.memory_space<hbm>> -> memref<16x1024xf32, #tpu.memory_space<hbm>>
    tpu.enqueue_dma source(%dma_start3A_291 : memref<16x1024xf32, #tpu.memory_space<hbm>>) target(%arg14 : memref<16x1024xf32, #tpu.memory_space<vmem>>) target_semaphore(%arg23 : memref<!tpu.dma_semaphore, #tpu.memory_space<semaphore_mem>>)
    %dma_wait3A_292 = arith.constant 0 : i32
    %dma_wait3A_293 = tpu.memref_slice %arg3[%add3A_247, %dma_wait3A_292] : memref<8192x1024xf32, #tpu.memory_space<hbm>> -> memref<16x1024xf32, #tpu.memory_space<hbm>>
    %dma_wait3A_294 = arith.constant 0 : i32
    %dma_wait3A_295 = tpu.memref_slice %arg3[%add3A_247, %dma_wait3A_294] : memref<8192x1024xf32, #tpu.memory_space<hbm>> -> memref<16x1024xf32, #tpu.memory_space<hbm>>
    tpu.wait_dma2 semaphore(%arg25 : memref<!tpu.dma_semaphore, #tpu.memory_space<semaphore_mem>>) src(%dma_wait3A_295 : memref<16x1024xf32, #tpu.memory_space<hbm>>) dst(%arg16 : memref<16x1024xf32, #tpu.memory_space<vmem>>)
    %dma_start3A_296 = arith.constant 2 : i32
    %dma_start3A_297 = arith.constant 0 : i32
    %dma_start3A_298 = tpu.memref_slice %arg13[%dma_start3A_296, %dma_start3A_297] : memref<32x16xi32, #tpu.memory_space<vmem>> -> memref<1x16xi32, #tpu.memory_space<vmem>>
    %dma_start3A_299 = tpu.memref_squeeze %dma_start3A_298 : memref<1x16xi32, #tpu.memory_space<vmem>> -> memref<16xi32, #tpu.memory_space<vmem>>
    %dma_start3A_300 = arith.constant 0 : i32
    %dma_start3A_301 = arith.constant 0 : i32
    %dma_start3A_302 = tpu.memref_slice %arg4[%dma_start3A_300, %dma_start3A_301] : memref<16384x1024xf32, #tpu.memory_space<hbm>> -> memref<16384x1024xf32, #tpu.memory_space<hbm>>
    tpu.enqueue_indirect_dma source(%arg16 : memref<16x1024xf32, #tpu.memory_space<vmem>>) target(%dma_start3A_302 : memref<16384x1024xf32, #tpu.memory_space<hbm>>) offsets(%dma_start3A_299 : memref<16xi32, #tpu.memory_space<vmem>>) semaphore(%arg21 : memref<!tpu.dma_semaphore, #tpu.memory_space<semaphore_mem>>)
    %dma_start3A_303 = arith.constant 18 : i32
    %dma_start3A_304 = arith.constant 0 : i32
    %dma_start3A_305 = tpu.memref_slice %arg13[%dma_start3A_303, %dma_start3A_304] : memref<32x16xi32, #tpu.memory_space<vmem>> -> memref<1x16xi32, #tpu.memory_space<vmem>>
    %dma_start3A_306 = tpu.memref_squeeze %dma_start3A_305 : memref<1x16xi32, #tpu.memory_space<vmem>> -> memref<16xi32, #tpu.memory_space<vmem>>
    %dma_start3A_307 = arith.constant 0 : i32
    %dma_start3A_308 = arith.constant 0 : i32
    %dma_start3A_309 = tpu.memref_slice %arg4[%dma_start3A_307, %dma_start3A_308] : memref<16384x1024xf32, #tpu.memory_space<hbm>> -> memref<16384x1024xf32, #tpu.memory_space<hbm>>
    tpu.enqueue_indirect_dma source(%arg16 : memref<16x1024xf32, #tpu.memory_space<vmem>>) target(%dma_start3A_309 : memref<16384x1024xf32, #tpu.memory_space<hbm>>) offsets(%dma_start3A_306 : memref<16xi32, #tpu.memory_space<vmem>>) semaphore(%arg22 : memref<!tpu.dma_semaphore, #tpu.memory_space<semaphore_mem>>)
    %dma_wait3A_310 = arith.constant 1 : i32
    %dma_wait3A_311 = arith.constant 0 : i32
    %dma_wait3A_312 = tpu.memref_slice %arg13[%dma_wait3A_310, %dma_wait3A_311] : memref<32x16xi32, #tpu.memory_space<vmem>> -> memref<1x16xi32, #tpu.memory_space<vmem>>
    %dma_wait3A_313 = tpu.memref_squeeze %dma_wait3A_312 : memref<1x16xi32, #tpu.memory_space<vmem>> -> memref<16xi32, #tpu.memory_space<vmem>>
    %dma_wait3A_314 = arith.constant 0 : i32
    %dma_wait3A_315 = arith.constant 0 : i32
    %dma_wait3A_316 = tpu.memref_slice %arg4[%dma_wait3A_314, %dma_wait3A_315] : memref<16384x1024xf32, #tpu.memory_space<hbm>> -> memref<16384x1024xf32, #tpu.memory_space<hbm>>
    tpu.wait_indirect_dma semaphore(%arg19 : memref<!tpu.dma_semaphore, #tpu.memory_space<semaphore_mem>>) src(%arg15 : memref<16x1024xf32, #tpu.memory_space<vmem>>) dst(%dma_wait3A_316 : memref<16384x1024xf32, #tpu.memory_space<hbm>>)
    %dma_wait3A_317 = arith.constant 17 : i32
    %dma_wait3A_318 = arith.constant 0 : i32
    %dma_wait3A_319 = tpu.memref_slice %arg13[%dma_wait3A_317, %dma_wait3A_318] : memref<32x16xi32, #tpu.memory_space<vmem>> -> memref<1x16xi32, #tpu.memory_space<vmem>>
    %dma_wait3A_320 = tpu.memref_squeeze %dma_wait3A_319 : memref<1x16xi32, #tpu.memory_space<vmem>> -> memref<16xi32, #tpu.memory_space<vmem>>
    %dma_wait3A_321 = arith.constant 0 : i32
    %dma_wait3A_322 = arith.constant 0 : i32
    %dma_wait3A_323 = tpu.memref_slice %arg4[%dma_wait3A_321, %dma_wait3A_322] : memref<16384x1024xf32, #tpu.memory_space<hbm>> -> memref<16384x1024xf32, #tpu.memory_space<hbm>>
    tpu.wait_indirect_dma semaphore(%arg20 : memref<!tpu.dma_semaphore, #tpu.memory_space<semaphore_mem>>) src(%arg15 : memref<16x1024xf32, #tpu.memory_space<vmem>>) dst(%dma_wait3A_323 : memref<16384x1024xf32, #tpu.memory_space<hbm>>)
    %mul3A_324 = arith.constant 256 : i32
    %mul3A_325 = arith.muli %add3A, %mul3A_324 : i32
    %add3A_326 = arith.constant 64 : i32
    %add3A_327 = arith.addi %mul3A_325, %add3A_326 : i32
    %dma_start3A_328 = arith.constant 0 : i32
    %dma_start3A_329 = tpu.memref_slice %arg3[%add3A_327, %dma_start3A_328] : memref<8192x1024xf32, #tpu.memory_space<hbm>> -> memref<16x1024xf32, #tpu.memory_space<hbm>>
    %dma_start3A_330 = arith.constant 0 : i32
    %dma_start3A_331 = tpu.memref_slice %arg3[%add3A_327, %dma_start3A_330] : memref<8192x1024xf32, #tpu.memory_space<hbm>> -> memref<16x1024xf32, #tpu.memory_space<hbm>>
    tpu.enqueue_dma source(%dma_start3A_331 : memref<16x1024xf32, #tpu.memory_space<hbm>>) target(%arg15 : memref<16x1024xf32, #tpu.memory_space<vmem>>) target_semaphore(%arg24 : memref<!tpu.dma_semaphore, #tpu.memory_space<semaphore_mem>>)
    %dma_wait3A_332 = arith.constant 0 : i32
    %dma_wait3A_333 = tpu.memref_slice %arg3[%add3A_287, %dma_wait3A_332] : memref<8192x1024xf32, #tpu.memory_space<hbm>> -> memref<16x1024xf32, #tpu.memory_space<hbm>>
    %dma_wait3A_334 = arith.constant 0 : i32
    %dma_wait3A_335 = tpu.memref_slice %arg3[%add3A_287, %dma_wait3A_334] : memref<8192x1024xf32, #tpu.memory_space<hbm>> -> memref<16x1024xf32, #tpu.memory_space<hbm>>
    tpu.wait_dma2 semaphore(%arg23 : memref<!tpu.dma_semaphore, #tpu.memory_space<semaphore_mem>>) src(%dma_wait3A_335 : memref<16x1024xf32, #tpu.memory_space<hbm>>) dst(%arg14 : memref<16x1024xf32, #tpu.memory_space<vmem>>)
    %dma_start3A_336 = arith.constant 3 : i32
    %dma_start3A_337 = arith.constant 0 : i32
    %dma_start3A_338 = tpu.memref_slice %arg13[%dma_start3A_336, %dma_start3A_337] : memref<32x16xi32, #tpu.memory_space<vmem>> -> memref<1x16xi32, #tpu.memory_space<vmem>>
    %dma_start3A_339 = tpu.memref_squeeze %dma_start3A_338 : memref<1x16xi32, #tpu.memory_space<vmem>> -> memref<16xi32, #tpu.memory_space<vmem>>
    %dma_start3A_340 = arith.constant 0 : i32
    %dma_start3A_341 = arith.constant 0 : i32
    %dma_start3A_342 = tpu.memref_slice %arg4[%dma_start3A_340, %dma_start3A_341] : memref<16384x1024xf32, #tpu.memory_space<hbm>> -> memref<16384x1024xf32, #tpu.memory_space<hbm>>
    tpu.enqueue_indirect_dma source(%arg14 : memref<16x1024xf32, #tpu.memory_space<vmem>>) target(%dma_start3A_342 : memref<16384x1024xf32, #tpu.memory_space<hbm>>) offsets(%dma_start3A_339 : memref<16xi32, #tpu.memory_space<vmem>>) semaphore(%arg17 : memref<!tpu.dma_semaphore, #tpu.memory_space<semaphore_mem>>)
    %dma_start3A_343 = arith.constant 19 : i32
    %dma_start3A_344 = arith.constant 0 : i32
    %dma_start3A_345 = tpu.memref_slice %arg13[%dma_start3A_343, %dma_start3A_344] : memref<32x16xi32, #tpu.memory_space<vmem>> -> memref<1x16xi32, #tpu.memory_space<vmem>>
    %dma_start3A_346 = tpu.memref_squeeze %dma_start3A_345 : memref<1x16xi32, #tpu.memory_space<vmem>> -> memref<16xi32, #tpu.memory_space<vmem>>
    %dma_start3A_347 = arith.constant 0 : i32
    %dma_start3A_348 = arith.constant 0 : i32
    %dma_start3A_349 = tpu.memref_slice %arg4[%dma_start3A_347, %dma_start3A_348] : memref<16384x1024xf32, #tpu.memory_space<hbm>> -> memref<16384x1024xf32, #tpu.memory_space<hbm>>
    tpu.enqueue_indirect_dma source(%arg14 : memref<16x1024xf32, #tpu.memory_space<vmem>>) target(%dma_start3A_349 : memref<16384x1024xf32, #tpu.memory_space<hbm>>) offsets(%dma_start3A_346 : memref<16xi32, #tpu.memory_space<vmem>>) semaphore(%arg18 : memref<!tpu.dma_semaphore, #tpu.memory_space<semaphore_mem>>)
    %dma_wait3A_350 = arith.constant 2 : i32
    %dma_wait3A_351 = arith.constant 0 : i32
    %dma_wait3A_352 = tpu.memref_slice %arg13[%dma_wait3A_350, %dma_wait3A_351] : memref<32x16xi32, #tpu.memory_space<vmem>> -> memref<1x16xi32, #tpu.memory_space<vmem>>
    %dma_wait3A_353 = tpu.memref_squeeze %dma_wait3A_352 : memref<1x16xi32, #tpu.memory_space<vmem>> -> memref<16xi32, #tpu.memory_space<vmem>>
    %dma_wait3A_354 = arith.constant 0 : i32
    %dma_wait3A_355 = arith.constant 0 : i32
    %dma_wait3A_356 = tpu.memref_slice %arg4[%dma_wait3A_354, %dma_wait3A_355] : memref<16384x1024xf32, #tpu.memory_space<hbm>> -> memref<16384x1024xf32, #tpu.memory_space<hbm>>
    tpu.wait_indirect_dma semaphore(%arg21 : memref<!tpu.dma_semaphore, #tpu.memory_space<semaphore_mem>>) src(%arg16 : memref<16x1024xf32, #tpu.memory_space<vmem>>) dst(%dma_wait3A_356 : memref<16384x1024xf32, #tpu.memory_space<hbm>>)
    %dma_wait3A_357 = arith.constant 18 : i32
    %dma_wait3A_358 = arith.constant 0 : i32
    %dma_wait3A_359 = tpu.memref_slice %arg13[%dma_wait3A_357, %dma_wait3A_358] : memref<32x16xi32, #tpu.memory_space<vmem>> -> memref<1x16xi32, #tpu.memory_space<vmem>>
    %dma_wait3A_360 = tpu.memref_squeeze %dma_wait3A_359 : memref<1x16xi32, #tpu.memory_space<vmem>> -> memref<16xi32, #tpu.memory_space<vmem>>
    %dma_wait3A_361 = arith.constant 0 : i32
    %dma_wait3A_362 = arith.constant 0 : i32
    %dma_wait3A_363 = tpu.memref_slice %arg4[%dma_wait3A_361, %dma_wait3A_362] : memref<16384x1024xf32, #tpu.memory_space<hbm>> -> memref<16384x1024xf32, #tpu.memory_space<hbm>>
    tpu.wait_indirect_dma semaphore(%arg22 : memref<!tpu.dma_semaphore, #tpu.memory_space<semaphore_mem>>) src(%arg16 : memref<16x1024xf32, #tpu.memory_space<vmem>>) dst(%dma_wait3A_363 : memref<16384x1024xf32, #tpu.memory_space<hbm>>)
    %mul3A_364 = arith.constant 256 : i32
    %mul3A_365 = arith.muli %add3A, %mul3A_364 : i32
    %add3A_366 = arith.constant 80 : i32
    %add3A_367 = arith.addi %mul3A_365, %add3A_366 : i32
    %dma_start3A_368 = arith.constant 0 : i32
    %dma_start3A_369 = tpu.memref_slice %arg3[%add3A_367, %dma_start3A_368] : memref<8192x1024xf32, #tpu.memory_space<hbm>> -> memref<16x1024xf32, #tpu.memory_space<hbm>>
    %dma_start3A_370 = arith.constant 0 : i32
    %dma_start3A_371 = tpu.memref_slice %arg3[%add3A_367, %dma_start3A_370] : memref<8192x1024xf32, #tpu.memory_space<hbm>> -> memref<16x1024xf32, #tpu.memory_space<hbm>>
    tpu.enqueue_dma source(%dma_start3A_371 : memref<16x1024xf32, #tpu.memory_space<hbm>>) target(%arg16 : memref<16x1024xf32, #tpu.memory_space<vmem>>) target_semaphore(%arg25 : memref<!tpu.dma_semaphore, #tpu.memory_space<semaphore_mem>>)
    %dma_wait3A_372 = arith.constant 0 : i32
    %dma_wait3A_373 = tpu.memref_slice %arg3[%add3A_327, %dma_wait3A_372] : memref<8192x1024xf32, #tpu.memory_space<hbm>> -> memref<16x1024xf32, #tpu.memory_space<hbm>>
    %dma_wait3A_374 = arith.constant 0 : i32
    %dma_wait3A_375 = tpu.memref_slice %arg3[%add3A_327, %dma_wait3A_374] : memref<8192x1024xf32, #tpu.memory_space<hbm>> -> memref<16x1024xf32, #tpu.memory_space<hbm>>
    tpu.wait_dma2 semaphore(%arg24 : memref<!tpu.dma_semaphore, #tpu.memory_space<semaphore_mem>>) src(%dma_wait3A_375 : memref<16x1024xf32, #tpu.memory_space<hbm>>) dst(%arg15 : memref<16x1024xf32, #tpu.memory_space<vmem>>)
    %dma_start3A_376 = arith.constant 4 : i32
    %dma_start3A_377 = arith.constant 0 : i32
    %dma_start3A_378 = tpu.memref_slice %arg13[%dma_start3A_376, %dma_start3A_377] : memref<32x16xi32, #tpu.memory_space<vmem>> -> memref<1x16xi32, #tpu.memory_space<vmem>>
    %dma_start3A_379 = tpu.memref_squeeze %dma_start3A_378 : memref<1x16xi32, #tpu.memory_space<vmem>> -> memref<16xi32, #tpu.memory_space<vmem>>
    %dma_start3A_380 = arith.constant 0 : i32
    %dma_start3A_381 = arith.constant 0 : i32
    %dma_start3A_382 = tpu.memref_slice %arg4[%dma_start3A_380, %dma_start3A_381] : memref<16384x1024xf32, #tpu.memory_space<hbm>> -> memref<16384x1024xf32, #tpu.memory_space<hbm>>
    tpu.enqueue_indirect_dma source(%arg15 : memref<16x1024xf32, #tpu.memory_space<vmem>>) target(%dma_start3A_382 : memref<16384x1024xf32, #tpu.memory_space<hbm>>) offsets(%dma_start3A_379 : memref<16xi32, #tpu.memory_space<vmem>>) semaphore(%arg19 : memref<!tpu.dma_semaphore, #tpu.memory_space<semaphore_mem>>)
    %dma_start3A_383 = arith.constant 20 : i32
    %dma_start3A_384 = arith.constant 0 : i32
    %dma_start3A_385 = tpu.memref_slice %arg13[%dma_start3A_383, %dma_start3A_384] : memref<32x16xi32, #tpu.memory_space<vmem>> -> memref<1x16xi32, #tpu.memory_space<vmem>>
    %dma_start3A_386 = tpu.memref_squeeze %dma_start3A_385 : memref<1x16xi32, #tpu.memory_space<vmem>> -> memref<16xi32, #tpu.memory_space<vmem>>
    %dma_start3A_387 = arith.constant 0 : i32
    %dma_start3A_388 = arith.constant 0 : i32
    %dma_start3A_389 = tpu.memref_slice %arg4[%dma_start3A_387, %dma_start3A_388] : memref<16384x1024xf32, #tpu.memory_space<hbm>> -> memref<16384x1024xf32, #tpu.memory_space<hbm>>
    tpu.enqueue_indirect_dma source(%arg15 : memref<16x1024xf32, #tpu.memory_space<vmem>>) target(%dma_start3A_389 : memref<16384x1024xf32, #tpu.memory_space<hbm>>) offsets(%dma_start3A_386 : memref<16xi32, #tpu.memory_space<vmem>>) semaphore(%arg20 : memref<!tpu.dma_semaphore, #tpu.memory_space<semaphore_mem>>)
    %dma_wait3A_390 = arith.constant 3 : i32
    %dma_wait3A_391 = arith.constant 0 : i32
    %dma_wait3A_392 = tpu.memref_slice %arg13[%dma_wait3A_390, %dma_wait3A_391] : memref<32x16xi32, #tpu.memory_space<vmem>> -> memref<1x16xi32, #tpu.memory_space<vmem>>
    %dma_wait3A_393 = tpu.memref_squeeze %dma_wait3A_392 : memref<1x16xi32, #tpu.memory_space<vmem>> -> memref<16xi32, #tpu.memory_space<vmem>>
    %dma_wait3A_394 = arith.constant 0 : i32
    %dma_wait3A_395 = arith.constant 0 : i32
    %dma_wait3A_396 = tpu.memref_slice %arg4[%dma_wait3A_394, %dma_wait3A_395] : memref<16384x1024xf32, #tpu.memory_space<hbm>> -> memref<16384x1024xf32, #tpu.memory_space<hbm>>
    tpu.wait_indirect_dma semaphore(%arg17 : memref<!tpu.dma_semaphore, #tpu.memory_space<semaphore_mem>>) src(%arg14 : memref<16x1024xf32, #tpu.memory_space<vmem>>) dst(%dma_wait3A_396 : memref<16384x1024xf32, #tpu.memory_space<hbm>>)
    %dma_wait3A_397 = arith.constant 19 : i32
    %dma_wait3A_398 = arith.constant 0 : i32
    %dma_wait3A_399 = tpu.memref_slice %arg13[%dma_wait3A_397, %dma_wait3A_398] : memref<32x16xi32, #tpu.memory_space<vmem>> -> memref<1x16xi32, #tpu.memory_space<vmem>>
    %dma_wait3A_400 = tpu.memref_squeeze %dma_wait3A_399 : memref<1x16xi32, #tpu.memory_space<vmem>> -> memref<16xi32, #tpu.memory_space<vmem>>
    %dma_wait3A_401 = arith.constant 0 : i32
    %dma_wait3A_402 = arith.constant 0 : i32
    %dma_wait3A_403 = tpu.memref_slice %arg4[%dma_wait3A_401, %dma_wait3A_402] : memref<16384x1024xf32, #tpu.memory_space<hbm>> -> memref<16384x1024xf32, #tpu.memory_space<hbm>>
    tpu.wait_indirect_dma semaphore(%arg18 : memref<!tpu.dma_semaphore, #tpu.memory_space<semaphore_mem>>) src(%arg14 : memref<16x1024xf32, #tpu.memory_space<vmem>>) dst(%dma_wait3A_403 : memref<16384x1024xf32, #tpu.memory_space<hbm>>)
    %mul3A_404 = arith.constant 256 : i32
    %mul3A_405 = arith.muli %add3A, %mul3A_404 : i32
    %add3A_406 = arith.constant 96 : i32
    %add3A_407 = arith.addi %mul3A_405, %add3A_406 : i32
    %dma_start3A_408 = arith.constant 0 : i32
    %dma_start3A_409 = tpu.memref_slice %arg3[%add3A_407, %dma_start3A_408] : memref<8192x1024xf32, #tpu.memory_space<hbm>> -> memref<16x1024xf32, #tpu.memory_space<hbm>>
    %dma_start3A_410 = arith.constant 0 : i32
    %dma_start3A_411 = tpu.memref_slice %arg3[%add3A_407, %dma_start3A_410] : memref<8192x1024xf32, #tpu.memory_space<hbm>> -> memref<16x1024xf32, #tpu.memory_space<hbm>>
    tpu.enqueue_dma source(%dma_start3A_411 : memref<16x1024xf32, #tpu.memory_space<hbm>>) target(%arg14 : memref<16x1024xf32, #tpu.memory_space<vmem>>) target_semaphore(%arg23 : memref<!tpu.dma_semaphore, #tpu.memory_space<semaphore_mem>>)
    %dma_wait3A_412 = arith.constant 0 : i32
    %dma_wait3A_413 = tpu.memref_slice %arg3[%add3A_367, %dma_wait3A_412] : memref<8192x1024xf32, #tpu.memory_space<hbm>> -> memref<16x1024xf32, #tpu.memory_space<hbm>>
    %dma_wait3A_414 = arith.constant 0 : i32
    %dma_wait3A_415 = tpu.memref_slice %arg3[%add3A_367, %dma_wait3A_414] : memref<8192x1024xf32, #tpu.memory_space<hbm>> -> memref<16x1024xf32, #tpu.memory_space<hbm>>
    tpu.wait_dma2 semaphore(%arg25 : memref<!tpu.dma_semaphore, #tpu.memory_space<semaphore_mem>>) src(%dma_wait3A_415 : memref<16x1024xf32, #tpu.memory_space<hbm>>) dst(%arg16 : memref<16x1024xf32, #tpu.memory_space<vmem>>)
    %dma_start3A_416 = arith.constant 5 : i32
    %dma_start3A_417 = arith.constant 0 : i32
    %dma_start3A_418 = tpu.memref_slice %arg13[%dma_start3A_416, %dma_start3A_417] : memref<32x16xi32, #tpu.memory_space<vmem>> -> memref<1x16xi32, #tpu.memory_space<vmem>>
    %dma_start3A_419 = tpu.memref_squeeze %dma_start3A_418 : memref<1x16xi32, #tpu.memory_space<vmem>> -> memref<16xi32, #tpu.memory_space<vmem>>
    %dma_start3A_420 = arith.constant 0 : i32
    %dma_start3A_421 = arith.constant 0 : i32
    %dma_start3A_422 = tpu.memref_slice %arg4[%dma_start3A_420, %dma_start3A_421] : memref<16384x1024xf32, #tpu.memory_space<hbm>> -> memref<16384x1024xf32, #tpu.memory_space<hbm>>
    tpu.enqueue_indirect_dma source(%arg16 : memref<16x1024xf32, #tpu.memory_space<vmem>>) target(%dma_start3A_422 : memref<16384x1024xf32, #tpu.memory_space<hbm>>) offsets(%dma_start3A_419 : memref<16xi32, #tpu.memory_space<vmem>>) semaphore(%arg21 : memref<!tpu.dma_semaphore, #tpu.memory_space<semaphore_mem>>)
    %dma_start3A_423 = arith.constant 21 : i32
    %dma_start3A_424 = arith.constant 0 : i32
    %dma_start3A_425 = tpu.memref_slice %arg13[%dma_start3A_423, %dma_start3A_424] : memref<32x16xi32, #tpu.memory_space<vmem>> -> memref<1x16xi32, #tpu.memory_space<vmem>>
    %dma_start3A_426 = tpu.memref_squeeze %dma_start3A_425 : memref<1x16xi32, #tpu.memory_space<vmem>> -> memref<16xi32, #tpu.memory_space<vmem>>
    %dma_start3A_427 = arith.constant 0 : i32
    %dma_start3A_428 = arith.constant 0 : i32
    %dma_start3A_429 = tpu.memref_slice %arg4[%dma_start3A_427, %dma_start3A_428] : memref<16384x1024xf32, #tpu.memory_space<hbm>> -> memref<16384x1024xf32, #tpu.memory_space<hbm>>
    tpu.enqueue_indirect_dma source(%arg16 : memref<16x1024xf32, #tpu.memory_space<vmem>>) target(%dma_start3A_429 : memref<16384x1024xf32, #tpu.memory_space<hbm>>) offsets(%dma_start3A_426 : memref<16xi32, #tpu.memory_space<vmem>>) semaphore(%arg22 : memref<!tpu.dma_semaphore, #tpu.memory_space<semaphore_mem>>)
    %dma_wait3A_430 = arith.constant 4 : i32
    %dma_wait3A_431 = arith.constant 0 : i32
    %dma_wait3A_432 = tpu.memref_slice %arg13[%dma_wait3A_430, %dma_wait3A_431] : memref<32x16xi32, #tpu.memory_space<vmem>> -> memref<1x16xi32, #tpu.memory_space<vmem>>
    %dma_wait3A_433 = tpu.memref_squeeze %dma_wait3A_432 : memref<1x16xi32, #tpu.memory_space<vmem>> -> memref<16xi32, #tpu.memory_space<vmem>>
    %dma_wait3A_434 = arith.constant 0 : i32
    %dma_wait3A_435 = arith.constant 0 : i32
    %dma_wait3A_436 = tpu.memref_slice %arg4[%dma_wait3A_434, %dma_wait3A_435] : memref<16384x1024xf32, #tpu.memory_space<hbm>> -> memref<16384x1024xf32, #tpu.memory_space<hbm>>
    tpu.wait_indirect_dma semaphore(%arg19 : memref<!tpu.dma_semaphore, #tpu.memory_space<semaphore_mem>>) src(%arg15 : memref<16x1024xf32, #tpu.memory_space<vmem>>) dst(%dma_wait3A_436 : memref<16384x1024xf32, #tpu.memory_space<hbm>>)
    %dma_wait3A_437 = arith.constant 20 : i32
    %dma_wait3A_438 = arith.constant 0 : i32
    %dma_wait3A_439 = tpu.memref_slice %arg13[%dma_wait3A_437, %dma_wait3A_438] : memref<32x16xi32, #tpu.memory_space<vmem>> -> memref<1x16xi32, #tpu.memory_space<vmem>>
    %dma_wait3A_440 = tpu.memref_squeeze %dma_wait3A_439 : memref<1x16xi32, #tpu.memory_space<vmem>> -> memref<16xi32, #tpu.memory_space<vmem>>
    %dma_wait3A_441 = arith.constant 0 : i32
    %dma_wait3A_442 = arith.constant 0 : i32
    %dma_wait3A_443 = tpu.memref_slice %arg4[%dma_wait3A_441, %dma_wait3A_442] : memref<16384x1024xf32, #tpu.memory_space<hbm>> -> memref<16384x1024xf32, #tpu.memory_space<hbm>>
    tpu.wait_indirect_dma semaphore(%arg20 : memref<!tpu.dma_semaphore, #tpu.memory_space<semaphore_mem>>) src(%arg15 : memref<16x1024xf32, #tpu.memory_space<vmem>>) dst(%dma_wait3A_443 : memref<16384x1024xf32, #tpu.memory_space<hbm>>)
    %mul3A_444 = arith.constant 256 : i32
    %mul3A_445 = arith.muli %add3A, %mul3A_444 : i32
    %add3A_446 = arith.constant 112 : i32
    %add3A_447 = arith.addi %mul3A_445, %add3A_446 : i32
    %dma_start3A_448 = arith.constant 0 : i32
    %dma_start3A_449 = tpu.memref_slice %arg3[%add3A_447, %dma_start3A_448] : memref<8192x1024xf32, #tpu.memory_space<hbm>> -> memref<16x1024xf32, #tpu.memory_space<hbm>>
    %dma_start3A_450 = arith.constant 0 : i32
    %dma_start3A_451 = tpu.memref_slice %arg3[%add3A_447, %dma_start3A_450] : memref<8192x1024xf32, #tpu.memory_space<hbm>> -> memref<16x1024xf32, #tpu.memory_space<hbm>>
    tpu.enqueue_dma source(%dma_start3A_451 : memref<16x1024xf32, #tpu.memory_space<hbm>>) target(%arg15 : memref<16x1024xf32, #tpu.memory_space<vmem>>) target_semaphore(%arg24 : memref<!tpu.dma_semaphore, #tpu.memory_space<semaphore_mem>>)
    %dma_wait3A_452 = arith.constant 0 : i32
    %dma_wait3A_453 = tpu.memref_slice %arg3[%add3A_407, %dma_wait3A_452] : memref<8192x1024xf32, #tpu.memory_space<hbm>> -> memref<16x1024xf32, #tpu.memory_space<hbm>>
    %dma_wait3A_454 = arith.constant 0 : i32
    %dma_wait3A_455 = tpu.memref_slice %arg3[%add3A_407, %dma_wait3A_454] : memref<8192x1024xf32, #tpu.memory_space<hbm>> -> memref<16x1024xf32, #tpu.memory_space<hbm>>
    tpu.wait_dma2 semaphore(%arg23 : memref<!tpu.dma_semaphore, #tpu.memory_space<semaphore_mem>>) src(%dma_wait3A_455 : memref<16x1024xf32, #tpu.memory_space<hbm>>) dst(%arg14 : memref<16x1024xf32, #tpu.memory_space<vmem>>)
    %dma_start3A_456 = arith.constant 6 : i32
    %dma_start3A_457 = arith.constant 0 : i32
    %dma_start3A_458 = tpu.memref_slice %arg13[%dma_start3A_456, %dma_start3A_457] : memref<32x16xi32, #tpu.memory_space<vmem>> -> memref<1x16xi32, #tpu.memory_space<vmem>>
    %dma_start3A_459 = tpu.memref_squeeze %dma_start3A_458 : memref<1x16xi32, #tpu.memory_space<vmem>> -> memref<16xi32, #tpu.memory_space<vmem>>
    %dma_start3A_460 = arith.constant 0 : i32
    %dma_start3A_461 = arith.constant 0 : i32
    %dma_start3A_462 = tpu.memref_slice %arg4[%dma_start3A_460, %dma_start3A_461] : memref<16384x1024xf32, #tpu.memory_space<hbm>> -> memref<16384x1024xf32, #tpu.memory_space<hbm>>
    tpu.enqueue_indirect_dma source(%arg14 : memref<16x1024xf32, #tpu.memory_space<vmem>>) target(%dma_start3A_462 : memref<16384x1024xf32, #tpu.memory_space<hbm>>) offsets(%dma_start3A_459 : memref<16xi32, #tpu.memory_space<vmem>>) semaphore(%arg17 : memref<!tpu.dma_semaphore, #tpu.memory_space<semaphore_mem>>)
    %dma_start3A_463 = arith.constant 22 : i32
    %dma_start3A_464 = arith.constant 0 : i32
    %dma_start3A_465 = tpu.memref_slice %arg13[%dma_start3A_463, %dma_start3A_464] : memref<32x16xi32, #tpu.memory_space<vmem>> -> memref<1x16xi32, #tpu.memory_space<vmem>>
    %dma_start3A_466 = tpu.memref_squeeze %dma_start3A_465 : memref<1x16xi32, #tpu.memory_space<vmem>> -> memref<16xi32, #tpu.memory_space<vmem>>
    %dma_start3A_467 = arith.constant 0 : i32
    %dma_start3A_468 = arith.constant 0 : i32
    %dma_start3A_469 = tpu.memref_slice %arg4[%dma_start3A_467, %dma_start3A_468] : memref<16384x1024xf32, #tpu.memory_space<hbm>> -> memref<16384x1024xf32, #tpu.memory_space<hbm>>
    tpu.enqueue_indirect_dma source(%arg14 : memref<16x1024xf32, #tpu.memory_space<vmem>>) target(%dma_start3A_469 : memref<16384x1024xf32, #tpu.memory_space<hbm>>) offsets(%dma_start3A_466 : memref<16xi32, #tpu.memory_space<vmem>>) semaphore(%arg18 : memref<!tpu.dma_semaphore, #tpu.memory_space<semaphore_mem>>)
    %dma_wait3A_470 = arith.constant 5 : i32
    %dma_wait3A_471 = arith.constant 0 : i32
    %dma_wait3A_472 = tpu.memref_slice %arg13[%dma_wait3A_470, %dma_wait3A_471] : memref<32x16xi32, #tpu.memory_space<vmem>> -> memref<1x16xi32, #tpu.memory_space<vmem>>
    %dma_wait3A_473 = tpu.memref_squeeze %dma_wait3A_472 : memref<1x16xi32, #tpu.memory_space<vmem>> -> memref<16xi32, #tpu.memory_space<vmem>>
    %dma_wait3A_474 = arith.constant 0 : i32
    %dma_wait3A_475 = arith.constant 0 : i32
    %dma_wait3A_476 = tpu.memref_slice %arg4[%dma_wait3A_474, %dma_wait3A_475] : memref<16384x1024xf32, #tpu.memory_space<hbm>> -> memref<16384x1024xf32, #tpu.memory_space<hbm>>
    tpu.wait_indirect_dma semaphore(%arg21 : memref<!tpu.dma_semaphore, #tpu.memory_space<semaphore_mem>>) src(%arg16 : memref<16x1024xf32, #tpu.memory_space<vmem>>) dst(%dma_wait3A_476 : memref<16384x1024xf32, #tpu.memory_space<hbm>>)
    %dma_wait3A_477 = arith.constant 21 : i32
    %dma_wait3A_478 = arith.constant 0 : i32
    %dma_wait3A_479 = tpu.memref_slice %arg13[%dma_wait3A_477, %dma_wait3A_478] : memref<32x16xi32, #tpu.memory_space<vmem>> -> memref<1x16xi32, #tpu.memory_space<vmem>>
    %dma_wait3A_480 = tpu.memref_squeeze %dma_wait3A_479 : memref<1x16xi32, #tpu.memory_space<vmem>> -> memref<16xi32, #tpu.memory_space<vmem>>
    %dma_wait3A_481 = arith.constant 0 : i32
    %dma_wait3A_482 = arith.constant 0 : i32
    %dma_wait3A_483 = tpu.memref_slice %arg4[%dma_wait3A_481, %dma_wait3A_482] : memref<16384x1024xf32, #tpu.memory_space<hbm>> -> memref<16384x1024xf32, #tpu.memory_space<hbm>>
    tpu.wait_indirect_dma semaphore(%arg22 : memref<!tpu.dma_semaphore, #tpu.memory_space<semaphore_mem>>) src(%arg16 : memref<16x1024xf32, #tpu.memory_space<vmem>>) dst(%dma_wait3A_483 : memref<16384x1024xf32, #tpu.memory_space<hbm>>)
    %mul3A_484 = arith.constant 256 : i32
    %mul3A_485 = arith.muli %add3A, %mul3A_484 : i32
    %add3A_486 = arith.constant 128 : i32
    %add3A_487 = arith.addi %mul3A_485, %add3A_486 : i32
    %dma_start3A_488 = arith.constant 0 : i32
    %dma_start3A_489 = tpu.memref_slice %arg3[%add3A_487, %dma_start3A_488] : memref<8192x1024xf32, #tpu.memory_space<hbm>> -> memref<16x1024xf32, #tpu.memory_space<hbm>>
    %dma_start3A_490 = arith.constant 0 : i32
    %dma_start3A_491 = tpu.memref_slice %arg3[%add3A_487, %dma_start3A_490] : memref<8192x1024xf32, #tpu.memory_space<hbm>> -> memref<16x1024xf32, #tpu.memory_space<hbm>>
    tpu.enqueue_dma source(%dma_start3A_491 : memref<16x1024xf32, #tpu.memory_space<hbm>>) target(%arg16 : memref<16x1024xf32, #tpu.memory_space<vmem>>) target_semaphore(%arg25 : memref<!tpu.dma_semaphore, #tpu.memory_space<semaphore_mem>>)
    %dma_wait3A_492 = arith.constant 0 : i32
    %dma_wait3A_493 = tpu.memref_slice %arg3[%add3A_447, %dma_wait3A_492] : memref<8192x1024xf32, #tpu.memory_space<hbm>> -> memref<16x1024xf32, #tpu.memory_space<hbm>>
    %dma_wait3A_494 = arith.constant 0 : i32
    %dma_wait3A_495 = tpu.memref_slice %arg3[%add3A_447, %dma_wait3A_494] : memref<8192x1024xf32, #tpu.memory_space<hbm>> -> memref<16x1024xf32, #tpu.memory_space<hbm>>
    tpu.wait_dma2 semaphore(%arg24 : memref<!tpu.dma_semaphore, #tpu.memory_space<semaphore_mem>>) src(%dma_wait3A_495 : memref<16x1024xf32, #tpu.memory_space<hbm>>) dst(%arg15 : memref<16x1024xf32, #tpu.memory_space<vmem>>)
    %dma_start3A_496 = arith.constant 7 : i32
    %dma_start3A_497 = arith.constant 0 : i32
    %dma_start3A_498 = tpu.memref_slice %arg13[%dma_start3A_496, %dma_start3A_497] : memref<32x16xi32, #tpu.memory_space<vmem>> -> memref<1x16xi32, #tpu.memory_space<vmem>>
    %dma_start3A_499 = tpu.memref_squeeze %dma_start3A_498 : memref<1x16xi32, #tpu.memory_space<vmem>> -> memref<16xi32, #tpu.memory_space<vmem>>
    %dma_start3A_500 = arith.constant 0 : i32
    %dma_start3A_501 = arith.constant 0 : i32
    %dma_start3A_502 = tpu.memref_slice %arg4[%dma_start3A_500, %dma_start3A_501] : memref<16384x1024xf32, #tpu.memory_space<hbm>> -> memref<16384x1024xf32, #tpu.memory_space<hbm>>
    tpu.enqueue_indirect_dma source(%arg15 : memref<16x1024xf32, #tpu.memory_space<vmem>>) target(%dma_start3A_502 : memref<16384x1024xf32, #tpu.memory_space<hbm>>) offsets(%dma_start3A_499 : memref<16xi32, #tpu.memory_space<vmem>>) semaphore(%arg19 : memref<!tpu.dma_semaphore, #tpu.memory_space<semaphore_mem>>)
    %dma_start3A_503 = arith.constant 23 : i32
    %dma_start3A_504 = arith.constant 0 : i32
    %dma_start3A_505 = tpu.memref_slice %arg13[%dma_start3A_503, %dma_start3A_504] : memref<32x16xi32, #tpu.memory_space<vmem>> -> memref<1x16xi32, #tpu.memory_space<vmem>>
    %dma_start3A_506 = tpu.memref_squeeze %dma_start3A_505 : memref<1x16xi32, #tpu.memory_space<vmem>> -> memref<16xi32, #tpu.memory_space<vmem>>
    %dma_start3A_507 = arith.constant 0 : i32
    %dma_start3A_508 = arith.constant 0 : i32
    %dma_start3A_509 = tpu.memref_slice %arg4[%dma_start3A_507, %dma_start3A_508] : memref<16384x1024xf32, #tpu.memory_space<hbm>> -> memref<16384x1024xf32, #tpu.memory_space<hbm>>
    tpu.enqueue_indirect_dma source(%arg15 : memref<16x1024xf32, #tpu.memory_space<vmem>>) target(%dma_start3A_509 : memref<16384x1024xf32, #tpu.memory_space<hbm>>) offsets(%dma_start3A_506 : memref<16xi32, #tpu.memory_space<vmem>>) semaphore(%arg20 : memref<!tpu.dma_semaphore, #tpu.memory_space<semaphore_mem>>)
    %dma_wait3A_510 = arith.constant 6 : i32
    %dma_wait3A_511 = arith.constant 0 : i32
    %dma_wait3A_512 = tpu.memref_slice %arg13[%dma_wait3A_510, %dma_wait3A_511] : memref<32x16xi32, #tpu.memory_space<vmem>> -> memref<1x16xi32, #tpu.memory_space<vmem>>
    %dma_wait3A_513 = tpu.memref_squeeze %dma_wait3A_512 : memref<1x16xi32, #tpu.memory_space<vmem>> -> memref<16xi32, #tpu.memory_space<vmem>>
    %dma_wait3A_514 = arith.constant 0 : i32
    %dma_wait3A_515 = arith.constant 0 : i32
    %dma_wait3A_516 = tpu.memref_slice %arg4[%dma_wait3A_514, %dma_wait3A_515] : memref<16384x1024xf32, #tpu.memory_space<hbm>> -> memref<16384x1024xf32, #tpu.memory_space<hbm>>
    tpu.wait_indirect_dma semaphore(%arg17 : memref<!tpu.dma_semaphore, #tpu.memory_space<semaphore_mem>>) src(%arg14 : memref<16x1024xf32, #tpu.memory_space<vmem>>) dst(%dma_wait3A_516 : memref<16384x1024xf32, #tpu.memory_space<hbm>>)
    %dma_wait3A_517 = arith.constant 22 : i32
    %dma_wait3A_518 = arith.constant 0 : i32
    %dma_wait3A_519 = tpu.memref_slice %arg13[%dma_wait3A_517, %dma_wait3A_518] : memref<32x16xi32, #tpu.memory_space<vmem>> -> memref<1x16xi32, #tpu.memory_space<vmem>>
    %dma_wait3A_520 = tpu.memref_squeeze %dma_wait3A_519 : memref<1x16xi32, #tpu.memory_space<vmem>> -> memref<16xi32, #tpu.memory_space<vmem>>
    %dma_wait3A_521 = arith.constant 0 : i32
    %dma_wait3A_522 = arith.constant 0 : i32
    %dma_wait3A_523 = tpu.memref_slice %arg4[%dma_wait3A_521, %dma_wait3A_522] : memref<16384x1024xf32, #tpu.memory_space<hbm>> -> memref<16384x1024xf32, #tpu.memory_space<hbm>>
    tpu.wait_indirect_dma semaphore(%arg18 : memref<!tpu.dma_semaphore, #tpu.memory_space<semaphore_mem>>) src(%arg14 : memref<16x1024xf32, #tpu.memory_space<vmem>>) dst(%dma_wait3A_523 : memref<16384x1024xf32, #tpu.memory_space<hbm>>)
    %mul3A_524 = arith.constant 256 : i32
    %mul3A_525 = arith.muli %add3A, %mul3A_524 : i32
    %add3A_526 = arith.constant 144 : i32
    %add3A_527 = arith.addi %mul3A_525, %add3A_526 : i32
    %dma_start3A_528 = arith.constant 0 : i32
    %dma_start3A_529 = tpu.memref_slice %arg3[%add3A_527, %dma_start3A_528] : memref<8192x1024xf32, #tpu.memory_space<hbm>> -> memref<16x1024xf32, #tpu.memory_space<hbm>>
    %dma_start3A_530 = arith.constant 0 : i32
    %dma_start3A_531 = tpu.memref_slice %arg3[%add3A_527, %dma_start3A_530] : memref<8192x1024xf32, #tpu.memory_space<hbm>> -> memref<16x1024xf32, #tpu.memory_space<hbm>>
    tpu.enqueue_dma source(%dma_start3A_531 : memref<16x1024xf32, #tpu.memory_space<hbm>>) target(%arg14 : memref<16x1024xf32, #tpu.memory_space<vmem>>) target_semaphore(%arg23 : memref<!tpu.dma_semaphore, #tpu.memory_space<semaphore_mem>>)
    %dma_wait3A_532 = arith.constant 0 : i32
    %dma_wait3A_533 = tpu.memref_slice %arg3[%add3A_487, %dma_wait3A_532] : memref<8192x1024xf32, #tpu.memory_space<hbm>> -> memref<16x1024xf32, #tpu.memory_space<hbm>>
    %dma_wait3A_534 = arith.constant 0 : i32
    %dma_wait3A_535 = tpu.memref_slice %arg3[%add3A_487, %dma_wait3A_534] : memref<8192x1024xf32, #tpu.memory_space<hbm>> -> memref<16x1024xf32, #tpu.memory_space<hbm>>
    tpu.wait_dma2 semaphore(%arg25 : memref<!tpu.dma_semaphore, #tpu.memory_space<semaphore_mem>>) src(%dma_wait3A_535 : memref<16x1024xf32, #tpu.memory_space<hbm>>) dst(%arg16 : memref<16x1024xf32, #tpu.memory_space<vmem>>)
    %dma_start3A_536 = arith.constant 8 : i32
    %dma_start3A_537 = arith.constant 0 : i32
    %dma_start3A_538 = tpu.memref_slice %arg13[%dma_start3A_536, %dma_start3A_537] : memref<32x16xi32, #tpu.memory_space<vmem>> -> memref<1x16xi32, #tpu.memory_space<vmem>>
    %dma_start3A_539 = tpu.memref_squeeze %dma_start3A_538 : memref<1x16xi32, #tpu.memory_space<vmem>> -> memref<16xi32, #tpu.memory_space<vmem>>
    %dma_start3A_540 = arith.constant 0 : i32
    %dma_start3A_541 = arith.constant 0 : i32
    %dma_start3A_542 = tpu.memref_slice %arg4[%dma_start3A_540, %dma_start3A_541] : memref<16384x1024xf32, #tpu.memory_space<hbm>> -> memref<16384x1024xf32, #tpu.memory_space<hbm>>
    tpu.enqueue_indirect_dma source(%arg16 : memref<16x1024xf32, #tpu.memory_space<vmem>>) target(%dma_start3A_542 : memref<16384x1024xf32, #tpu.memory_space<hbm>>) offsets(%dma_start3A_539 : memref<16xi32, #tpu.memory_space<vmem>>) semaphore(%arg21 : memref<!tpu.dma_semaphore, #tpu.memory_space<semaphore_mem>>)
    %dma_start3A_543 = arith.constant 24 : i32
    %dma_start3A_544 = arith.constant 0 : i32
    %dma_start3A_545 = tpu.memref_slice %arg13[%dma_start3A_543, %dma_start3A_544] : memref<32x16xi32, #tpu.memory_space<vmem>> -> memref<1x16xi32, #tpu.memory_space<vmem>>
    %dma_start3A_546 = tpu.memref_squeeze %dma_start3A_545 : memref<1x16xi32, #tpu.memory_space<vmem>> -> memref<16xi32, #tpu.memory_space<vmem>>
    %dma_start3A_547 = arith.constant 0 : i32
    %dma_start3A_548 = arith.constant 0 : i32
    %dma_start3A_549 = tpu.memref_slice %arg4[%dma_start3A_547, %dma_start3A_548] : memref<16384x1024xf32, #tpu.memory_space<hbm>> -> memref<16384x1024xf32, #tpu.memory_space<hbm>>
    tpu.enqueue_indirect_dma source(%arg16 : memref<16x1024xf32, #tpu.memory_space<vmem>>) target(%dma_start3A_549 : memref<16384x1024xf32, #tpu.memory_space<hbm>>) offsets(%dma_start3A_546 : memref<16xi32, #tpu.memory_space<vmem>>) semaphore(%arg22 : memref<!tpu.dma_semaphore, #tpu.memory_space<semaphore_mem>>)
    %dma_wait3A_550 = arith.constant 7 : i32
    %dma_wait3A_551 = arith.constant 0 : i32
    %dma_wait3A_552 = tpu.memref_slice %arg13[%dma_wait3A_550, %dma_wait3A_551] : memref<32x16xi32, #tpu.memory_space<vmem>> -> memref<1x16xi32, #tpu.memory_space<vmem>>
    %dma_wait3A_553 = tpu.memref_squeeze %dma_wait3A_552 : memref<1x16xi32, #tpu.memory_space<vmem>> -> memref<16xi32, #tpu.memory_space<vmem>>
    %dma_wait3A_554 = arith.constant 0 : i32
    %dma_wait3A_555 = arith.constant 0 : i32
    %dma_wait3A_556 = tpu.memref_slice %arg4[%dma_wait3A_554, %dma_wait3A_555] : memref<16384x1024xf32, #tpu.memory_space<hbm>> -> memref<16384x1024xf32, #tpu.memory_space<hbm>>
    tpu.wait_indirect_dma semaphore(%arg19 : memref<!tpu.dma_semaphore, #tpu.memory_space<semaphore_mem>>) src(%arg15 : memref<16x1024xf32, #tpu.memory_space<vmem>>) dst(%dma_wait3A_556 : memref<16384x1024xf32, #tpu.memory_space<hbm>>)
    %dma_wait3A_557 = arith.constant 23 : i32
    %dma_wait3A_558 = arith.constant 0 : i32
    %dma_wait3A_559 = tpu.memref_slice %arg13[%dma_wait3A_557, %dma_wait3A_558] : memref<32x16xi32, #tpu.memory_space<vmem>> -> memref<1x16xi32, #tpu.memory_space<vmem>>
    %dma_wait3A_560 = tpu.memref_squeeze %dma_wait3A_559 : memref<1x16xi32, #tpu.memory_space<vmem>> -> memref<16xi32, #tpu.memory_space<vmem>>
    %dma_wait3A_561 = arith.constant 0 : i32
    %dma_wait3A_562 = arith.constant 0 : i32
    %dma_wait3A_563 = tpu.memref_slice %arg4[%dma_wait3A_561, %dma_wait3A_562] : memref<16384x1024xf32, #tpu.memory_space<hbm>> -> memref<16384x1024xf32, #tpu.memory_space<hbm>>
    tpu.wait_indirect_dma semaphore(%arg20 : memref<!tpu.dma_semaphore, #tpu.memory_space<semaphore_mem>>) src(%arg15 : memref<16x1024xf32, #tpu.memory_space<vmem>>) dst(%dma_wait3A_563 : memref<16384x1024xf32, #tpu.memory_space<hbm>>)
    %mul3A_564 = arith.constant 256 : i32
    %mul3A_565 = arith.muli %add3A, %mul3A_564 : i32
    %add3A_566 = arith.constant 160 : i32
    %add3A_567 = arith.addi %mul3A_565, %add3A_566 : i32
    %dma_start3A_568 = arith.constant 0 : i32
    %dma_start3A_569 = tpu.memref_slice %arg3[%add3A_567, %dma_start3A_568] : memref<8192x1024xf32, #tpu.memory_space<hbm>> -> memref<16x1024xf32, #tpu.memory_space<hbm>>
    %dma_start3A_570 = arith.constant 0 : i32
    %dma_start3A_571 = tpu.memref_slice %arg3[%add3A_567, %dma_start3A_570] : memref<8192x1024xf32, #tpu.memory_space<hbm>> -> memref<16x1024xf32, #tpu.memory_space<hbm>>
    tpu.enqueue_dma source(%dma_start3A_571 : memref<16x1024xf32, #tpu.memory_space<hbm>>) target(%arg15 : memref<16x1024xf32, #tpu.memory_space<vmem>>) target_semaphore(%arg24 : memref<!tpu.dma_semaphore, #tpu.memory_space<semaphore_mem>>)
    %dma_wait3A_572 = arith.constant 0 : i32
    %dma_wait3A_573 = tpu.memref_slice %arg3[%add3A_527, %dma_wait3A_572] : memref<8192x1024xf32, #tpu.memory_space<hbm>> -> memref<16x1024xf32, #tpu.memory_space<hbm>>
    %dma_wait3A_574 = arith.constant 0 : i32
    %dma_wait3A_575 = tpu.memref_slice %arg3[%add3A_527, %dma_wait3A_574] : memref<8192x1024xf32, #tpu.memory_space<hbm>> -> memref<16x1024xf32, #tpu.memory_space<hbm>>
    tpu.wait_dma2 semaphore(%arg23 : memref<!tpu.dma_semaphore, #tpu.memory_space<semaphore_mem>>) src(%dma_wait3A_575 : memref<16x1024xf32, #tpu.memory_space<hbm>>) dst(%arg14 : memref<16x1024xf32, #tpu.memory_space<vmem>>)
    %dma_start3A_576 = arith.constant 9 : i32
    %dma_start3A_577 = arith.constant 0 : i32
    %dma_start3A_578 = tpu.memref_slice %arg13[%dma_start3A_576, %dma_start3A_577] : memref<32x16xi32, #tpu.memory_space<vmem>> -> memref<1x16xi32, #tpu.memory_space<vmem>>
    %dma_start3A_579 = tpu.memref_squeeze %dma_start3A_578 : memref<1x16xi32, #tpu.memory_space<vmem>> -> memref<16xi32, #tpu.memory_space<vmem>>
    %dma_start3A_580 = arith.constant 0 : i32
    %dma_start3A_581 = arith.constant 0 : i32
    %dma_start3A_582 = tpu.memref_slice %arg4[%dma_start3A_580, %dma_start3A_581] : memref<16384x1024xf32, #tpu.memory_space<hbm>> -> memref<16384x1024xf32, #tpu.memory_space<hbm>>
    tpu.enqueue_indirect_dma source(%arg14 : memref<16x1024xf32, #tpu.memory_space<vmem>>) target(%dma_start3A_582 : memref<16384x1024xf32, #tpu.memory_space<hbm>>) offsets(%dma_start3A_579 : memref<16xi32, #tpu.memory_space<vmem>>) semaphore(%arg17 : memref<!tpu.dma_semaphore, #tpu.memory_space<semaphore_mem>>)
    %dma_start3A_583 = arith.constant 25 : i32
    %dma_start3A_584 = arith.constant 0 : i32
    %dma_start3A_585 = tpu.memref_slice %arg13[%dma_start3A_583, %dma_start3A_584] : memref<32x16xi32, #tpu.memory_space<vmem>> -> memref<1x16xi32, #tpu.memory_space<vmem>>
    %dma_start3A_586 = tpu.memref_squeeze %dma_start3A_585 : memref<1x16xi32, #tpu.memory_space<vmem>> -> memref<16xi32, #tpu.memory_space<vmem>>
    %dma_start3A_587 = arith.constant 0 : i32
    %dma_start3A_588 = arith.constant 0 : i32
    %dma_start3A_589 = tpu.memref_slice %arg4[%dma_start3A_587, %dma_start3A_588] : memref<16384x1024xf32, #tpu.memory_space<hbm>> -> memref<16384x1024xf32, #tpu.memory_space<hbm>>
    tpu.enqueue_indirect_dma source(%arg14 : memref<16x1024xf32, #tpu.memory_space<vmem>>) target(%dma_start3A_589 : memref<16384x1024xf32, #tpu.memory_space<hbm>>) offsets(%dma_start3A_586 : memref<16xi32, #tpu.memory_space<vmem>>) semaphore(%arg18 : memref<!tpu.dma_semaphore, #tpu.memory_space<semaphore_mem>>)
    %dma_wait3A_590 = arith.constant 8 : i32
    %dma_wait3A_591 = arith.constant 0 : i32
    %dma_wait3A_592 = tpu.memref_slice %arg13[%dma_wait3A_590, %dma_wait3A_591] : memref<32x16xi32, #tpu.memory_space<vmem>> -> memref<1x16xi32, #tpu.memory_space<vmem>>
    %dma_wait3A_593 = tpu.memref_squeeze %dma_wait3A_592 : memref<1x16xi32, #tpu.memory_space<vmem>> -> memref<16xi32, #tpu.memory_space<vmem>>
    %dma_wait3A_594 = arith.constant 0 : i32
    %dma_wait3A_595 = arith.constant 0 : i32
    %dma_wait3A_596 = tpu.memref_slice %arg4[%dma_wait3A_594, %dma_wait3A_595] : memref<16384x1024xf32, #tpu.memory_space<hbm>> -> memref<16384x1024xf32, #tpu.memory_space<hbm>>
    tpu.wait_indirect_dma semaphore(%arg21 : memref<!tpu.dma_semaphore, #tpu.memory_space<semaphore_mem>>) src(%arg16 : memref<16x1024xf32, #tpu.memory_space<vmem>>) dst(%dma_wait3A_596 : memref<16384x1024xf32, #tpu.memory_space<hbm>>)
    %dma_wait3A_597 = arith.constant 24 : i32
    %dma_wait3A_598 = arith.constant 0 : i32
    %dma_wait3A_599 = tpu.memref_slice %arg13[%dma_wait3A_597, %dma_wait3A_598] : memref<32x16xi32, #tpu.memory_space<vmem>> -> memref<1x16xi32, #tpu.memory_space<vmem>>
    %dma_wait3A_600 = tpu.memref_squeeze %dma_wait3A_599 : memref<1x16xi32, #tpu.memory_space<vmem>> -> memref<16xi32, #tpu.memory_space<vmem>>
    %dma_wait3A_601 = arith.constant 0 : i32
    %dma_wait3A_602 = arith.constant 0 : i32
    %dma_wait3A_603 = tpu.memref_slice %arg4[%dma_wait3A_601, %dma_wait3A_602] : memref<16384x1024xf32, #tpu.memory_space<hbm>> -> memref<16384x1024xf32, #tpu.memory_space<hbm>>
    tpu.wait_indirect_dma semaphore(%arg22 : memref<!tpu.dma_semaphore, #tpu.memory_space<semaphore_mem>>) src(%arg16 : memref<16x1024xf32, #tpu.memory_space<vmem>>) dst(%dma_wait3A_603 : memref<16384x1024xf32, #tpu.memory_space<hbm>>)
    %mul3A_604 = arith.constant 256 : i32
    %mul3A_605 = arith.muli %add3A, %mul3A_604 : i32
    %add3A_606 = arith.constant 176 : i32
    %add3A_607 = arith.addi %mul3A_605, %add3A_606 : i32
    %dma_start3A_608 = arith.constant 0 : i32
    %dma_start3A_609 = tpu.memref_slice %arg3[%add3A_607, %dma_start3A_608] : memref<8192x1024xf32, #tpu.memory_space<hbm>> -> memref<16x1024xf32, #tpu.memory_space<hbm>>
    %dma_start3A_610 = arith.constant 0 : i32
    %dma_start3A_611 = tpu.memref_slice %arg3[%add3A_607, %dma_start3A_610] : memref<8192x1024xf32, #tpu.memory_space<hbm>> -> memref<16x1024xf32, #tpu.memory_space<hbm>>
    tpu.enqueue_dma source(%dma_start3A_611 : memref<16x1024xf32, #tpu.memory_space<hbm>>) target(%arg16 : memref<16x1024xf32, #tpu.memory_space<vmem>>) target_semaphore(%arg25 : memref<!tpu.dma_semaphore, #tpu.memory_space<semaphore_mem>>)
    %dma_wait3A_612 = arith.constant 0 : i32
    %dma_wait3A_613 = tpu.memref_slice %arg3[%add3A_567, %dma_wait3A_612] : memref<8192x1024xf32, #tpu.memory_space<hbm>> -> memref<16x1024xf32, #tpu.memory_space<hbm>>
    %dma_wait3A_614 = arith.constant 0 : i32
    %dma_wait3A_615 = tpu.memref_slice %arg3[%add3A_567, %dma_wait3A_614] : memref<8192x1024xf32, #tpu.memory_space<hbm>> -> memref<16x1024xf32, #tpu.memory_space<hbm>>
    tpu.wait_dma2 semaphore(%arg24 : memref<!tpu.dma_semaphore, #tpu.memory_space<semaphore_mem>>) src(%dma_wait3A_615 : memref<16x1024xf32, #tpu.memory_space<hbm>>) dst(%arg15 : memref<16x1024xf32, #tpu.memory_space<vmem>>)
    %dma_start3A_616 = arith.constant 10 : i32
    %dma_start3A_617 = arith.constant 0 : i32
    %dma_start3A_618 = tpu.memref_slice %arg13[%dma_start3A_616, %dma_start3A_617] : memref<32x16xi32, #tpu.memory_space<vmem>> -> memref<1x16xi32, #tpu.memory_space<vmem>>
    %dma_start3A_619 = tpu.memref_squeeze %dma_start3A_618 : memref<1x16xi32, #tpu.memory_space<vmem>> -> memref<16xi32, #tpu.memory_space<vmem>>
    %dma_start3A_620 = arith.constant 0 : i32
    %dma_start3A_621 = arith.constant 0 : i32
    %dma_start3A_622 = tpu.memref_slice %arg4[%dma_start3A_620, %dma_start3A_621] : memref<16384x1024xf32, #tpu.memory_space<hbm>> -> memref<16384x1024xf32, #tpu.memory_space<hbm>>
    tpu.enqueue_indirect_dma source(%arg15 : memref<16x1024xf32, #tpu.memory_space<vmem>>) target(%dma_start3A_622 : memref<16384x1024xf32, #tpu.memory_space<hbm>>) offsets(%dma_start3A_619 : memref<16xi32, #tpu.memory_space<vmem>>) semaphore(%arg19 : memref<!tpu.dma_semaphore, #tpu.memory_space<semaphore_mem>>)
    %dma_start3A_623 = arith.constant 26 : i32
    %dma_start3A_624 = arith.constant 0 : i32
    %dma_start3A_625 = tpu.memref_slice %arg13[%dma_start3A_623, %dma_start3A_624] : memref<32x16xi32, #tpu.memory_space<vmem>> -> memref<1x16xi32, #tpu.memory_space<vmem>>
    %dma_start3A_626 = tpu.memref_squeeze %dma_start3A_625 : memref<1x16xi32, #tpu.memory_space<vmem>> -> memref<16xi32, #tpu.memory_space<vmem>>
    %dma_start3A_627 = arith.constant 0 : i32
    %dma_start3A_628 = arith.constant 0 : i32
    %dma_start3A_629 = tpu.memref_slice %arg4[%dma_start3A_627, %dma_start3A_628] : memref<16384x1024xf32, #tpu.memory_space<hbm>> -> memref<16384x1024xf32, #tpu.memory_space<hbm>>
    tpu.enqueue_indirect_dma source(%arg15 : memref<16x1024xf32, #tpu.memory_space<vmem>>) target(%dma_start3A_629 : memref<16384x1024xf32, #tpu.memory_space<hbm>>) offsets(%dma_start3A_626 : memref<16xi32, #tpu.memory_space<vmem>>) semaphore(%arg20 : memref<!tpu.dma_semaphore, #tpu.memory_space<semaphore_mem>>)
    %dma_wait3A_630 = arith.constant 9 : i32
    %dma_wait3A_631 = arith.constant 0 : i32
    %dma_wait3A_632 = tpu.memref_slice %arg13[%dma_wait3A_630, %dma_wait3A_631] : memref<32x16xi32, #tpu.memory_space<vmem>> -> memref<1x16xi32, #tpu.memory_space<vmem>>
    %dma_wait3A_633 = tpu.memref_squeeze %dma_wait3A_632 : memref<1x16xi32, #tpu.memory_space<vmem>> -> memref<16xi32, #tpu.memory_space<vmem>>
    %dma_wait3A_634 = arith.constant 0 : i32
    %dma_wait3A_635 = arith.constant 0 : i32
    %dma_wait3A_636 = tpu.memref_slice %arg4[%dma_wait3A_634, %dma_wait3A_635] : memref<16384x1024xf32, #tpu.memory_space<hbm>> -> memref<16384x1024xf32, #tpu.memory_space<hbm>>
    tpu.wait_indirect_dma semaphore(%arg17 : memref<!tpu.dma_semaphore, #tpu.memory_space<semaphore_mem>>) src(%arg14 : memref<16x1024xf32, #tpu.memory_space<vmem>>) dst(%dma_wait3A_636 : memref<16384x1024xf32, #tpu.memory_space<hbm>>)
    %dma_wait3A_637 = arith.constant 25 : i32
    %dma_wait3A_638 = arith.constant 0 : i32
    %dma_wait3A_639 = tpu.memref_slice %arg13[%dma_wait3A_637, %dma_wait3A_638] : memref<32x16xi32, #tpu.memory_space<vmem>> -> memref<1x16xi32, #tpu.memory_space<vmem>>
    %dma_wait3A_640 = tpu.memref_squeeze %dma_wait3A_639 : memref<1x16xi32, #tpu.memory_space<vmem>> -> memref<16xi32, #tpu.memory_space<vmem>>
    %dma_wait3A_641 = arith.constant 0 : i32
    %dma_wait3A_642 = arith.constant 0 : i32
    %dma_wait3A_643 = tpu.memref_slice %arg4[%dma_wait3A_641, %dma_wait3A_642] : memref<16384x1024xf32, #tpu.memory_space<hbm>> -> memref<16384x1024xf32, #tpu.memory_space<hbm>>
    tpu.wait_indirect_dma semaphore(%arg18 : memref<!tpu.dma_semaphore, #tpu.memory_space<semaphore_mem>>) src(%arg14 : memref<16x1024xf32, #tpu.memory_space<vmem>>) dst(%dma_wait3A_643 : memref<16384x1024xf32, #tpu.memory_space<hbm>>)
    %mul3A_644 = arith.constant 256 : i32
    %mul3A_645 = arith.muli %add3A, %mul3A_644 : i32
    %add3A_646 = arith.constant 192 : i32
    %add3A_647 = arith.addi %mul3A_645, %add3A_646 : i32
    %dma_start3A_648 = arith.constant 0 : i32
    %dma_start3A_649 = tpu.memref_slice %arg3[%add3A_647, %dma_start3A_648] : memref<8192x1024xf32, #tpu.memory_space<hbm>> -> memref<16x1024xf32, #tpu.memory_space<hbm>>
    %dma_start3A_650 = arith.constant 0 : i32
    %dma_start3A_651 = tpu.memref_slice %arg3[%add3A_647, %dma_start3A_650] : memref<8192x1024xf32, #tpu.memory_space<hbm>> -> memref<16x1024xf32, #tpu.memory_space<hbm>>
    tpu.enqueue_dma source(%dma_start3A_651 : memref<16x1024xf32, #tpu.memory_space<hbm>>) target(%arg14 : memref<16x1024xf32, #tpu.memory_space<vmem>>) target_semaphore(%arg23 : memref<!tpu.dma_semaphore, #tpu.memory_space<semaphore_mem>>)
    %dma_wait3A_652 = arith.constant 0 : i32
    %dma_wait3A_653 = tpu.memref_slice %arg3[%add3A_607, %dma_wait3A_652] : memref<8192x1024xf32, #tpu.memory_space<hbm>> -> memref<16x1024xf32, #tpu.memory_space<hbm>>
    %dma_wait3A_654 = arith.constant 0 : i32
    %dma_wait3A_655 = tpu.memref_slice %arg3[%add3A_607, %dma_wait3A_654] : memref<8192x1024xf32, #tpu.memory_space<hbm>> -> memref<16x1024xf32, #tpu.memory_space<hbm>>
    tpu.wait_dma2 semaphore(%arg25 : memref<!tpu.dma_semaphore, #tpu.memory_space<semaphore_mem>>) src(%dma_wait3A_655 : memref<16x1024xf32, #tpu.memory_space<hbm>>) dst(%arg16 : memref<16x1024xf32, #tpu.memory_space<vmem>>)
    %dma_start3A_656 = arith.constant 11 : i32
    %dma_start3A_657 = arith.constant 0 : i32
    %dma_start3A_658 = tpu.memref_slice %arg13[%dma_start3A_656, %dma_start3A_657] : memref<32x16xi32, #tpu.memory_space<vmem>> -> memref<1x16xi32, #tpu.memory_space<vmem>>
    %dma_start3A_659 = tpu.memref_squeeze %dma_start3A_658 : memref<1x16xi32, #tpu.memory_space<vmem>> -> memref<16xi32, #tpu.memory_space<vmem>>
    %dma_start3A_660 = arith.constant 0 : i32
    %dma_start3A_661 = arith.constant 0 : i32
    %dma_start3A_662 = tpu.memref_slice %arg4[%dma_start3A_660, %dma_start3A_661] : memref<16384x1024xf32, #tpu.memory_space<hbm>> -> memref<16384x1024xf32, #tpu.memory_space<hbm>>
    tpu.enqueue_indirect_dma source(%arg16 : memref<16x1024xf32, #tpu.memory_space<vmem>>) target(%dma_start3A_662 : memref<16384x1024xf32, #tpu.memory_space<hbm>>) offsets(%dma_start3A_659 : memref<16xi32, #tpu.memory_space<vmem>>) semaphore(%arg21 : memref<!tpu.dma_semaphore, #tpu.memory_space<semaphore_mem>>)
    %dma_start3A_663 = arith.constant 27 : i32
    %dma_start3A_664 = arith.constant 0 : i32
    %dma_start3A_665 = tpu.memref_slice %arg13[%dma_start3A_663, %dma_start3A_664] : memref<32x16xi32, #tpu.memory_space<vmem>> -> memref<1x16xi32, #tpu.memory_space<vmem>>
    %dma_start3A_666 = tpu.memref_squeeze %dma_start3A_665 : memref<1x16xi32, #tpu.memory_space<vmem>> -> memref<16xi32, #tpu.memory_space<vmem>>
    %dma_start3A_667 = arith.constant 0 : i32
    %dma_start3A_668 = arith.constant 0 : i32
    %dma_start3A_669 = tpu.memref_slice %arg4[%dma_start3A_667, %dma_start3A_668] : memref<16384x1024xf32, #tpu.memory_space<hbm>> -> memref<16384x1024xf32, #tpu.memory_space<hbm>>
    tpu.enqueue_indirect_dma source(%arg16 : memref<16x1024xf32, #tpu.memory_space<vmem>>) target(%dma_start3A_669 : memref<16384x1024xf32, #tpu.memory_space<hbm>>) offsets(%dma_start3A_666 : memref<16xi32, #tpu.memory_space<vmem>>) semaphore(%arg22 : memref<!tpu.dma_semaphore, #tpu.memory_space<semaphore_mem>>)
    %dma_wait3A_670 = arith.constant 10 : i32
    %dma_wait3A_671 = arith.constant 0 : i32
    %dma_wait3A_672 = tpu.memref_slice %arg13[%dma_wait3A_670, %dma_wait3A_671] : memref<32x16xi32, #tpu.memory_space<vmem>> -> memref<1x16xi32, #tpu.memory_space<vmem>>
    %dma_wait3A_673 = tpu.memref_squeeze %dma_wait3A_672 : memref<1x16xi32, #tpu.memory_space<vmem>> -> memref<16xi32, #tpu.memory_space<vmem>>
    %dma_wait3A_674 = arith.constant 0 : i32
    %dma_wait3A_675 = arith.constant 0 : i32
    %dma_wait3A_676 = tpu.memref_slice %arg4[%dma_wait3A_674, %dma_wait3A_675] : memref<16384x1024xf32, #tpu.memory_space<hbm>> -> memref<16384x1024xf32, #tpu.memory_space<hbm>>
    tpu.wait_indirect_dma semaphore(%arg19 : memref<!tpu.dma_semaphore, #tpu.memory_space<semaphore_mem>>) src(%arg15 : memref<16x1024xf32, #tpu.memory_space<vmem>>) dst(%dma_wait3A_676 : memref<16384x1024xf32, #tpu.memory_space<hbm>>)
    %dma_wait3A_677 = arith.constant 26 : i32
    %dma_wait3A_678 = arith.constant 0 : i32
    %dma_wait3A_679 = tpu.memref_slice %arg13[%dma_wait3A_677, %dma_wait3A_678] : memref<32x16xi32, #tpu.memory_space<vmem>> -> memref<1x16xi32, #tpu.memory_space<vmem>>
    %dma_wait3A_680 = tpu.memref_squeeze %dma_wait3A_679 : memref<1x16xi32, #tpu.memory_space<vmem>> -> memref<16xi32, #tpu.memory_space<vmem>>
    %dma_wait3A_681 = arith.constant 0 : i32
    %dma_wait3A_682 = arith.constant 0 : i32
    %dma_wait3A_683 = tpu.memref_slice %arg4[%dma_wait3A_681, %dma_wait3A_682] : memref<16384x1024xf32, #tpu.memory_space<hbm>> -> memref<16384x1024xf32, #tpu.memory_space<hbm>>
    tpu.wait_indirect_dma semaphore(%arg20 : memref<!tpu.dma_semaphore, #tpu.memory_space<semaphore_mem>>) src(%arg15 : memref<16x1024xf32, #tpu.memory_space<vmem>>) dst(%dma_wait3A_683 : memref<16384x1024xf32, #tpu.memory_space<hbm>>)
    %mul3A_684 = arith.constant 256 : i32
    %mul3A_685 = arith.muli %add3A, %mul3A_684 : i32
    %add3A_686 = arith.constant 208 : i32
    %add3A_687 = arith.addi %mul3A_685, %add3A_686 : i32
    %dma_start3A_688 = arith.constant 0 : i32
    %dma_start3A_689 = tpu.memref_slice %arg3[%add3A_687, %dma_start3A_688] : memref<8192x1024xf32, #tpu.memory_space<hbm>> -> memref<16x1024xf32, #tpu.memory_space<hbm>>
    %dma_start3A_690 = arith.constant 0 : i32
    %dma_start3A_691 = tpu.memref_slice %arg3[%add3A_687, %dma_start3A_690] : memref<8192x1024xf32, #tpu.memory_space<hbm>> -> memref<16x1024xf32, #tpu.memory_space<hbm>>
    tpu.enqueue_dma source(%dma_start3A_691 : memref<16x1024xf32, #tpu.memory_space<hbm>>) target(%arg15 : memref<16x1024xf32, #tpu.memory_space<vmem>>) target_semaphore(%arg24 : memref<!tpu.dma_semaphore, #tpu.memory_space<semaphore_mem>>)
    %dma_wait3A_692 = arith.constant 0 : i32
    %dma_wait3A_693 = tpu.memref_slice %arg3[%add3A_647, %dma_wait3A_692] : memref<8192x1024xf32, #tpu.memory_space<hbm>> -> memref<16x1024xf32, #tpu.memory_space<hbm>>
    %dma_wait3A_694 = arith.constant 0 : i32
    %dma_wait3A_695 = tpu.memref_slice %arg3[%add3A_647, %dma_wait3A_694] : memref<8192x1024xf32, #tpu.memory_space<hbm>> -> memref<16x1024xf32, #tpu.memory_space<hbm>>
    tpu.wait_dma2 semaphore(%arg23 : memref<!tpu.dma_semaphore, #tpu.memory_space<semaphore_mem>>) src(%dma_wait3A_695 : memref<16x1024xf32, #tpu.memory_space<hbm>>) dst(%arg14 : memref<16x1024xf32, #tpu.memory_space<vmem>>)
    %dma_start3A_696 = arith.constant 12 : i32
    %dma_start3A_697 = arith.constant 0 : i32
    %dma_start3A_698 = tpu.memref_slice %arg13[%dma_start3A_696, %dma_start3A_697] : memref<32x16xi32, #tpu.memory_space<vmem>> -> memref<1x16xi32, #tpu.memory_space<vmem>>
    %dma_start3A_699 = tpu.memref_squeeze %dma_start3A_698 : memref<1x16xi32, #tpu.memory_space<vmem>> -> memref<16xi32, #tpu.memory_space<vmem>>
    %dma_start3A_700 = arith.constant 0 : i32
    %dma_start3A_701 = arith.constant 0 : i32
    %dma_start3A_702 = tpu.memref_slice %arg4[%dma_start3A_700, %dma_start3A_701] : memref<16384x1024xf32, #tpu.memory_space<hbm>> -> memref<16384x1024xf32, #tpu.memory_space<hbm>>
    tpu.enqueue_indirect_dma source(%arg14 : memref<16x1024xf32, #tpu.memory_space<vmem>>) target(%dma_start3A_702 : memref<16384x1024xf32, #tpu.memory_space<hbm>>) offsets(%dma_start3A_699 : memref<16xi32, #tpu.memory_space<vmem>>) semaphore(%arg17 : memref<!tpu.dma_semaphore, #tpu.memory_space<semaphore_mem>>)
    %dma_start3A_703 = arith.constant 28 : i32
    %dma_start3A_704 = arith.constant 0 : i32
    %dma_start3A_705 = tpu.memref_slice %arg13[%dma_start3A_703, %dma_start3A_704] : memref<32x16xi32, #tpu.memory_space<vmem>> -> memref<1x16xi32, #tpu.memory_space<vmem>>
    %dma_start3A_706 = tpu.memref_squeeze %dma_start3A_705 : memref<1x16xi32, #tpu.memory_space<vmem>> -> memref<16xi32, #tpu.memory_space<vmem>>
    %dma_start3A_707 = arith.constant 0 : i32
    %dma_start3A_708 = arith.constant 0 : i32
    %dma_start3A_709 = tpu.memref_slice %arg4[%dma_start3A_707, %dma_start3A_708] : memref<16384x1024xf32, #tpu.memory_space<hbm>> -> memref<16384x1024xf32, #tpu.memory_space<hbm>>
    tpu.enqueue_indirect_dma source(%arg14 : memref<16x1024xf32, #tpu.memory_space<vmem>>) target(%dma_start3A_709 : memref<16384x1024xf32, #tpu.memory_space<hbm>>) offsets(%dma_start3A_706 : memref<16xi32, #tpu.memory_space<vmem>>) semaphore(%arg18 : memref<!tpu.dma_semaphore, #tpu.memory_space<semaphore_mem>>)
    %dma_wait3A_710 = arith.constant 11 : i32
    %dma_wait3A_711 = arith.constant 0 : i32
    %dma_wait3A_712 = tpu.memref_slice %arg13[%dma_wait3A_710, %dma_wait3A_711] : memref<32x16xi32, #tpu.memory_space<vmem>> -> memref<1x16xi32, #tpu.memory_space<vmem>>
    %dma_wait3A_713 = tpu.memref_squeeze %dma_wait3A_712 : memref<1x16xi32, #tpu.memory_space<vmem>> -> memref<16xi32, #tpu.memory_space<vmem>>
    %dma_wait3A_714 = arith.constant 0 : i32
    %dma_wait3A_715 = arith.constant 0 : i32
    %dma_wait3A_716 = tpu.memref_slice %arg4[%dma_wait3A_714, %dma_wait3A_715] : memref<16384x1024xf32, #tpu.memory_space<hbm>> -> memref<16384x1024xf32, #tpu.memory_space<hbm>>
    tpu.wait_indirect_dma semaphore(%arg21 : memref<!tpu.dma_semaphore, #tpu.memory_space<semaphore_mem>>) src(%arg16 : memref<16x1024xf32, #tpu.memory_space<vmem>>) dst(%dma_wait3A_716 : memref<16384x1024xf32, #tpu.memory_space<hbm>>)
    %dma_wait3A_717 = arith.constant 27 : i32
    %dma_wait3A_718 = arith.constant 0 : i32
    %dma_wait3A_719 = tpu.memref_slice %arg13[%dma_wait3A_717, %dma_wait3A_718] : memref<32x16xi32, #tpu.memory_space<vmem>> -> memref<1x16xi32, #tpu.memory_space<vmem>>
    %dma_wait3A_720 = tpu.memref_squeeze %dma_wait3A_719 : memref<1x16xi32, #tpu.memory_space<vmem>> -> memref<16xi32, #tpu.memory_space<vmem>>
    %dma_wait3A_721 = arith.constant 0 : i32
    %dma_wait3A_722 = arith.constant 0 : i32
    %dma_wait3A_723 = tpu.memref_slice %arg4[%dma_wait3A_721, %dma_wait3A_722] : memref<16384x1024xf32, #tpu.memory_space<hbm>> -> memref<16384x1024xf32, #tpu.memory_space<hbm>>
    tpu.wait_indirect_dma semaphore(%arg22 : memref<!tpu.dma_semaphore, #tpu.memory_space<semaphore_mem>>) src(%arg16 : memref<16x1024xf32, #tpu.memory_space<vmem>>) dst(%dma_wait3A_723 : memref<16384x1024xf32, #tpu.memory_space<hbm>>)
    %mul3A_724 = arith.constant 256 : i32
    %mul3A_725 = arith.muli %add3A, %mul3A_724 : i32
    %add3A_726 = arith.constant 224 : i32
    %add3A_727 = arith.addi %mul3A_725, %add3A_726 : i32
    %dma_start3A_728 = arith.constant 0 : i32
    %dma_start3A_729 = tpu.memref_slice %arg3[%add3A_727, %dma_start3A_728] : memref<8192x1024xf32, #tpu.memory_space<hbm>> -> memref<16x1024xf32, #tpu.memory_space<hbm>>
    %dma_start3A_730 = arith.constant 0 : i32
    %dma_start3A_731 = tpu.memref_slice %arg3[%add3A_727, %dma_start3A_730] : memref<8192x1024xf32, #tpu.memory_space<hbm>> -> memref<16x1024xf32, #tpu.memory_space<hbm>>
    tpu.enqueue_dma source(%dma_start3A_731 : memref<16x1024xf32, #tpu.memory_space<hbm>>) target(%arg16 : memref<16x1024xf32, #tpu.memory_space<vmem>>) target_semaphore(%arg25 : memref<!tpu.dma_semaphore, #tpu.memory_space<semaphore_mem>>)
    %dma_wait3A_732 = arith.constant 0 : i32
    %dma_wait3A_733 = tpu.memref_slice %arg3[%add3A_687, %dma_wait3A_732] : memref<8192x1024xf32, #tpu.memory_space<hbm>> -> memref<16x1024xf32, #tpu.memory_space<hbm>>
    %dma_wait3A_734 = arith.constant 0 : i32
    %dma_wait3A_735 = tpu.memref_slice %arg3[%add3A_687, %dma_wait3A_734] : memref<8192x1024xf32, #tpu.memory_space<hbm>> -> memref<16x1024xf32, #tpu.memory_space<hbm>>
    tpu.wait_dma2 semaphore(%arg24 : memref<!tpu.dma_semaphore, #tpu.memory_space<semaphore_mem>>) src(%dma_wait3A_735 : memref<16x1024xf32, #tpu.memory_space<hbm>>) dst(%arg15 : memref<16x1024xf32, #tpu.memory_space<vmem>>)
    %dma_start3A_736 = arith.constant 13 : i32
    %dma_start3A_737 = arith.constant 0 : i32
    %dma_start3A_738 = tpu.memref_slice %arg13[%dma_start3A_736, %dma_start3A_737] : memref<32x16xi32, #tpu.memory_space<vmem>> -> memref<1x16xi32, #tpu.memory_space<vmem>>
    %dma_start3A_739 = tpu.memref_squeeze %dma_start3A_738 : memref<1x16xi32, #tpu.memory_space<vmem>> -> memref<16xi32, #tpu.memory_space<vmem>>
    %dma_start3A_740 = arith.constant 0 : i32
    %dma_start3A_741 = arith.constant 0 : i32
    %dma_start3A_742 = tpu.memref_slice %arg4[%dma_start3A_740, %dma_start3A_741] : memref<16384x1024xf32, #tpu.memory_space<hbm>> -> memref<16384x1024xf32, #tpu.memory_space<hbm>>
    tpu.enqueue_indirect_dma source(%arg15 : memref<16x1024xf32, #tpu.memory_space<vmem>>) target(%dma_start3A_742 : memref<16384x1024xf32, #tpu.memory_space<hbm>>) offsets(%dma_start3A_739 : memref<16xi32, #tpu.memory_space<vmem>>) semaphore(%arg19 : memref<!tpu.dma_semaphore, #tpu.memory_space<semaphore_mem>>)
    %dma_start3A_743 = arith.constant 29 : i32
    %dma_start3A_744 = arith.constant 0 : i32
    %dma_start3A_745 = tpu.memref_slice %arg13[%dma_start3A_743, %dma_start3A_744] : memref<32x16xi32, #tpu.memory_space<vmem>> -> memref<1x16xi32, #tpu.memory_space<vmem>>
    %dma_start3A_746 = tpu.memref_squeeze %dma_start3A_745 : memref<1x16xi32, #tpu.memory_space<vmem>> -> memref<16xi32, #tpu.memory_space<vmem>>
    %dma_start3A_747 = arith.constant 0 : i32
    %dma_start3A_748 = arith.constant 0 : i32
    %dma_start3A_749 = tpu.memref_slice %arg4[%dma_start3A_747, %dma_start3A_748] : memref<16384x1024xf32, #tpu.memory_space<hbm>> -> memref<16384x1024xf32, #tpu.memory_space<hbm>>
    tpu.enqueue_indirect_dma source(%arg15 : memref<16x1024xf32, #tpu.memory_space<vmem>>) target(%dma_start3A_749 : memref<16384x1024xf32, #tpu.memory_space<hbm>>) offsets(%dma_start3A_746 : memref<16xi32, #tpu.memory_space<vmem>>) semaphore(%arg20 : memref<!tpu.dma_semaphore, #tpu.memory_space<semaphore_mem>>)
    %dma_wait3A_750 = arith.constant 12 : i32
    %dma_wait3A_751 = arith.constant 0 : i32
    %dma_wait3A_752 = tpu.memref_slice %arg13[%dma_wait3A_750, %dma_wait3A_751] : memref<32x16xi32, #tpu.memory_space<vmem>> -> memref<1x16xi32, #tpu.memory_space<vmem>>
    %dma_wait3A_753 = tpu.memref_squeeze %dma_wait3A_752 : memref<1x16xi32, #tpu.memory_space<vmem>> -> memref<16xi32, #tpu.memory_space<vmem>>
    %dma_wait3A_754 = arith.constant 0 : i32
    %dma_wait3A_755 = arith.constant 0 : i32
    %dma_wait3A_756 = tpu.memref_slice %arg4[%dma_wait3A_754, %dma_wait3A_755] : memref<16384x1024xf32, #tpu.memory_space<hbm>> -> memref<16384x1024xf32, #tpu.memory_space<hbm>>
    tpu.wait_indirect_dma semaphore(%arg17 : memref<!tpu.dma_semaphore, #tpu.memory_space<semaphore_mem>>) src(%arg14 : memref<16x1024xf32, #tpu.memory_space<vmem>>) dst(%dma_wait3A_756 : memref<16384x1024xf32, #tpu.memory_space<hbm>>)
    %dma_wait3A_757 = arith.constant 28 : i32
    %dma_wait3A_758 = arith.constant 0 : i32
    %dma_wait3A_759 = tpu.memref_slice %arg13[%dma_wait3A_757, %dma_wait3A_758] : memref<32x16xi32, #tpu.memory_space<vmem>> -> memref<1x16xi32, #tpu.memory_space<vmem>>
    %dma_wait3A_760 = tpu.memref_squeeze %dma_wait3A_759 : memref<1x16xi32, #tpu.memory_space<vmem>> -> memref<16xi32, #tpu.memory_space<vmem>>
    %dma_wait3A_761 = arith.constant 0 : i32
    %dma_wait3A_762 = arith.constant 0 : i32
    %dma_wait3A_763 = tpu.memref_slice %arg4[%dma_wait3A_761, %dma_wait3A_762] : memref<16384x1024xf32, #tpu.memory_space<hbm>> -> memref<16384x1024xf32, #tpu.memory_space<hbm>>
    tpu.wait_indirect_dma semaphore(%arg18 : memref<!tpu.dma_semaphore, #tpu.memory_space<semaphore_mem>>) src(%arg14 : memref<16x1024xf32, #tpu.memory_space<vmem>>) dst(%dma_wait3A_763 : memref<16384x1024xf32, #tpu.memory_space<hbm>>)
    %mul3A_764 = arith.constant 256 : i32
    %mul3A_765 = arith.muli %add3A, %mul3A_764 : i32
    %add3A_766 = arith.constant 240 : i32
    %add3A_767 = arith.addi %mul3A_765, %add3A_766 : i32
    %dma_start3A_768 = arith.constant 0 : i32
    %dma_start3A_769 = tpu.memref_slice %arg3[%add3A_767, %dma_start3A_768] : memref<8192x1024xf32, #tpu.memory_space<hbm>> -> memref<16x1024xf32, #tpu.memory_space<hbm>>
    %dma_start3A_770 = arith.constant 0 : i32
    %dma_start3A_771 = tpu.memref_slice %arg3[%add3A_767, %dma_start3A_770] : memref<8192x1024xf32, #tpu.memory_space<hbm>> -> memref<16x1024xf32, #tpu.memory_space<hbm>>
    tpu.enqueue_dma source(%dma_start3A_771 : memref<16x1024xf32, #tpu.memory_space<hbm>>) target(%arg14 : memref<16x1024xf32, #tpu.memory_space<vmem>>) target_semaphore(%arg23 : memref<!tpu.dma_semaphore, #tpu.memory_space<semaphore_mem>>)
    %dma_wait3A_772 = arith.constant 0 : i32
    %dma_wait3A_773 = tpu.memref_slice %arg3[%add3A_727, %dma_wait3A_772] : memref<8192x1024xf32, #tpu.memory_space<hbm>> -> memref<16x1024xf32, #tpu.memory_space<hbm>>
    %dma_wait3A_774 = arith.constant 0 : i32
    %dma_wait3A_775 = tpu.memref_slice %arg3[%add3A_727, %dma_wait3A_774] : memref<8192x1024xf32, #tpu.memory_space<hbm>> -> memref<16x1024xf32, #tpu.memory_space<hbm>>
    tpu.wait_dma2 semaphore(%arg25 : memref<!tpu.dma_semaphore, #tpu.memory_space<semaphore_mem>>) src(%dma_wait3A_775 : memref<16x1024xf32, #tpu.memory_space<hbm>>) dst(%arg16 : memref<16x1024xf32, #tpu.memory_space<vmem>>)
    %dma_start3A_776 = arith.constant 14 : i32
    %dma_start3A_777 = arith.constant 0 : i32
    %dma_start3A_778 = tpu.memref_slice %arg13[%dma_start3A_776, %dma_start3A_777] : memref<32x16xi32, #tpu.memory_space<vmem>> -> memref<1x16xi32, #tpu.memory_space<vmem>>
    %dma_start3A_779 = tpu.memref_squeeze %dma_start3A_778 : memref<1x16xi32, #tpu.memory_space<vmem>> -> memref<16xi32, #tpu.memory_space<vmem>>
    %dma_start3A_780 = arith.constant 0 : i32
    %dma_start3A_781 = arith.constant 0 : i32
    %dma_start3A_782 = tpu.memref_slice %arg4[%dma_start3A_780, %dma_start3A_781] : memref<16384x1024xf32, #tpu.memory_space<hbm>> -> memref<16384x1024xf32, #tpu.memory_space<hbm>>
    tpu.enqueue_indirect_dma source(%arg16 : memref<16x1024xf32, #tpu.memory_space<vmem>>) target(%dma_start3A_782 : memref<16384x1024xf32, #tpu.memory_space<hbm>>) offsets(%dma_start3A_779 : memref<16xi32, #tpu.memory_space<vmem>>) semaphore(%arg21 : memref<!tpu.dma_semaphore, #tpu.memory_space<semaphore_mem>>)
    %dma_start3A_783 = arith.constant 30 : i32
    %dma_start3A_784 = arith.constant 0 : i32
    %dma_start3A_785 = tpu.memref_slice %arg13[%dma_start3A_783, %dma_start3A_784] : memref<32x16xi32, #tpu.memory_space<vmem>> -> memref<1x16xi32, #tpu.memory_space<vmem>>
    %dma_start3A_786 = tpu.memref_squeeze %dma_start3A_785 : memref<1x16xi32, #tpu.memory_space<vmem>> -> memref<16xi32, #tpu.memory_space<vmem>>
    %dma_start3A_787 = arith.constant 0 : i32
    %dma_start3A_788 = arith.constant 0 : i32
    %dma_start3A_789 = tpu.memref_slice %arg4[%dma_start3A_787, %dma_start3A_788] : memref<16384x1024xf32, #tpu.memory_space<hbm>> -> memref<16384x1024xf32, #tpu.memory_space<hbm>>
    tpu.enqueue_indirect_dma source(%arg16 : memref<16x1024xf32, #tpu.memory_space<vmem>>) target(%dma_start3A_789 : memref<16384x1024xf32, #tpu.memory_space<hbm>>) offsets(%dma_start3A_786 : memref<16xi32, #tpu.memory_space<vmem>>) semaphore(%arg22 : memref<!tpu.dma_semaphore, #tpu.memory_space<semaphore_mem>>)
    %dma_wait3A_790 = arith.constant 0 : i32
    %dma_wait3A_791 = tpu.memref_slice %arg3[%add3A_767, %dma_wait3A_790] : memref<8192x1024xf32, #tpu.memory_space<hbm>> -> memref<16x1024xf32, #tpu.memory_space<hbm>>
    %dma_wait3A_792 = arith.constant 0 : i32
    %dma_wait3A_793 = tpu.memref_slice %arg3[%add3A_767, %dma_wait3A_792] : memref<8192x1024xf32, #tpu.memory_space<hbm>> -> memref<16x1024xf32, #tpu.memory_space<hbm>>
    tpu.wait_dma2 semaphore(%arg23 : memref<!tpu.dma_semaphore, #tpu.memory_space<semaphore_mem>>) src(%dma_wait3A_793 : memref<16x1024xf32, #tpu.memory_space<hbm>>) dst(%arg14 : memref<16x1024xf32, #tpu.memory_space<vmem>>)
    %dma_start3A_794 = arith.constant 15 : i32
    %dma_start3A_795 = arith.constant 0 : i32
    %dma_start3A_796 = tpu.memref_slice %arg13[%dma_start3A_794, %dma_start3A_795] : memref<32x16xi32, #tpu.memory_space<vmem>> -> memref<1x16xi32, #tpu.memory_space<vmem>>
    %dma_start3A_797 = tpu.memref_squeeze %dma_start3A_796 : memref<1x16xi32, #tpu.memory_space<vmem>> -> memref<16xi32, #tpu.memory_space<vmem>>
    %dma_start3A_798 = arith.constant 0 : i32
    %dma_start3A_799 = arith.constant 0 : i32
    %dma_start3A_800 = tpu.memref_slice %arg4[%dma_start3A_798, %dma_start3A_799] : memref<16384x1024xf32, #tpu.memory_space<hbm>> -> memref<16384x1024xf32, #tpu.memory_space<hbm>>
    tpu.enqueue_indirect_dma source(%arg14 : memref<16x1024xf32, #tpu.memory_space<vmem>>) target(%dma_start3A_800 : memref<16384x1024xf32, #tpu.memory_space<hbm>>) offsets(%dma_start3A_797 : memref<16xi32, #tpu.memory_space<vmem>>) semaphore(%arg17 : memref<!tpu.dma_semaphore, #tpu.memory_space<semaphore_mem>>)
    %dma_start3A_801 = arith.constant 31 : i32
    %dma_start3A_802 = arith.constant 0 : i32
    %dma_start3A_803 = tpu.memref_slice %arg13[%dma_start3A_801, %dma_start3A_802] : memref<32x16xi32, #tpu.memory_space<vmem>> -> memref<1x16xi32, #tpu.memory_space<vmem>>
    %dma_start3A_804 = tpu.memref_squeeze %dma_start3A_803 : memref<1x16xi32, #tpu.memory_space<vmem>> -> memref<16xi32, #tpu.memory_space<vmem>>
    %dma_start3A_805 = arith.constant 0 : i32
    %dma_start3A_806 = arith.constant 0 : i32
    %dma_start3A_807 = tpu.memref_slice %arg4[%dma_start3A_805, %dma_start3A_806] : memref<16384x1024xf32, #tpu.memory_space<hbm>> -> memref<16384x1024xf32, #tpu.memory_space<hbm>>
    tpu.enqueue_indirect_dma source(%arg14 : memref<16x1024xf32, #tpu.memory_space<vmem>>) target(%dma_start3A_807 : memref<16384x1024xf32, #tpu.memory_space<hbm>>) offsets(%dma_start3A_804 : memref<16xi32, #tpu.memory_space<vmem>>) semaphore(%arg18 : memref<!tpu.dma_semaphore, #tpu.memory_space<semaphore_mem>>)
    %eq3A = arith.constant 0 : i32
    %eq3A_808 = arith.cmpi eq, %add3A, %eq3A : i32
    %convert_element_type3A = arith.extui %eq3A_808 : i1 to i32
    %cond3A = arith.constant 0 : i32
    %cond3A_809 = arith.cmpi ne, %convert_element_type3A, %cond3A : i32
    scf.if %cond3A_809 {
      "tpu.region"() ({
        %run_scoped3A = tpu.sem_alloc : memref<!tpu.dma_semaphore, #tpu.memory_space<semaphore_mem>>
        tpu.enqueue_dma source(%arg11 : memref<64xi32, #tpu.memory_space<vmem>>) target(%arg5 : memref<64xi32, #tpu.memory_space<hbm>>) target_semaphore(%run_scoped3A : memref<!tpu.dma_semaphore, #tpu.memory_space<semaphore_mem>>)
        tpu.wait_dma2 semaphore(%run_scoped3A : memref<!tpu.dma_semaphore, #tpu.memory_space<semaphore_mem>>) src(%arg11 : memref<64xi32, #tpu.memory_space<vmem>>) dst(%arg5 : memref<64xi32, #tpu.memory_space<hbm>>)
        tpu.yield
      }) : () -> ()
    } else {
    }
    %dma_wait3A_810 = arith.constant 15 : i32
    %dma_wait3A_811 = arith.constant 0 : i32
    %dma_wait3A_812 = tpu.memref_slice %arg13[%dma_wait3A_810, %dma_wait3A_811] : memref<32x16xi32, #tpu.memory_space<vmem>> -> memref<1x16xi32, #tpu.memory_space<vmem>>
    %dma_wait3A_813 = tpu.memref_squeeze %dma_wait3A_812 : memref<1x16xi32, #tpu.memory_space<vmem>> -> memref<16xi32, #tpu.memory_space<vmem>>
    %dma_wait3A_814 = arith.constant 0 : i32
    %dma_wait3A_815 = arith.constant 0 : i32
    %dma_wait3A_816 = tpu.memref_slice %arg4[%dma_wait3A_814, %dma_wait3A_815] : memref<16384x1024xf32, #tpu.memory_space<hbm>> -> memref<16384x1024xf32, #tpu.memory_space<hbm>>
    tpu.wait_indirect_dma semaphore(%arg17 : memref<!tpu.dma_semaphore, #tpu.memory_space<semaphore_mem>>) src(%arg14 : memref<16x1024xf32, #tpu.memory_space<vmem>>) dst(%dma_wait3A_816 : memref<16384x1024xf32, #tpu.memory_space<hbm>>)
    %dma_wait3A_817 = arith.constant 31 : i32
    %dma_wait3A_818 = arith.constant 0 : i32
    %dma_wait3A_819 = tpu.memref_slice %arg13[%dma_wait3A_817, %dma_wait3A_818] : memref<32x16xi32, #tpu.memory_space<vmem>> -> memref<1x16xi32, #tpu.memory_space<vmem>>
    %dma_wait3A_820 = tpu.memref_squeeze %dma_wait3A_819 : memref<1x16xi32, #tpu.memory_space<vmem>> -> memref<16xi32, #tpu.memory_space<vmem>>
    %dma_wait3A_821 = arith.constant 0 : i32
    %dma_wait3A_822 = arith.constant 0 : i32
    %dma_wait3A_823 = tpu.memref_slice %arg4[%dma_wait3A_821, %dma_wait3A_822] : memref<16384x1024xf32, #tpu.memory_space<hbm>> -> memref<16384x1024xf32, #tpu.memory_space<hbm>>
    tpu.wait_indirect_dma semaphore(%arg18 : memref<!tpu.dma_semaphore, #tpu.memory_space<semaphore_mem>>) src(%arg14 : memref<16x1024xf32, #tpu.memory_space<vmem>>) dst(%dma_wait3A_823 : memref<16384x1024xf32, #tpu.memory_space<hbm>>)
    %dma_wait3A_824 = arith.constant 13 : i32
    %dma_wait3A_825 = arith.constant 0 : i32
    %dma_wait3A_826 = tpu.memref_slice %arg13[%dma_wait3A_824, %dma_wait3A_825] : memref<32x16xi32, #tpu.memory_space<vmem>> -> memref<1x16xi32, #tpu.memory_space<vmem>>
    %dma_wait3A_827 = tpu.memref_squeeze %dma_wait3A_826 : memref<1x16xi32, #tpu.memory_space<vmem>> -> memref<16xi32, #tpu.memory_space<vmem>>
    %dma_wait3A_828 = arith.constant 0 : i32
    %dma_wait3A_829 = arith.constant 0 : i32
    %dma_wait3A_830 = tpu.memref_slice %arg4[%dma_wait3A_828, %dma_wait3A_829] : memref<16384x1024xf32, #tpu.memory_space<hbm>> -> memref<16384x1024xf32, #tpu.memory_space<hbm>>
    tpu.wait_indirect_dma semaphore(%arg19 : memref<!tpu.dma_semaphore, #tpu.memory_space<semaphore_mem>>) src(%arg15 : memref<16x1024xf32, #tpu.memory_space<vmem>>) dst(%dma_wait3A_830 : memref<16384x1024xf32, #tpu.memory_space<hbm>>)
    %dma_wait3A_831 = arith.constant 29 : i32
    %dma_wait3A_832 = arith.constant 0 : i32
    %dma_wait3A_833 = tpu.memref_slice %arg13[%dma_wait3A_831, %dma_wait3A_832] : memref<32x16xi32, #tpu.memory_space<vmem>> -> memref<1x16xi32, #tpu.memory_space<vmem>>
    %dma_wait3A_834 = tpu.memref_squeeze %dma_wait3A_833 : memref<1x16xi32, #tpu.memory_space<vmem>> -> memref<16xi32, #tpu.memory_space<vmem>>
    %dma_wait3A_835 = arith.constant 0 : i32
    %dma_wait3A_836 = arith.constant 0 : i32
    %dma_wait3A_837 = tpu.memref_slice %arg4[%dma_wait3A_835, %dma_wait3A_836] : memref<16384x1024xf32, #tpu.memory_space<hbm>> -> memref<16384x1024xf32, #tpu.memory_space<hbm>>
    tpu.wait_indirect_dma semaphore(%arg20 : memref<!tpu.dma_semaphore, #tpu.memory_space<semaphore_mem>>) src(%arg15 : memref<16x1024xf32, #tpu.memory_space<vmem>>) dst(%dma_wait3A_837 : memref<16384x1024xf32, #tpu.memory_space<hbm>>)
    %dma_wait3A_838 = arith.constant 14 : i32
    %dma_wait3A_839 = arith.constant 0 : i32
    %dma_wait3A_840 = tpu.memref_slice %arg13[%dma_wait3A_838, %dma_wait3A_839] : memref<32x16xi32, #tpu.memory_space<vmem>> -> memref<1x16xi32, #tpu.memory_space<vmem>>
    %dma_wait3A_841 = tpu.memref_squeeze %dma_wait3A_840 : memref<1x16xi32, #tpu.memory_space<vmem>> -> memref<16xi32, #tpu.memory_space<vmem>>
    %dma_wait3A_842 = arith.constant 0 : i32
    %dma_wait3A_843 = arith.constant 0 : i32
    %dma_wait3A_844 = tpu.memref_slice %arg4[%dma_wait3A_842, %dma_wait3A_843] : memref<16384x1024xf32, #tpu.memory_space<hbm>> -> memref<16384x1024xf32, #tpu.memory_space<hbm>>
    tpu.wait_indirect_dma semaphore(%arg21 : memref<!tpu.dma_semaphore, #tpu.memory_space<semaphore_mem>>) src(%arg16 : memref<16x1024xf32, #tpu.memory_space<vmem>>) dst(%dma_wait3A_844 : memref<16384x1024xf32, #tpu.memory_space<hbm>>)
    %dma_wait3A_845 = arith.constant 30 : i32
    %dma_wait3A_846 = arith.constant 0 : i32
    %dma_wait3A_847 = tpu.memref_slice %arg13[%dma_wait3A_845, %dma_wait3A_846] : memref<32x16xi32, #tpu.memory_space<vmem>> -> memref<1x16xi32, #tpu.memory_space<vmem>>
    %dma_wait3A_848 = tpu.memref_squeeze %dma_wait3A_847 : memref<1x16xi32, #tpu.memory_space<vmem>> -> memref<16xi32, #tpu.memory_space<vmem>>
    %dma_wait3A_849 = arith.constant 0 : i32
    %dma_wait3A_850 = arith.constant 0 : i32
    %dma_wait3A_851 = tpu.memref_slice %arg4[%dma_wait3A_849, %dma_wait3A_850] : memref<16384x1024xf32, #tpu.memory_space<hbm>> -> memref<16384x1024xf32, #tpu.memory_space<hbm>>
    tpu.wait_indirect_dma semaphore(%arg22 : memref<!tpu.dma_semaphore, #tpu.memory_space<semaphore_mem>>) src(%arg16 : memref<16x1024xf32, #tpu.memory_space<vmem>>) dst(%dma_wait3A_851 : memref<16384x1024xf32, #tpu.memory_space<hbm>>)
    return
  }
}

module attributes {stable_mosaic.version = 14 : i64} {
  func.func @_combine_body(%arg0: i32, %arg1: memref<512x1024xf32, #tpu.memory_space<vmem>>, %arg2: memref<512x2xf32, #tpu.memory_space<vmem>>, %arg3: memref<512x1024xf32, #tpu.memory_space<vmem>>) attributes {dimension_semantics = [#tpu.dimension_semantics<arbitrary>], iteration_bounds = array<i64: 16>, scalar_prefetch = 0 : i64, scratch_operands = 0 : i64, tpu.core_type = #tpu.core_type<tc>, window_params = [{transform_indices = @transform_0, window_bounds = array<i64: 512, 1024>}, {transform_indices = @transform_1, window_bounds = array<i64: 512, 2>}, {transform_indices = @transform_2, window_bounds = array<i64: 512, 1024>}]} {
    %get3A = arith.constant 0 : index
    %get3A_0 = arith.constant 0 : index
    %get3A_1 = vector.load %arg2[%get3A, %get3A_0] : memref<512x2xf32, #tpu.memory_space<vmem>>, vector<512x2xf32>
    %reduce_sum3A = arith.constant dense<0.000000e+00> : vector<512xf32>
    %reduce_sum3A_2 = vector.multi_reduction <add>, %get3A_1, %reduce_sum3A [1] : vector<512x2xf32> to vector<512xf32>
    %broadcast_in_dim3A = vector.shape_cast %reduce_sum3A_2 : vector<512xf32> to vector<512x1xf32>
    %get3A_3 = arith.constant 0 : index
    %get3A_4 = arith.constant 0 : index
    %get3A_5 = vector.load %arg1[%get3A_3, %get3A_4] : memref<512x1024xf32, #tpu.memory_space<vmem>>, vector<512x1024xf32>
    %mul3A = vector.broadcast %broadcast_in_dim3A : vector<512x1xf32> to vector<512x1024xf32>
    %mul3A_6 = arith.mulf %get3A_5, %mul3A : vector<512x1024xf32>
    %swap3A = arith.constant 0 : index
    %swap3A_7 = arith.constant 0 : index
    %swap3A_8 = vector.load %arg3[%swap3A, %swap3A_7] : memref<512x1024xf32, #tpu.memory_space<vmem>>, vector<512x1024xf32>
    tpu.vector_store %arg3[%swap3A, %swap3A_7], %mul3A_6 {strides = array<i32>} : memref<512x1024xf32, #tpu.memory_space<vmem>>, vector<512x1024xf32>,
    return
  }
  func.func @transform_0(%arg0: i32) -> (i32, i32) {
    %c0_i32 = arith.constant 0 : i32
    %c0_i32_0 = arith.constant 0 : i32
    return %arg0, %c0_i32 : i32, i32
  }
  func.func @transform_1(%arg0: i32) -> (i32, i32) {
    %c0_i32 = arith.constant 0 : i32
    %c0_i32_0 = arith.constant 0 : i32
    return %arg0, %c0_i32 : i32, i32
  }
  func.func @transform_2(%arg0: i32) -> (i32, i32) {
    %c0_i32 = arith.constant 0 : i32
    %c0_i32_0 = arith.constant 0 : i32
    return %arg0, %c0_i32 : i32, i32
  }
}

</mosaic_0001>

<sc_bundles>
// kernel: kernel.4.cloned.1.call-start
scs
__scs_entry_jumppad:
0x0: {  	(pc) =	sbr.rel $0x88, $3  }
0x1: {  	(tag) =	ssettag $0x0;
	lr =	simm.s32 $0x1  }
0x2: {  	[smem:$0x3F9E] =	sst lr;
	_ =	strace $0xD0000000  }
0x3: {  	_ = 	snop  }
0x4: {  	_ = 	snop  }
0x5: {  	_ = 	snop  }
0x6: {  	_ = 	snop  }
0x7: {  	_ = 	snop  }
__scs_overlays_trampoline_lowered:
0x8: {  	[smem:$0x3FAD] =	sst s0  }
0x9: {  	[smem:$0x3FAE] =	sst s1  }
0xa: {  	[smem:$0x3FAF] =	sst s2  }
0xb: {  	[smem:$0x3FB0] =	sst s3  }
0xc: {  	[smem:$0x3FB1] =	sst s4  }
0xd: {  	[smem:$0x3FB2] =	sst s5  }
0xe: {  	[smem:$0x3FB3] =	sst s6  }
0xf: {  	[smem:$0x3FB4] =	sst s7  }
0x10: {  	[smem:$0x3FB5] =	sst s8  }
0x11: {  	[smem:$0x3FB6] =	sst s9;
	s0 =	simm.s32 @!p0 $0x0  }
0x12: {  	s1 =	sld [smem:$0x3F9C];
	s0 =	simm.s32 @p0 $0x1  }
0x13: {  	[smem:$0x3FB7] =	sst s0;
	s0 =	simm.s32 @!p1 $0x0  }
0x14: {  	s2 =	sld [smem:$0x3F9B];
	s0 =	simm.s32 @p1 $0x1  }
0x15: {  	[smem:$0x3FB8] =	sst s0;
	s0 =	simm.s32 @!p2 $0x0  }
0x16: {  	s3 =	sld [smem:$0x3FDB];
	s0 =	simm.s32 @p2 $0x1  }
0x17: {  	s4 =	simm.s32 $0x1BF5;
	[smem:$0x3FBA] =	sst s0  }
0x18: {  	s0 =	sld [smem:$0x3F9D];
	_ =	swait.ge [sflag:s4], $0x0  }
0x19: {  	s7 =	sld [smem:$0x3F9E]  }
0x1a: {  	s8 =	sadd.s32 $0xFFFFE003, lr  }
0x1b: {  	s9 =	sadd.s32 $0xFFFFFEF7, lr;
	s5 =	simm.s32 $0xFFFFFFFF;
	p2 =	slt.u32 s8, $0xFFFFF086  }
0x1c: {  	p1 =	slt.u32 s9, $0xF7A;
	s5 =	simm.s32 @!p2 $0x0  }
0x1d: {  	s5 =	simm.s32 @p1 $0x1;
	p0 =	seq.s32 s7, s2  }
0x1e: {  	s7 =	smul.u32 @!p0 $0xF7A, s2;
	p2 =	seq.s32 @!p0 s5, $0x0  }
0x1f: {  	s9 =	smul.u32 $0xF7A, s1;
	s8 =	simm.s32 @!p0 $0x1BF5;
	p2 =	por !p2, p0  }
0x20: {  	[sflag:s8] =	ssyncset.s32 @!p0 $0xFFFFF086;
	s6 =	sadd.s32 @!p0 s3, s7;
	s7 =	simm.s32 @!p0 $0x108  }
0x21: {  	s3 =	sadd.s32 s3, s9;
	s6 =	sadd.s32 @!p0 $0x88, s6;
	s7 =	simm.s32 @p2 $0x1082  }
0x22: {  	[simem:s7], [sflag:s8] =	dma.local @!p0 [hbm:s6], $0xF7A  }
0x23: {  	s9 =	sor.u32 $0xD0000000, s2;
	s6 =	simm.s32 $0x108;
	_ =	swait.ge @!p0 [sflag:s8], $0x0  }
0x24: {  	s3 =	sadd.s32 $0x88, s3;
	s6 =	simm.s32 @!p1 $0x1082;
	[sflag:s4] =	ssyncset.s32 $0xFFFFF086  }
0x25: {  	[simem:s6], [sflag:s4] =	dma.local [hbm:s3], $0xF7A  }
0x26: {  	[smem:$0x3F9E] =	sst s1;
	(tag) =	ssettag s2;
	_ =	strace s9  }
0x27: {  	s1 =	sld [smem:$0x3FAE]  }
0x28: {  	s2 =	sld [smem:$0x3FAF]  }
0x29: {  	s4 =	sld [smem:$0x3FB1]  }
0x2a: {  	p0 =	seq.s32 s5, $0x0;
	s5 =	sld [smem:$0x3FB2]  }
0x2b: {  	s6 =	sld [smem:$0x3FB3]  }
0x2c: {  	s7 =	sld [smem:$0x3FB4]  }
0x2d: {  	s3 =	simm.s32 $0x108;
	s8 =	sld [smem:$0x3FB5]  }
0x2e: {  	s3 =	simm.s32 @!p0 $0x1082;
	s9 =	sld [smem:$0x3FB6]  }
0x2f: {  	lr =	sadd.s32 s0, s3;
	s0 =	sld [smem:$0x3FAD]  }
0x30: {  	s3 =	sld [smem:$0x3FB0]  }
0x31: {  	[smem:$0x3FB9] =	sst s10  }
0x32: {  	s10 =	sld [smem:$0x3FB7];
	_ =	sdelay $0x3  }
0x33: {  	p0 =	seq.s32 s10, $0x1;
	s10 =	sld [smem:$0x3FB9];
	_ =	sdelay $0x3  }
0x34: {  	[smem:$0x3FB9] =	sst s10  }
0x35: {  	s10 =	sld [smem:$0x3FB8];
	_ =	sdelay $0x3  }
0x36: {  	p1 =	seq.s32 s10, $0x1;
	s10 =	sld [smem:$0x3FB9];
	_ =	sdelay $0x3  }
0x37: {  	[smem:$0x3FB9] =	sst s10  }
0x38: {  	s10 =	sld [smem:$0x3FBA]  }
0x39: {  	_ = 	snop;
	(pc) =	sbr.ind lr, $3  }
0x3a: {  	_ = 	snop  }
0x3b: {  	_ = 	snop  }
0x3c: {  	p2 =	seq.s32 s10, $0x1;
	s10 =	sld [smem:$0x3FB9]  }
0x3d: {  	_ =	shalt  }
0x3e: {  	_ =	shalt  }
0x3f: {  	_ =	shalt  }
0x40: {  	_ =	shalt  }
0x41: {  	_ =	shalt  }
0x42: {  	_ =	shalt  }
0x43: {  	_ =	shalt  }
0x44: {  	_ =	shalt  }
0x45: {  	_ =	shalt  }
0x46: {  	_ =	shalt  }
0x47: {  	_ =	shalt  }
0x48: {  	_ =	shalt  }
0x49: {  	_ =	shalt  }
0x4a: {  	_ =	shalt  }
0x4b: {  	_ =	shalt  }
0x4c: {  	_ =	shalt  }
0x4d: {  	_ =	shalt  }
0x4e: {  	_ =	shalt  }
0x4f: {  	_ =	shalt  }
0x50: {  	_ =	shalt  }
0x51: {  	_ =	shalt  }
0x52: {  	_ =	shalt  }
0x53: {  	_ =	shalt  }
0x54: {  	_ =	shalt  }
0x55: {  	_ =	shalt  }
0x56: {  	_ =	shalt  }
0x57: {  	_ =	shalt  }
0x58: {  	_ =	shalt  }
0x59: {  	_ =	shalt  }
0x5a: {  	_ =	shalt  }
0x5b: {  	_ =	shalt  }
0x5c: {  	_ =	shalt  }
0x5d: {  	_ =	shalt  }
0x5e: {  	_ =	shalt  }
0x5f: {  	_ =	shalt  }
0x60: {  	_ =	shalt  }
0x61: {  	_ =	shalt  }
0x62: {  	_ =	shalt  }
0x63: {  	_ =	shalt  }
0x64: {  	_ =	shalt  }
0x65: {  	_ =	shalt  }
0x66: {  	_ =	shalt  }
0x67: {  	_ =	shalt  }
0x68: {  	_ =	shalt  }
0x69: {  	_ =	shalt  }
0x6a: {  	_ =	shalt  }
0x6b: {  	_ =	shalt  }
0x6c: {  	_ =	shalt  }
0x6d: {  	_ =	shalt  }
0x6e: {  	_ =	shalt  }
0x6f: {  	_ =	shalt  }
0x70: {  	_ =	shalt  }
0x71: {  	_ =	shalt  }
0x72: {  	_ =	shalt  }
0x73: {  	_ =	shalt  }
0x74: {  	_ =	shalt  }
0x75: {  	_ =	shalt  }
0x76: {  	_ =	shalt  }
0x77: {  	_ =	shalt  }
0x78: {  	_ =	shalt  }
0x79: {  	_ =	shalt  }
0x7a: {  	_ =	shalt  }
0x7b: {  	_ =	shalt  }
0x7c: {  	_ =	shalt  }
0x7d: {  	_ =	shalt  }
0x7e: {  	_ =	shalt  }
0x7f: {  	_ =	shalt  }
0x80: {  	_ =	shalt  }
0x81: {  	_ =	shalt  }
0x82: {  	_ =	shalt  }
0x83: {  	_ =	shalt  }
0x84: {  	_ =	shalt  }
0x85: {  	_ =	shalt  }
0x86: {  	_ =	shalt  }
0x87: {  	_ =	shalt  }
.Lfunc_end0:
.L_simem_size_0:
called_computation_lowered:
.L_overlay_start_0:
0x88: {  	s2 =	sld [smem:$0x3FD9]  }
0x89: {  	s3 =	sld [smem:$0x3FFE];
	_ =	sdelay $0x1  }
0x8a: {  	s1 =	srdreg.scid  }
0x8b: {  	s0 =	sand.u32 $0x1, s1  }
0x8c: {  	s14 =	sshll.u32 s0, $0xA;
	s2 =	sadd.s32 s3, s2  }
0x8d: {  	s2 =	sadd.s32 s2, s14  }
0x8e: {  	[smem:$0x3FC5] =	sst s2  }
0x8f: {  	_ = 	snop  }
0x90: {  	s2 =	sld [smem:$0x3FD0];
	_ =	sdelay $0x2  }
0x91: {  	s4 =	simm.s32 $0xA;
	s5 =	simm.s32 $0x10;
	s15 =	sld [smem:$0x3FC9]  }
0x92: {  	[smem:s5], [sflag:s4] =	dma.local [hbm:s2], $0x1  }
0x93: {  	_ =	swait.eq [sflag:s4], $0x1  }
0x94: {  	[sflag:s4] =	ssyncset.done $0x0  }
0x95: {  	s16 =	sld [smem:$0x11];
	[sflag:s4] =	ssyncadd.s32 $0xFFFFFFFF  }
0x96: {  	s17 =	sld [smem:$0x12];
	(tm) =	ssettm $0x1  }
0x97: {  	s18 =	sld [smem:$0x3FFB];
	_ =	sdelay $0x3  }
0x98: {  	_ =	strace s18  }
0x99: {  	s5 =	sld [smem:$0x3FFC];
	_ =	sdelay $0x3  }
0x9a: {  	_ =	strace s5  }
0x9b: {  	s5 =	sld [smem:$0x3FFD];
	_ =	sdelay $0x3  }
0x9c: {  	_ =	strace s5  }
0x9d: {  	_ =	strace $0x8FFFFFFF  }
0x9e: {  	s19 =	sld [smem:$0x3FDB];
	_ =	sdelay $0x1  }
0x9f: {  	s6 =	simm.s32 $_scs_section_size  }
0xa0: {  	s7 =	simm.s32 $_size__tile_overlayer_lowered;
	s8 =	simm.s32 $_tile_overlayer_lowered  }
0xa1: {  	s22 =	simm.s32 $0x1BFF;
	s21 =	sshll.u32 s8, $0x1;
	s5 =	sadd.s32 s6, s19  }
0xa2: {  	s9 =	simm.s32 $0x0;
	s20 =	sshll.u32 s7, $0x1;
	s7 =	sadd.s32 s21, s5  }
0xa3: {  	[timem:s9], [sflag:s22] =	dma.local [hbm:s7], s20  }
0xa4: {  	_ =	swait.ge [sflag:s22], s20  }
0xa5: {  	s6 =	ssub.s32 $0x0, s20;
	[sflag:s22] =	ssyncset.done $0x0  }
0xa6: {  	[sflag:s22] =	ssyncadd.s32 s6;
	_ =	sdelay $0x1  }
0xa7: {  	s23 =	simm.s32 $0x1B8B  }
0xa8: {  	_ =	swait.ge [sflag:s23], $0x1  }
0xa9: {  	[sflag:s23] =	ssyncset.done $0x0  }
0xaa: {  	s25 =	simm.s32 $0x1B8E;
	s24 =	sld [smem:$0x3FFE];
	[sflag:s23] =	ssyncadd.s32 $0xFFFFFFFF  }
0xab: {  	s26 =	simm.s32 $execute0_lowered;
	[smem:$0x3FD2] =	sst s25  }
0xac: {  	s7 =	sshll.u32 s26, $0x1;
	_ =	strace $0x80000046;
	[dreg:$0x1] =	wrdreg $0xFFFFFFFF  }
0xad: {  	s28 =	simm.s32 $_size_execute0_lowered;
	s5 =	sadd.s32 s5, s7;
	[dreg:$0x0] =	wrdreg $0x0  }
0xae: {  	s7 =	sshll.u32 s28, $0x1;
	[dreg:$0x2] =	wrdreg s5  }
0xaf: {  	[dreg:$0x3] =	wrdreg s7  }
0xb0: {  	[dreg:$0x4] =	wrdreg $0xC0  }
0xb1: {  	_ =	task [dreg:s9], $0x5FFFF  }
0xb2: {  	[dreg:$0x1] =	wrdreg $0xFFFFFFFF  }
0xb3: {  	[dreg:$0x0] =	wrdreg $0x60  }
0xb4: {  	[dreg:$0x2] =	wrdreg s24  }
0xb5: {  	[dreg:$0x3] =	wrdreg s15  }
0xb6: {  	[dreg:$0x4] =	wrdreg s16  }
0xb7: {  	[dreg:$0x5] =	wrdreg s17  }
0xb8: {  	[dreg:$0x6] =	wrdreg $0x9  }
0xb9: {  	_ =	task.clear_ibuf [dreg:s9], $0x7FFFF;
	_ =	strace $0x90000046  }
0xba: {  	s29 =	simm.s32 $0x9;
	_ =	strace $0x80000048  }
0xbb: {  	_ =	swait.ge [sflag:s29], $0x1  }
0xbc: {  	[sflag:s29] =	ssyncadd.s32 $0xFFFFFFFF  }
0xbd: {  	_ =	strace $0x90000048  }
0xbe: {  	_ =	sfence  }
0xbf: {  	s30 =	sld [smem:$0x0];
	_ =	sdelay $0x2  }
0xc0: {  	s31 =	sshll.u32 s1, $0xD;
	s1 =	sshrl.u32 s1, $0x2  }
0xc1: {  	s3 =	sand.u32 $0x4000, s31;
	s1 =	sadd.s32 s1, s30  }
0xc2: {  	s0 =	sor.u32 s3, s0;
	s1 =	sshll.u32 s1, $0x11  }
0xc3: {  	s0 =	sor.u32 s1, s0  }
0xc4: {  	s0 =	sadd.s32 $0x8F2B, s0  }
0xc5: {  	[sflag:s0] =	ssyncadd.remote.s32 $0x1  }
0xc6: {  	_ =	sfence.sel $0xFFFF  }
0xc7: {  	[dreg:$0x0] =	wrdreg $0xFFFFFFFF;
	(pc) =	sbr.abs _section_cstart, $3  }
0xc8: {  	[dreg:$0x1] =	wrdreg $0xFFFFFFFF  }
0xc9: {  	_ =	task.clear_ibuf [dreg:s9], $0x2FFFF;
	_ =	strace $0x9FFFFFFF  }
0xca: {  	(tm) =	ssettm $0x7FFFFFFF  }
0xcb: {  	_ =	shalt  }
tec
execute0_lowered:
.L_overlay_start_1:
0x0: {  	(tag) =	ssettag $0x1  }
0x1: {  	s0 =	rddreg [dreg:$0x0]  }
0x2: {  	s2 =	rddreg [dreg:$0x1]  }
0x3: {  	s24 =	rddreg [dreg:$0x2]  }
0x4: {  	s3 =	simm.s32 $0x0;
	s4 =	srdreg.scid;
	s10 =	stileid.u32  }
0x5: {  	s29 =	simm.s32 $0x12200;
	s28 =	simm.s32 $0x3;
	s31 =	simm.s32 $0x4  }
0x6: {  	[smem:$0x7FF] =	sst s3;
	s4 =	sand.u32 $0x1, s4;
	s6 =	sadd.s32 $0xA00, s0  }
0x7: {  	s0 =	sadd.s32 $0x20A00, s0;
	s20 =	sshll.u32 s10, $0xC;
	s5 =	sshll.u32 s4, $0x4  }
0x8: {  	s22 =	sor.u32 $0x10, s10;
	_ =	strace $0x80000047;
	s5 =	sor.u32 s10, s5  }
0x9: {  	s7 =	ssub.s32 $0x2, s4;
	s23 =	sshll.u32 s22, $0xC;
	s9 =	sshll.u32 s5, $0xF  }
0xa: {  	s8 =	sshrl.u32 s7, $0x1;
	s12 =	sadd.s32 s2, s9;
	s2 =	sadd.s32 s6, s20  }
0xb: {  	s7 =	ssub.s32 s7, s8;
	s6 =	sadd.s32 s6, s23;
	[dreg:$0x7] =	wrdreg s2  }
0xc: {  	s25 =	sshll.u32 s10, $0x7;
	s20 =	smax.u32 s7, $0x1;
	[dreg:$0x8] =	wrdreg s6  }
0xd: {  	s13 =	sadd.s32 $0x100, s24;
	s26 =	sshll.u32 s4, $0xC;
	[dreg:$0x14] =	wrdreg s20  }
0xe: {  	s11 =	sand.u32 $0x400, s25;
	s21 =	sadd.s32 $0x800, s12;
	[dreg:$0x5] =	wrdreg s12  }
0xf: {  	s11 =	sor.u32 s11, s26;
	s8 =	sadd.s32 $0x1000, s12;
	[dreg:$0x6] =	wrdreg s21  }
0x10: {  	s9 =	sand.u32 $0x380, s25;
	s10 =	sadd.s32 $0x2000, s12;
	[dreg:$0xc] =	wrdreg s8  }
0x11: {  	s30 =	sor.u32 s9, s11;
	s11 =	sadd.s32 $0x2800, s12;
	[dreg:$0xe] =	wrdreg s10  }
0x12: {  	s14 =	sadd.s32 $0x200, s24;
	s16 =	sadd.s32 $0x3000, s12;
	[dreg:$0xf] =	wrdreg s11  }
0x13: {  	s15 =	sadd.s32 $0x300, s24;
	s17 =	sadd.s32 $0x3800, s12;
	[dreg:$0x10] =	wrdreg s16  }
0x14: {  	s1 =	sshll.u32 s4, $0x9;
	s18 =	sadd.s32 $0x4000, s12;
	[dreg:$0x11] =	wrdreg s17  }
0x15: {  	p0 =	sne.s32 s5, $0x0;
	s19 =	sadd.s32 $0x4800, s12;
	[dreg:$0x12] =	wrdreg s18  }
0x16: {  	s2 =	sshll.u32 s22, $0x7;
	s22 =	sadd.s32 $0x5800, s12;
	[dreg:$0x13] =	wrdreg s19  }
0x17: {  	s23 =	sadd.s32 $0x6000, s12;
	s25 =	sadd.s32 $0x6800, s12;
	[dreg:$0x16] =	wrdreg s22  }
0x18: {  	s2 =	sand.u32 $0xC00, s2;
	s6 =	sshrl.u32 s30, $0x3;
	[dreg:$0x17] =	wrdreg s23  }
0x19: {  	s21 =	sadd.s32 $0x5000, s12;
	[dreg:$0x18] =	wrdreg s25;
	s30 =	sadd.s32 $0x7800, s12  }
0x1a: {  	s8 =	simm.s32 $0x10000;
	s16 =	simm.s32 $0x11180;
	s17 =	simm.s32 $0x11200  }
0x1b: {  	s18 =	simm.s32 $0x1;
	s2 =	sor.u32 s2, s26;
	[dreg:$0x15] =	wrdreg s21  }
0x1c: {  	s6 =	sadd.s32 s0, s6;
	s26 =	sadd.s32 $0x7000, s12;
	[dreg:$0x1a] =	wrdreg s30  }
0x1d: {  	s2 =	sor.u32 s9, s2;
	[dreg:$0x9] =	wrdreg s6;
	s6 =	sshll.u32 s4, $0x8  }
0x1e: {  	v0 =	vlaneseq.u32;
	v3 =	vimm.s32 $0x0;
	vm0 =	vmmov $0xffff;
	s9 =	sadd.s32 $0x1800, s12;
	[dreg:$0x19] =	wrdreg s26;
	s2 =	sshrl.u32 s2, $0x3  }
0x1f: {  	v2 =	vand.u32 $0x1, v0;
	v4 =	vmul.u32 $0x40, v0;
	v7 =	vand.u32 $0x7, v0;
	s4 =	simm.s32 $0x16200;
	[dreg:$0xd] =	wrdreg s9;
	s2 =	sadd.s32 s0, s2  }
0x20: {  	v8 =	vshrl.u32 v0, $0x3;
	v9 =	vor.u32 $0x8, v0;
	v5 =	vor.u32 $0x8000, v2;
	s26 =	simm.s32 $0x7;
	s0 =	sadd.s32 s0, s1;
	[dreg:$0xa] =	wrdreg s2  }
0x21: {  	v6 =	vmul.u32 $0x800, v2;
	v8 =	vmul.u32 $0x8, v8;
	s9 =	simm.s32 $0x10080;
	v1 =	vmov s6;
	[dreg:$0xb] =	wrdreg s0;
	s0 =	simm.s32 $0x0  }
.LBB2_1:
0x22: {  	s19 =	rddreg [dreg:$0x5]  }
0x23: {  	[tilespmem:s29], [sflag:$0x7] =	stream.linear.gather [hbm4b:s19+s3], $0x4000, $0x38;
	[tilespmem:$0x1E200] =	vst v63  }
0x24: {  	s12 =	rddreg [dreg:$0x6]  }
0x25: {  	[tilespmem:s4], [sflag:$0x8] =	stream.linear.gather [hbm4b:s12+s3], $0x4000, $0x38;
	[tilespmem:$0x1E200] =	vst v63  }
0x26: {  	s20 =	rddreg [dreg:$0x7]  }
0x27: {  	[tilespmem:s3], [sflag:$0xA] =	stream.linear.gather [hbm4b:s20+s3], $0x8000, $0x38;
	[tilespmem:$0x1E200] =	vst v63  }
0x28: {  	s21 =	rddreg [dreg:$0x8];
	s22 =	simm.s32 $0xA;
	s20 =	simm.s32 $0x8000  }
0x29: {  	[tilespmem:s20], [sflag:$0xB] =	stream.linear.gather [hbm4b:s21+s3], $0x8000, $0x38;
	[tilespmem:$0x1E200] =	vst v63  }
0x2a: {  	_ =	swait.ge [sflag:s22], $0x8000  }
0x2b: {  	v10 =	vmov s3;
	[sflag:s22] =	ssyncset.done $0x0  }
0x2c: {  	s23 =	simm.s32 $0xB;
	v10 =	vshll.u32 v10, $0x6;
	[sflag:s22] =	ssyncadd.s32 $0xFFFF8000  }
0x2d: {  	v10 =	vor.u32 v4, v10;
	_ =	swait.ge [sflag:s23], $0x8000  }
0x2e: {  	v10 =	vand.u32 $0x7F80, v10;
	[sflag:s23] =	ssyncset.done $0x0  }
0x2f: {  	v10 =	vor.u32 v2, v10;
	[sflag:s23] =	ssyncadd.s32 $0xFFFF8000  }
0x30: {  	[tilespmem:$0x10000] =	vst v3  }
0x31: {  	[tilespmem:$0x10010] =	vst v3  }
0x32: {  	[tilespmem:$0x10020] =	vst v3  }
0x33: {  	[tilespmem:$0x10030] =	vst v3  }
0x34: {  	v10 =	vld.idx.msk [tilespmem:v10+s3+$0x0], $0xffff;
	_ =	sdelay $0x4  }
0x35: {  	(xrf1) =	vunique.msk.u32 $0xffff, v10;
	_ =	sdelay $0xa  }
0x36: {  	s25 =	simm.s32 $0x10  }
0x37: {  	s30 =	simm.s32 $0x20;
	v11 =	vmov s25  }
.LBB2_2:
0x38: {  	p1 =	sne.s32 s30, $0x1F0;
	v11 =	vshll.u32 v11, $0x6  }
0x39: {  	v11 =	vor.u32 v4, v11;
	_, v12, vm1 =	vpop (xrf1)  }
0x3a: {  	v11 =	vand.u32 $0x7F80, v11  }
0x3b: {  	v11 =	vor.u32 v2, v11;
	_ =	sdelay $0x3  }
0x3c: {  	[tilespmem:v10+s8+$0x0] =	vst.idx.add.s32.msk vm1, v12  }
0x3d: {  	v10 =	vld.idx.msk [tilespmem:v11+s3+$0x0], $0xffff;
	_ =	sdelay $0x5  }
0x3e: {  	(xrf1) =	vunique.msk.u32 $0xffff, v10;
	_ =	sdelay $0x7  }
.Ltmp0:
0x3f: {  	(pc) =	sbr.rel @p1 .LBB2_2-.Ltmp0, $2  }
0x40: {  	_ =	sdelay $0x2  }
0x41: {  	v11 =	vmov s30;
	s30 =	sadd.s32 $0x10, s30  }
0x42: {  	v11 =	vshll.u32 v11, $0x6  }
0x43: {  	v11 =	vor.u32 v4, v11;
	_, v12, vm1 =	vpop (xrf1)  }
0x44: {  	v11 =	vand.u32 $0x7F80, v11  }
0x45: {  	v11 =	vor.u32 v2, v11;
	_ =	sdelay $0x3  }
0x46: {  	[tilespmem:v10+s8+$0x0] =	vst.idx.add.s32.msk vm1, v12  }
0x47: {  	v10 =	vld.idx.msk [tilespmem:v11+s3+$0x0], $0xffff;
	_ =	sdelay $0x4  }
0x48: {  	(xrf1) =	vunique.msk.u32 $0xffff, v10;
	_ =	sdelay $0xd  }
0x49: {  	_, v11, vm1 =	vpop (xrf1);
	_ =	sdelay $0x1  }
0x4a: {  	s19 =	simm.s32 $0x0  }
0x4b: {  	v63 =	vmov s19  }
0x4c: {  	v12 =	vshll.u32 v63, $0x6  }
0x4d: {  	v12 =	vor.u32 v4, v12  }
0x4e: {  	s20 =	rddreg [dreg:$0x9];
	[tilespmem:v10+s8+$0x0] =	vst.idx.add.s32.msk vm1, v11;
	v10 =	vand.u32 $0x7F80, v12  }
0x4f: {  	[hbm4b:s20+s19] =	stream.linear.scatter [tilespmem:s8], [sflag:$0xC], $0x80, $0x38;
	v10 =	vor.u32 v5, v10;
	[tilespmem:$0x1E200] =	vst v63  }
0x50: {  	[tilespmem:$0x10080] =	vst v3  }
0x51: {  	[tilespmem:$0x10090] =	vst v3  }
0x52: {  	[tilespmem:$0x100A0] =	vst v3  }
0x53: {  	[tilespmem:$0x100B0] =	vst v3  }
0x54: {  	v10 =	vld.idx.msk [tilespmem:v10+s3+$0x0], $0xffff;
	_ =	sdelay $0x4  }
0x55: {  	(xrf1) =	vunique.msk.u32 $0xffff, v10;
	_ =	sdelay $0xa  }
0x56: {  	s25 =	simm.s32 $0x10  }
0x57: {  	s30 =	simm.s32 $0x20;
	v11 =	vmov s25  }
.LBB2_4:
0x58: {  	p1 =	sne.s32 s30, $0x1F0;
	v11 =	vshll.u32 v11, $0x6  }
0x59: {  	v11 =	vor.u32 v4, v11;
	_, v12, vm1 =	vpop (xrf1)  }
0x5a: {  	v11 =	vand.u32 $0x7F80, v11  }
0x5b: {  	v11 =	vor.u32 v5, v11;
	_ =	sdelay $0x3  }
0x5c: {  	[tilespmem:v10+s9+$0x0] =	vst.idx.add.s32.msk vm1, v12  }
0x5d: {  	v10 =	vld.idx.msk [tilespmem:v11+s3+$0x0], $0xffff;
	_ =	sdelay $0x5  }
0x5e: {  	(xrf1) =	vunique.msk.u32 $0xffff, v10;
	_ =	sdelay $0x7  }
.Ltmp1:
0x5f: {  	(pc) =	sbr.rel @p1 .LBB2_4-.Ltmp1, $2  }
0x60: {  	_ =	sdelay $0x2  }
0x61: {  	v11 =	vmov s30;
	s30 =	sadd.s32 $0x10, s30  }
0x62: {  	v11 =	vshll.u32 v11, $0x6  }
0x63: {  	v11 =	vor.u32 v4, v11;
	_, v12, vm1 =	vpop (xrf1)  }
0x64: {  	v11 =	vand.u32 $0x7F80, v11  }
0x65: {  	v11 =	vor.u32 v5, v11;
	_ =	sdelay $0x3  }
0x66: {  	[tilespmem:v10+s9+$0x0] =	vst.idx.add.s32.msk vm1, v12  }
0x67: {  	v10 =	vld.idx.msk [tilespmem:v11+s3+$0x0], $0xffff;
	_ =	sdelay $0x4  }
0x68: {  	(xrf1) =	vunique.msk.u32 $0xffff, v10;
	_ =	sdelay $0xd  }
0x69: {  	_, v11, vm1 =	vpop (xrf1);
	_ =	sdelay $0x5  }
0x6a: {  	s19 =	simm.s32 $0x0;
	s20 =	rddreg [dreg:$0xa];
	s22 =	simm.s32 $0xC;
	[tilespmem:v10+s9+$0x0] =	vst.idx.add.s32.msk vm1, v11  }
0x6b: {  	[hbm4b:s20+s19] =	stream.linear.scatter [tilespmem:s9], [sflag:$0xC], $0x80, $0x38;
	[tilespmem:$0x1E200] =	vst v63  }
0x6c: {  	_ =	swait.ge [sflag:s22], $0x80  }
0x6d: {  	[sflag:s22] =	ssyncset.done $0x0  }
0x6e: {  	[sflag:s22] =	ssyncadd.s32 $0xFFFFFF80  }
0x6f: {  	_ =	swait.ge [sflag:s22], $0x80  }
0x70: {  	[sflag:s22] =	ssyncset.done $0x0  }
0x71: {  	[sflag:s22] =	ssyncadd.s32 $0xFFFFFF80  }
0x72: {  	[bflag:$0x0] =	sbarrier.arrive $0xFFFF  }
0x73: {  	s23 =	simm.s32 $0x10100;
	s25 =	simm.s32 $0xD;
	s21 =	rddreg [dreg:$0xb]  }
0x74: {  	[tilespmem:s23], [sflag:$0xD] =	stream.linear.gather [hbm4b:s21+s19], $0x1000, $0x38;
	[tilespmem:$0x1E200] =	vst v63  }
0x75: {  	_ =	swait.ge [sflag:s25], $0x1000  }
0x76: {  	[sflag:s25] =	ssyncset.done $0x0  }
0x77: {  	[sflag:s25] =	ssyncadd.s32 $0xFFFFF000  }
0x78: {  	v12 =	vld [tilespmem:s23+$0x0];
	_ =	sdelay $0x2  }
0x79: {  	p1 =	sgt.u32 s5, $0x0;
	s19 =	simm.s32 $0x1  }
0x7a: {  	v10 =	vimm.s32 $0x0;
	s19 =	simm.s32 @!p1 $0x0  }
0x7b: {  	s30 =	simm.s32 $0x1;
	v11 =	vadd.s32 v10, v12;
	v12 =	vmul.u32 s19, v12;
	s19 =	simm.s32 $0x10180  }
.LBB2_6:
0x7c: {  	v13 =	vld [tilespmem:s19+$0x0];
	p1 =	sne.s32 s30, $0x1F;
	s20 =	smov.u32 s30;
	s30 =	sadd.s32 $0x1, s30  }
.Ltmp2:
0x7d: {  	v10 =	vadd.s32 v10, v12;
	(pc) =	sbr.rel @p1 .LBB2_6-.Ltmp2, $4  }
0x7e: {  	_ = 	snop  }
0x7f: {  	p2 =	slt.u32 s20, s5;
	s20 =	simm.s32 $0x1  }
0x80: {  	s20 =	simm.s32 @!p2 $0x0  }
0x81: {  	s19 =	sadd.s32 $0x80, s19;
	v11 =	vadd.s32 v11, v13;
	v12 =	vmul.u32 s20, v13  }
0x82: {  	(xrf0) =	vadd.scan.msk.s32 $0xffff, v11;
	_ =	sdelay $0x4  }
0x83: {  	v12 =	vadd.s32 v10, v12  }
0x84: {  	v12 =	vsub.s32 v12, v11;
	v10, _, _ =	vpop (xrf0)  }
0x85: {  	[tilespmem:$0x11100] =	vst v11;
	v11 =	vadd.s32 v10, v12  }
0x86: {  	s19 =	simm.s32 $0x10110;
	[tilespmem:$0x11180] =	vst v11  }
0x87: {  	v13 =	vld [tilespmem:s19+$0x0];
	_ =	sdelay $0x2  }
0x88: {  	p1 =	sgt.u32 s5, $0x0;
	s19 =	simm.s32 $0x1  }
0x89: {  	v11 =	vimm.s32 $0x0;
	s19 =	simm.s32 @!p1 $0x0  }
0x8a: {  	s30 =	simm.s32 $0x1;
	v12 =	vadd.s32 v11, v13;
	v13 =	vmul.u32 s19, v13;
	s19 =	simm.s32 $0x10190  }
.LBB2_8:
0x8b: {  	v14 =	vld [tilespmem:s19+$0x0];
	p1 =	sne.s32 s30, $0x1F;
	s20 =	smov.u32 s30;
	s30 =	sadd.s32 $0x1, s30  }
.Ltmp3:
0x8c: {  	v11 =	vadd.s32 v11, v13;
	(pc) =	sbr.rel @p1 .LBB2_8-.Ltmp3, $4  }
0x8d: {  	_ = 	snop  }
0x8e: {  	p2 =	slt.u32 s20, s5;
	s20 =	simm.s32 $0x1  }
0x8f: {  	s20 =	simm.s32 @!p2 $0x0  }
0x90: {  	s19 =	sadd.s32 $0x80, s19;
	v12 =	vadd.s32 v12, v14;
	v13 =	vmul.u32 s20, v14  }
0x91: {  	(xrf0) =	vadd.scan.msk.s32 $0xffff, v12;
	_ =	sdelay $0x2  }
0x92: {  	v14 =	vbroadcast v10, $0xF;
	_ =	sdelay $0x1  }
0x93: {  	v13 =	vadd.s32 v11, v13;
	v14 =	vsub.s32 v14, v12  }
0x94: {  	v13 =	vadd.s32 v13, v14;
	v11, _, _ =	vpop (xrf0)  }
0x95: {  	[tilespmem:$0x11110] =	vst v12;
	v12 =	vadd.s32 v11, v13  }
0x96: {  	s19 =	simm.s32 $0x10120;
	[tilespmem:$0x11190] =	vst v12  }
0x97: {  	v14 =	vld [tilespmem:s19+$0x0];
	_ =	sdelay $0x2  }
0x98: {  	p1 =	sgt.u32 s5, $0x0;
	s19 =	simm.s32 $0x1  }
0x99: {  	v12 =	vimm.s32 $0x0;
	s19 =	simm.s32 @!p1 $0x0  }
0x9a: {  	s30 =	simm.s32 $0x1;
	v13 =	vadd.s32 v12, v14;
	v14 =	vmul.u32 s19, v14;
	s19 =	simm.s32 $0x101A0  }
.LBB2_10:
0x9b: {  	v15 =	vld [tilespmem:s19+$0x0];
	p1 =	sne.s32 s30, $0x1F;
	s20 =	smov.u32 s30;
	s30 =	sadd.s32 $0x1, s30  }
.Ltmp4:
0x9c: {  	v12 =	vadd.s32 v12, v14;
	(pc) =	sbr.rel @p1 .LBB2_10-.Ltmp4, $4  }
0x9d: {  	_ = 	snop  }
0x9e: {  	p2 =	slt.u32 s20, s5;
	s20 =	simm.s32 $0x1  }
0x9f: {  	s20 =	simm.s32 @!p2 $0x0  }
0xa0: {  	s19 =	sadd.s32 $0x80, s19;
	v13 =	vadd.s32 v13, v15;
	v14 =	vmul.u32 s20, v15  }
0xa1: {  	(v2sf) =	vpush v10, $0xF  }
0xa2: {  	(v2sf) =	vpush v11, $0xF;
	_ =	sdelay $0xb  }
0xa3: {  	(xrf0) =	vadd.scan.msk.s32 $0xffff, v13;
	_ =	sdelay $0x1  }
0xa4: {  	s19 =	spop (v2sf)  }
0xa5: {  	s20 =	spop (v2sf)  }
0xa6: {  	s30 =	sadd.s32 s19, s20  }
0xa7: {  	v10 =	vadd.s32 v12, v14;
	v11 =	vsub.s32 s30, v13  }
0xa8: {  	v12, _, _ =	vpop (xrf0);
	v10 =	vadd.s32 v10, v11  }
0xa9: {  	[tilespmem:$0x11120] =	vst v13;
	v10 =	vadd.s32 v12, v10  }
0xaa: {  	s25 =	simm.s32 $0x10130;
	[tilespmem:$0x111A0] =	vst v10  }
0xab: {  	v13 =	vld [tilespmem:s25+$0x0];
	_ =	sdelay $0x2  }
0xac: {  	p1 =	sgt.u32 s5, $0x0;
	s20 =	simm.s32 $0x1  }
0xad: {  	s20 =	simm.s32 @!p1 $0x0;
	v11 =	vimm.s32 $0x0  }
0xae: {  	s19 =	simm.s32 $0x1;
	v10 =	vadd.s32 v11, v13;
	v13 =	vmul.u32 s20, v13;
	s20 =	simm.s32 $0x101B0  }
.LBB2_12:
0xaf: {  	v14 =	vld [tilespmem:s20+$0x0];
	p1 =	sne.s32 s19, $0x1F;
	s21 =	smov.u32 s19;
	s19 =	sadd.s32 $0x1, s19  }
.Ltmp5:
0xb0: {  	v11 =	vadd.s32 v11, v13;
	(pc) =	sbr.rel @p1 .LBB2_12-.Ltmp5, $4  }
0xb1: {  	_ = 	snop  }
0xb2: {  	p2 =	slt.u32 s21, s5;
	s21 =	simm.s32 $0x1  }
0xb3: {  	s21 =	simm.s32 @!p2 $0x0  }
0xb4: {  	s20 =	sadd.s32 $0x80, s20;
	v10 =	vadd.s32 v10, v14;
	v13 =	vmul.u32 s21, v14  }
0xb5: {  	(v2sf) =	vpush v12, $0xF;
	_ =	sdelay $0xa  }
0xb6: {  	s19 =	simm.s32 $0x0  }
0xb7: {  	(xrf0) =	vadd.scan.msk.s32 $0xffff, v10;
	v12 =	vor.u32 s19, v0  }
0xb8: {  	v14 =	vshrl.u32 v12, $0x1  }
0xb9: {  	v15 =	vadd.s32 v1, v14  }
0xba: {  	v15 =	vshll.u32 v15, $0x7;
	s20 =	spop (v2sf)  }
0xbb: {  	v15 =	vor.u32 v2, v15;
	s20 =	sadd.s32 s30, s20  }
0xbc: {  	v11 =	vadd.s32 v11, v13;
	v13 =	vsub.s32 s20, v10  }
0xbd: {  	v16, _, _ =	vpop (xrf0);
	v11 =	vadd.s32 v11, v13  }
0xbe: {  	[tilespmem:$0x11130] =	vst v10;
	v10 =	vadd.s32 v16, v11  }
0xbf: {  	[tilespmem:$0x111B0] =	vst v10  }
0xc0: {  	v15 =	vld.idx.msk [tilespmem:v15+s3+$0x0], $0xffff;
	_ =	sdelay $0x4  }
0xc1: {  	(xrf1) =	vunique.msk.u32 $0xffff, v15;
	_ =	sdelay $0x7  }
0xc2: {  	v10 =	vand.u32 $0x1E, v12  }
0xc3: {  	vm1 =	veq.s32 v14, $0x0;
	vm2 =	vne.s32 v10, $0x0  }
0xc4: {  	v10 =	vmov s19;
	vm1 =	vmand vm1, vm2  }
0xc5: {  	v10 =	vshrl.u32 v10, $0x5;
	v11 =	vsel vm1, $0xFFFFFFFF, v3;
	v13 =	vld.idx.msk [tilespmem:v15+s16+$0x0], $0xffff  }
0xc6: {  	s25 =	simm.s32 $0x10;
	v10 =	vadd.s32 v11, v10  }
0xc7: {  	v14 =	vand.u32 $0xF, v14;
	v12 =	vor.u32 s25, v0;
	v11 =	vshll.u32 v10, $0x7  }
0xc8: {  	v10 =	vshrl.u32 v12, $0x1;
	v12 =	vand.u32 $0x1E, v12;
	v11 =	vadd.s32 v6, v11;
	_, v62, vm1 =	vpop (xrf1)  }
0xc9: {  	vm2 =	veq.s32 v10, $0x0;
	vm3 =	vne.s32 v12, $0x0;
	v17 =	vadd.s32 v1, v10  }
0xca: {  	v12 =	vor.u32 v14, v11;
	v63 =	vadd.s32 v62, v13;
	v13 =	vshll.u32 v17, $0x7  }
0xcb: {  	v18 =	vmov s25;
	vm2 =	vmand vm2, vm3;
	v13 =	vor.u32 v2, v13  }
0xcc: {  	v11 =	vshrl.u32 v18, $0x5;
	v14 =	vsel vm2, $0xFFFFFFFF, v3  }
0xcd: {  	v11 =	vadd.s32 v14, v11  }
0xce: {  	[dreg:$0x1b] =	wrdreg s0;
	s30 =	simm.s32 $0x20;
	v11 =	vshll.u32 v11, $0x7;
	v14 =	vadd.s32 $0xFFFFFFFF, v63;
	[tilespmem:v15+s16+$0x0] =	vst.idx.add.s32.msk vm1, v62  }
.LBB2_14:
0xcf: {  	p1 =	sne.s32 s30, $0x1F0;
	[tilespmem:v12+s17+$0x0] =	vst.idx.msk $0xffff, v14;
	s19 =	smov.u32 s30;
	s30 =	sadd.s32 $0x10, s30  }
0xd0: {  	v15 =	vld.idx.msk [tilespmem:v13+s3+$0x0], $0xffff;
	_ =	sdelay $0x5  }
0xd1: {  	(xrf1) =	vunique.msk.u32 $0xffff, v15;
	_ =	sdelay $0x8  }
0xd2: {  	v12 =	vld.idx.msk [tilespmem:v15+s16+$0x0], $0xffff;
	_ =	sdelay $0x3  }
0xd3: {  	v14 =	vand.u32 $0xF, v10;
	v13 =	vor.u32 s19, v0  }
0xd4: {  	v11 =	vadd.s32 v6, v11;
	v10 =	vshrl.u32 v13, $0x1;
	v13 =	vand.u32 $0x1E, v13;
	_, v16, vm1 =	vpop (xrf1)  }
0xd5: {  	v17 =	vadd.s32 v1, v10;
	vm2 =	veq.s32 v10, $0x0;
	v18 =	vadd.s32 v16, v12  }
.Ltmp6:
0xd6: {  	vm3 =	vne.s32 v13, $0x0;
	v17 =	vshll.u32 v17, $0x7;
	v12 =	vor.u32 v14, v11;
	(pc) =	sbr.rel @p1 .LBB2_14-.Ltmp6, $4  }
0xd7: {  	vm2 =	vmand vm2, vm3;
	v13 =	vor.u32 v2, v17;
	v11 =	vmov s19  }
0xd8: {  	v14 =	vsel vm2, $0xFFFFFFFF, v3;
	v11 =	vshrl.u32 v11, $0x5  }
0xd9: {  	v11 =	vadd.s32 v14, v11  }
0xda: {  	v14 =	vadd.s32 $0xFFFFFFFF, v18;
	v11 =	vshll.u32 v11, $0x7;
	[tilespmem:v15+s16+$0x0] =	vst.idx.add.s32.msk vm1, v16  }
0xdb: {  	_ =	sdelay $0x3  }
0xdc: {  	[tilespmem:v12+s17+$0x0] =	vst.idx.msk $0xffff, v14  }
0xdd: {  	v12 =	vld.idx.msk [tilespmem:v13+s3+$0x0], $0xffff;
	_ =	sdelay $0x4  }
0xde: {  	(xrf1) =	vunique.msk.u32 $0xffff, v12;
	_ =	sdelay $0xd  }
0xdf: {  	v13 =	vld.idx.msk [tilespmem:v12+s16+$0x0], $0xffff;
	_, v63, vm1 =	vpop (xrf1)  }
0xe0: {  	v10 =	vand.u32 $0xF, v10;
	v11 =	vadd.s32 v6, v11  }
0xe1: {  	v10 =	vor.u32 v10, v11;
	_ =	sdelay $0x2  }
0xe2: {  	v11 =	vadd.s32 v63, v13  }
0xe3: {  	v11 =	vadd.s32 $0xFFFFFFFF, v11;
	[tilespmem:v12+s16+$0x0] =	vst.idx.add.s32.msk vm1, v63  }
0xe4: {  	[tilespmem:v10+s17+$0x0] =	vst.idx.msk $0xffff, v11  }
0xe5: {  	_ =	swait.ge [sflag:s26], $0x4000  }
0xe6: {  	[sflag:s26] =	ssyncset.done $0x0  }
0xe7: {  	[sflag:s26] =	ssyncadd.s32 $0xFFFFC000  }
0xe8: {  	v10 =	vld [tilespmem:$0x11200];
	_ =	sdelay $0x4  }
0xe9: {  	v11 =	vshll.u32 v10, $0x3  }
0xea: {  	v10 =	vand.u32 $0x7, v10;
	v11 =	vand.u32 $0xFFFFFFC0, v11  }
0xeb: {  	v10 =	vor.u32 v10, v11  }
0xec: {  	v11 =	vperm.xlane v10, v7;
	_ =	sdelay $0x1  }
0xed: {  	v11 =	vadd.s32 v8, v11;
	_ =	sdelay $0x4  }
0xee: {  	[hbm4b:s24+s3] =	stream.indirect_vreg.scatter [tilespmem:s29], [sflag:$0x1], $0x80, v11, vm0, $0xb8;
	[tilespmem:$0x1E200] =	vst v63  }
0xef: {  	s0 =	simm.s32 $0x12A00;
	v10 =	vperm.xlane v10, v9  }
0xf0: {  	[hbm4b:s13+s3] =	stream.indirect_vreg.scatter [tilespmem:s0], [sflag:$0x1], $0x80, v11, vm0, $0xb8;
	[tilespmem:$0x1E200] =	vst v63  }
0xf1: {  	s7 =	simm.s32 $0x13200;
	v10 =	vadd.s32 v8, v10  }
0xf2: {  	[hbm4b:s14+s3] =	stream.indirect_vreg.scatter [tilespmem:s7], [sflag:$0x1], $0x80, v11, vm0, $0xb8;
	[tilespmem:$0x1E200] =	vst v63  }
0xf3: {  	s10 =	simm.s32 $0x13A00  }
0xf4: {  	[hbm4b:s15+s3] =	stream.indirect_vreg.scatter [tilespmem:s10], [sflag:$0x1], $0x80, v11, vm0, $0xb8;
	[tilespmem:$0x1E200] =	vst v63  }
0xf5: {  	s11 =	simm.s32 $0x14200  }
0xf6: {  	[hbm4b:s24+s3] =	stream.indirect_vreg.scatter [tilespmem:s11], [sflag:$0x1], $0x80, v10, vm0, $0xb8;
	[tilespmem:$0x1E200] =	vst v63  }
0xf7: {  	s12 =	simm.s32 $0x14A00  }
0xf8: {  	[hbm4b:s13+s3] =	stream.indirect_vreg.scatter [tilespmem:s12], [sflag:$0x1], $0x80, v10, vm0, $0xb8;
	[tilespmem:$0x1E200] =	vst v63  }
0xf9: {  	s19 =	simm.s32 $0x15200  }
0xfa: {  	[hbm4b:s14+s3] =	stream.indirect_vreg.scatter [tilespmem:s19], [sflag:$0x1], $0x80, v10, vm0, $0xb8;
	[tilespmem:$0x1E200] =	vst v63  }
0xfb: {  	s22 =	simm.s32 $0x15A00  }
0xfc: {  	[hbm4b:s15+s3] =	stream.indirect_vreg.scatter [tilespmem:s22], [sflag:$0x1], $0x80, v10, vm0, $0xb8;
	[tilespmem:$0x1E200] =	vst v63  }
0xfd: {  	v10 =	vld [tilespmem:$0x11A00];
	_ =	sdelay $0x4  }
0xfe: {  	v11 =	vshll.u32 v10, $0x3  }
0xff: {  	v10 =	vand.u32 $0x7, v10;
	v11 =	vand.u32 $0xFFFFFFC0, v11  }
0x100: {  	v10 =	vor.u32 v10, v11  }
0x101: {  	v11 =	vperm.xlane v10, v7;
	_ =	sdelay $0x1  }
0x102: {  	v11 =	vadd.s32 v8, v11;
	_ =	sdelay $0x4  }
0x103: {  	[hbm4b:s24+s3] =	stream.indirect_vreg.scatter [tilespmem:s29], [sflag:$0x2], $0x80, v11, vm0, $0xb8;
	[tilespmem:$0x1E200] =	vst v63  }
0x104: {  	s20 =	simm.s32 $0x12A00;
	v10 =	vperm.xlane v10, v9  }
0x105: {  	[hbm4b:s13+s3] =	stream.indirect_vreg.scatter [tilespmem:s20], [sflag:$0x2], $0x80, v11, vm0, $0xb8;
	[tilespmem:$0x1E200] =	vst v63  }
0x106: {  	s21 =	simm.s32 $0x13200;
	v10 =	vadd.s32 v8, v10  }
0x107: {  	[hbm4b:s14+s3] =	stream.indirect_vreg.scatter [tilespmem:s21], [sflag:$0x2], $0x80, v11, vm0, $0xb8;
	[tilespmem:$0x1E200] =	vst v63  }
0x108: {  	s1 =	simm.s32 $0x13A00  }
0x109: {  	[hbm4b:s15+s3] =	stream.indirect_vreg.scatter [tilespmem:s1], [sflag:$0x2], $0x80, v11, vm0, $0xb8;
	[tilespmem:$0x1E200] =	vst v63  }
0x10a: {  	s23 =	simm.s32 $0x14200  }
0x10b: {  	[hbm4b:s24+s3] =	stream.indirect_vreg.scatter [tilespmem:s23], [sflag:$0x2], $0x80, v10, vm0, $0xb8;
	[tilespmem:$0x1E200] =	vst v63  }
0x10c: {  	s2 =	simm.s32 $0x14A00  }
0x10d: {  	[hbm4b:s13+s3] =	stream.indirect_vreg.scatter [tilespmem:s2], [sflag:$0x2], $0x80, v10, vm0, $0xb8;
	[tilespmem:$0x1E200] =	vst v63  }
0x10e: {  	s6 =	simm.s32 $0x15200  }
0x10f: {  	[hbm4b:s14+s3] =	stream.indirect_vreg.scatter [tilespmem:s6], [sflag:$0x2], $0x80, v10, vm0, $0xb8;
	[tilespmem:$0x1E200] =	vst v63  }
0x110: {  	s25 =	simm.s32 $0x15A00  }
0x111: {  	[hbm4b:s15+s3] =	stream.indirect_vreg.scatter [tilespmem:s25], [sflag:$0x2], $0x80, v10, vm0, $0xb8;
	[tilespmem:$0x1E200] =	vst v63  }
0x112: {  	s30 =	simm.s32 $0x1A200;
	s19 =	rddreg [dreg:$0xc];
	s29 =	simm.s32 $0x8  }
0x113: {  	[tilespmem:s30], [sflag:$0x9] =	stream.linear.gather [hbm4b:s19+s3], $0x4000, $0x38;
	[tilespmem:$0x1E200] =	vst v63  }
0x114: {  	_ =	swait.ge [sflag:s29], $0x4000  }
0x115: {  	[sflag:s29] =	ssyncset.done $0x0  }
0x116: {  	[sflag:s29] =	ssyncadd.s32 $0xFFFFC000  }
0x117: {  	v10 =	vld [tilespmem:$0x11280];
	_ =	sdelay $0x4  }
0x118: {  	v11 =	vshll.u32 v10, $0x3  }
0x119: {  	v10 =	vand.u32 $0x7, v10;
	v11 =	vand.u32 $0xFFFFFFC0, v11  }
0x11a: {  	v10 =	vor.u32 v10, v11  }
0x11b: {  	v11 =	vperm.xlane v10, v7;
	_ =	sdelay $0x1  }
0x11c: {  	v11 =	vadd.s32 v8, v11;
	_ =	sdelay $0x4  }
0x11d: {  	[hbm4b:s24+s3] =	stream.indirect_vreg.scatter [tilespmem:s4], [sflag:$0x3], $0x80, v11, vm0, $0xb8;
	[tilespmem:$0x1E200] =	vst v63  }
0x11e: {  	s1 =	simm.s32 $0x16A00;
	v10 =	vperm.xlane v10, v9  }
0x11f: {  	[hbm4b:s13+s3] =	stream.indirect_vreg.scatter [tilespmem:s1], [sflag:$0x3], $0x80, v11, vm0, $0xb8;
	[tilespmem:$0x1E200] =	vst v63  }
0x120: {  	s12 =	simm.s32 $0x17200;
	v10 =	vadd.s32 v8, v10  }
0x121: {  	[hbm4b:s14+s3] =	stream.indirect_vreg.scatter [tilespmem:s12], [sflag:$0x3], $0x80, v11, vm0, $0xb8;
	[tilespmem:$0x1E200] =	vst v63  }
0x122: {  	s19 =	simm.s32 $0x17A00  }
0x123: {  	[hbm4b:s15+s3] =	stream.indirect_vreg.scatter [tilespmem:s19], [sflag:$0x3], $0x80, v11, vm0, $0xb8;
	[tilespmem:$0x1E200] =	vst v63  }
0x124: {  	s30 =	simm.s32 $0x18200  }
0x125: {  	[hbm4b:s24+s3] =	stream.indirect_vreg.scatter [tilespmem:s30], [sflag:$0x3], $0x80, v10, vm0, $0xb8;
	[tilespmem:$0x1E200] =	vst v63  }
0x126: {  	s1 =	simm.s32 $0x18A00  }
0x127: {  	[hbm4b:s13+s3] =	stream.indirect_vreg.scatter [tilespmem:s1], [sflag:$0x3], $0x80, v10, vm0, $0xb8;
	[tilespmem:$0x1E200] =	vst v63  }
0x128: {  	s10 =	simm.s32 $0x19200  }
0x129: {  	[hbm4b:s14+s3] =	stream.indirect_vreg.scatter [tilespmem:s10], [sflag:$0x3], $0x80, v10, vm0, $0xb8;
	[tilespmem:$0x1E200] =	vst v63  }
0x12a: {  	s12 =	simm.s32 $0x19A00  }
0x12b: {  	[hbm4b:s15+s3] =	stream.indirect_vreg.scatter [tilespmem:s12], [sflag:$0x3], $0x80, v10, vm0, $0xb8;
	[tilespmem:$0x1E200] =	vst v63  }
0x12c: {  	v10 =	vld [tilespmem:$0x11A80];
	_ =	sdelay $0x4  }
0x12d: {  	v11 =	vshll.u32 v10, $0x3  }
0x12e: {  	v10 =	vand.u32 $0x7, v10;
	v11 =	vand.u32 $0xFFFFFFC0, v11  }
0x12f: {  	v10 =	vor.u32 v10, v11  }
0x130: {  	v11 =	vperm.xlane v10, v7;
	_ =	sdelay $0x1  }
0x131: {  	v11 =	vadd.s32 v8, v11;
	_ =	sdelay $0x3  }
0x132: {  	s10 =	simm.s32 $0x16200  }
0x133: {  	[hbm4b:s24+s3] =	stream.indirect_vreg.scatter [tilespmem:s10], [sflag:$0x4], $0x80, v11, vm0, $0xb8;
	[tilespmem:$0x1E200] =	vst v63  }
0x134: {  	s2 =	simm.s32 $0x16A00;
	v10 =	vperm.xlane v10, v9  }
0x135: {  	[hbm4b:s13+s3] =	stream.indirect_vreg.scatter [tilespmem:s2], [sflag:$0x4], $0x80, v11, vm0, $0xb8;
	[tilespmem:$0x1E200] =	vst v63  }
0x136: {  	s25 =	simm.s32 $0x17200;
	v10 =	vadd.s32 v8, v10  }
0x137: {  	[hbm4b:s14+s3] =	stream.indirect_vreg.scatter [tilespmem:s25], [sflag:$0x4], $0x80, v11, vm0, $0xb8;
	[tilespmem:$0x1E200] =	vst v63  }
0x138: {  	s22 =	simm.s32 $0x17A00  }
0x139: {  	[hbm4b:s15+s3] =	stream.indirect_vreg.scatter [tilespmem:s22], [sflag:$0x4], $0x80, v11, vm0, $0xb8;
	[tilespmem:$0x1E200] =	vst v63  }
0x13a: {  	s7 =	simm.s32 $0x18200  }
0x13b: {  	[hbm4b:s24+s3] =	stream.indirect_vreg.scatter [tilespmem:s7], [sflag:$0x4], $0x80, v10, vm0, $0xb8;
	[tilespmem:$0x1E200] =	vst v63  }
0x13c: {  	s4 =	simm.s32 $0x18A00  }
0x13d: {  	[hbm4b:s13+s3] =	stream.indirect_vreg.scatter [tilespmem:s4], [sflag:$0x4], $0x80, v10, vm0, $0xb8;
	[tilespmem:$0x1E200] =	vst v63  }
0x13e: {  	s11 =	simm.s32 $0x19200  }
0x13f: {  	[hbm4b:s14+s3] =	stream.indirect_vreg.scatter [tilespmem:s11], [sflag:$0x4], $0x80, v10, vm0, $0xb8;
	[tilespmem:$0x1E200] =	vst v63  }
0x140: {  	s19 =	simm.s32 $0x19A00  }
0x141: {  	[hbm4b:s15+s3] =	stream.indirect_vreg.scatter [tilespmem:s19], [sflag:$0x4], $0x80, v10, vm0, $0xb8;
	[tilespmem:$0x1E200] =	vst v63  }
0x142: {  	_ =	swait.ge [sflag:s18], $0x4000  }
0x143: {  	[sflag:s18] =	ssyncset.done $0x0  }
0x144: {  	s10 =	simm.s32 $0x2;
	[sflag:s18] =	ssyncadd.s32 $0xFFFFC000  }
0x145: {  	_ =	swait.ge [sflag:s10], $0x4000  }
0x146: {  	[sflag:s10] =	ssyncset.done $0x0  }
0x147: {  	s30 =	simm.s32 $0x12200;
	s22 =	rddreg [dreg:$0xd];
	[sflag:s10] =	ssyncadd.s32 $0xFFFFC000  }
0x148: {  	[tilespmem:s30], [sflag:$0x7] =	stream.linear.gather [hbm4b:s22+s3], $0x4000, $0x38;
	[tilespmem:$0x1E200] =	vst v63  }
0x149: {  	s22 =	simm.s32 $0x9  }
0x14a: {  	_ =	swait.ge [sflag:s22], $0x4000  }
0x14b: {  	[sflag:s22] =	ssyncset.done $0x0  }
0x14c: {  	[sflag:s22] =	ssyncadd.s32 $0xFFFFC000  }
0x14d: {  	v10 =	vld [tilespmem:$0x11300];
	_ =	sdelay $0x4  }
0x14e: {  	v11 =	vshll.u32 v10, $0x3  }
0x14f: {  	v10 =	vand.u32 $0x7, v10;
	v11 =	vand.u32 $0xFFFFFFC0, v11  }
0x150: {  	v10 =	vor.u32 v10, v11  }
0x151: {  	v11 =	vperm.xlane v10, v7;
	_ =	sdelay $0x1  }
0x152: {  	v11 =	vadd.s32 v8, v11;
	_ =	sdelay $0x3  }
0x153: {  	s2 =	simm.s32 $0x1A200  }
0x154: {  	[hbm4b:s24+s3] =	stream.indirect_vreg.scatter [tilespmem:s2], [sflag:$0x5], $0x80, v11, vm0, $0xb8;
	[tilespmem:$0x1E200] =	vst v63  }
0x155: {  	s1 =	simm.s32 $0x1AA00;
	v10 =	vperm.xlane v10, v9  }
0x156: {  	[hbm4b:s13+s3] =	stream.indirect_vreg.scatter [tilespmem:s1], [sflag:$0x5], $0x80, v11, vm0, $0xb8;
	[tilespmem:$0x1E200] =	vst v63  }
0x157: {  	s4 =	simm.s32 $0x1B200;
	v10 =	vadd.s32 v8, v10  }
0x158: {  	[hbm4b:s14+s3] =	stream.indirect_vreg.scatter [tilespmem:s4], [sflag:$0x5], $0x80, v11, vm0, $0xb8;
	[tilespmem:$0x1E200] =	vst v63  }
0x159: {  	s7 =	simm.s32 $0x1BA00  }
0x15a: {  	[hbm4b:s15+s3] =	stream.indirect_vreg.scatter [tilespmem:s7], [sflag:$0x5], $0x80, v11, vm0, $0xb8;
	[tilespmem:$0x1E200] =	vst v63  }
0x15b: {  	s11 =	simm.s32 $0x1C200  }
0x15c: {  	[hbm4b:s24+s3] =	stream.indirect_vreg.scatter [tilespmem:s11], [sflag:$0x5], $0x80, v10, vm0, $0xb8;
	[tilespmem:$0x1E200] =	vst v63  }
0x15d: {  	s19 =	simm.s32 $0x1CA00  }
0x15e: {  	[hbm4b:s13+s3] =	stream.indirect_vreg.scatter [tilespmem:s19], [sflag:$0x5], $0x80, v10, vm0, $0xb8;
	[tilespmem:$0x1E200] =	vst v63  }
0x15f: {  	s30 =	simm.s32 $0x1D200  }
0x160: {  	[hbm4b:s14+s3] =	stream.indirect_vreg.scatter [tilespmem:s30], [sflag:$0x5], $0x80, v10, vm0, $0xb8;
	[tilespmem:$0x1E200] =	vst v63  }
0x161: {  	s1 =	simm.s32 $0x1DA00  }
0x162: {  	[hbm4b:s15+s3] =	stream.indirect_vreg.scatter [tilespmem:s1], [sflag:$0x5], $0x80, v10, vm0, $0xb8;
	[tilespmem:$0x1E200] =	vst v63  }
0x163: {  	v10 =	vld [tilespmem:$0x11B00];
	_ =	sdelay $0x4  }
0x164: {  	v11 =	vshll.u32 v10, $0x3  }
0x165: {  	v10 =	vand.u32 $0x7, v10;
	v11 =	vand.u32 $0xFFFFFFC0, v11  }
0x166: {  	v10 =	vor.u32 v10, v11  }
0x167: {  	v11 =	vperm.xlane v10, v7;
	_ =	sdelay $0x1  }
0x168: {  	v11 =	vadd.s32 v8, v11;
	_ =	sdelay $0x4  }
0x169: {  	[hbm4b:s24+s3] =	stream.indirect_vreg.scatter [tilespmem:s2], [sflag:$0x6], $0x80, v11, vm0, $0xb8;
	[tilespmem:$0x1E200] =	vst v63  }
0x16a: {  	s0 =	simm.s32 $0x1AA00;
	v10 =	vperm.xlane v10, v9  }
0x16b: {  	[hbm4b:s13+s3] =	stream.indirect_vreg.scatter [tilespmem:s0], [sflag:$0x6], $0x80, v11, vm0, $0xb8;
	[tilespmem:$0x1E200] =	vst v63  }
0x16c: {  	s4 =	simm.s32 $0x1B200;
	v10 =	vadd.s32 v8, v10  }
0x16d: {  	[hbm4b:s14+s3] =	stream.indirect_vreg.scatter [tilespmem:s4], [sflag:$0x6], $0x80, v11, vm0, $0xb8;
	[tilespmem:$0x1E200] =	vst v63  }
0x16e: {  	s12 =	simm.s32 $0x1BA00  }
0x16f: {  	[hbm4b:s15+s3] =	stream.indirect_vreg.scatter [tilespmem:s12], [sflag:$0x6], $0x80, v11, vm0, $0xb8;
	[tilespmem:$0x1E200] =	vst v63  }
0x170: {  	s7 =	simm.s32 $0x1C200  }
0x171: {  	[hbm4b:s24+s3] =	stream.indirect_vreg.scatter [tilespmem:s7], [sflag:$0x6], $0x80, v10, vm0, $0xb8;
	[tilespmem:$0x1E200] =	vst v63  }
0x172: {  	s11 =	simm.s32 $0x1CA00  }
0x173: {  	[hbm4b:s13+s3] =	stream.indirect_vreg.scatter [tilespmem:s11], [sflag:$0x6], $0x80, v10, vm0, $0xb8;
	[tilespmem:$0x1E200] =	vst v63  }
0x174: {  	s30 =	simm.s32 $0x1D200  }
0x175: {  	[hbm4b:s14+s3] =	stream.indirect_vreg.scatter [tilespmem:s30], [sflag:$0x6], $0x80, v10, vm0, $0xb8;
	[tilespmem:$0x1E200] =	vst v63  }
0x176: {  	s19 =	simm.s32 $0x1DA00  }
0x177: {  	[hbm4b:s15+s3] =	stream.indirect_vreg.scatter [tilespmem:s19], [sflag:$0x6], $0x80, v10, vm0, $0xb8;
	[tilespmem:$0x1E200] =	vst v63  }
0x178: {  	_ =	swait.ge [sflag:s28], $0x4000  }
0x179: {  	[sflag:s28] =	ssyncset.done $0x0  }
0x17a: {  	[sflag:s28] =	ssyncadd.s32 $0xFFFFC000  }
0x17b: {  	_ =	swait.ge [sflag:s31], $0x4000  }
0x17c: {  	[sflag:s31] =	ssyncset.done $0x0  }
0x17d: {  	s11 =	simm.s32 $0x16200;
	s7 =	rddreg [dreg:$0xe];
	[sflag:s31] =	ssyncadd.s32 $0xFFFFC000  }
0x17e: {  	[tilespmem:s11], [sflag:$0x8] =	stream.linear.gather [hbm4b:s7+s3], $0x4000, $0x38;
	[tilespmem:$0x1E200] =	vst v63  }
0x17f: {  	_ =	swait.ge [sflag:s26], $0x4000  }
0x180: {  	[sflag:s26] =	ssyncset.done $0x0  }
0x181: {  	[sflag:s26] =	ssyncadd.s32 $0xFFFFC000  }
0x182: {  	v10 =	vld [tilespmem:$0x11380];
	_ =	sdelay $0x4  }
0x183: {  	v11 =	vshll.u32 v10, $0x3  }
0x184: {  	v10 =	vand.u32 $0x7, v10;
	v11 =	vand.u32 $0xFFFFFFC0, v11  }
0x185: {  	v10 =	vor.u32 v10, v11  }
0x186: {  	v11 =	vperm.xlane v10, v7;
	_ =	sdelay $0x1  }
0x187: {  	v11 =	vadd.s32 v8, v11;
	_ =	sdelay $0x3  }
0x188: {  	s12 =	simm.s32 $0x12200  }
0x189: {  	[hbm4b:s24+s3] =	stream.indirect_vreg.scatter [tilespmem:s12], [sflag:$0x1], $0x80, v11, vm0, $0xb8;
	[tilespmem:$0x1E200] =	vst v63  }
0x18a: {  	v10 =	vperm.xlane v10, v9  }
0x18b: {  	[hbm4b:s13+s3] =	stream.indirect_vreg.scatter [tilespmem:s20], [sflag:$0x1], $0x80, v11, vm0, $0xb8;
	[tilespmem:$0x1E200] =	vst v63  }
0x18c: {  	v10 =	vadd.s32 v8, v10  }
0x18d: {  	[hbm4b:s14+s3] =	stream.indirect_vreg.scatter [tilespmem:s21], [sflag:$0x1], $0x80, v11, vm0, $0xb8;
	[tilespmem:$0x1E200] =	vst v63  }
0x18e: {  	s19 =	simm.s32 $0x13A00  }
0x18f: {  	[hbm4b:s15+s3] =	stream.indirect_vreg.scatter [tilespmem:s19], [sflag:$0x1], $0x80, v11, vm0, $0xb8;
	[tilespmem:$0x1E200] =	vst v63  }
0x190: {  	_ = 	snop  }
0x191: {  	[hbm4b:s24+s3] =	stream.indirect_vreg.scatter [tilespmem:s23], [sflag:$0x1], $0x80, v10, vm0, $0xb8;
	[tilespmem:$0x1E200] =	vst v63  }
0x192: {  	s2 =	simm.s32 $0x14A00  }
0x193: {  	[hbm4b:s13+s3] =	stream.indirect_vreg.scatter [tilespmem:s2], [sflag:$0x1], $0x80, v10, vm0, $0xb8;
	[tilespmem:$0x1E200] =	vst v63  }
0x194: {  	s7 =	simm.s32 $0x15200  }
0x195: {  	[hbm4b:s14+s3] =	stream.indirect_vreg.scatter [tilespmem:s7], [sflag:$0x1], $0x80, v10, vm0, $0xb8;
	[tilespmem:$0x1E200] =	vst v63  }
0x196: {  	s11 =	simm.s32 $0x15A00  }
0x197: {  	[hbm4b:s15+s3] =	stream.indirect_vreg.scatter [tilespmem:s11], [sflag:$0x1], $0x80, v10, vm0, $0xb8;
	[tilespmem:$0x1E200] =	vst v63  }
0x198: {  	v10 =	vld [tilespmem:$0x11B80];
	_ =	sdelay $0x4  }
0x199: {  	v11 =	vshll.u32 v10, $0x3  }
0x19a: {  	v10 =	vand.u32 $0x7, v10;
	v11 =	vand.u32 $0xFFFFFFC0, v11  }
0x19b: {  	v10 =	vor.u32 v10, v11  }
0x19c: {  	v11 =	vperm.xlane v10, v7;
	_ =	sdelay $0x1  }
0x19d: {  	v11 =	vadd.s32 v8, v11;
	_ =	sdelay $0x3  }
0x19e: {  	s12 =	simm.s32 $0x12200  }
0x19f: {  	[hbm4b:s24+s3] =	stream.indirect_vreg.scatter [tilespmem:s12], [sflag:$0x2], $0x80, v11, vm0, $0xb8;
	[tilespmem:$0x1E200] =	vst v63  }
0x1a0: {  	v10 =	vperm.xlane v10, v9  }
0x1a1: {  	[hbm4b:s13+s3] =	stream.indirect_vreg.scatter [tilespmem:s20], [sflag:$0x2], $0x80, v11, vm0, $0xb8;
	[tilespmem:$0x1E200] =	vst v63  }
0x1a2: {  	v10 =	vadd.s32 v8, v10  }
0x1a3: {  	[hbm4b:s14+s3] =	stream.indirect_vreg.scatter [tilespmem:s21], [sflag:$0x2], $0x80, v11, vm0, $0xb8;
	[tilespmem:$0x1E200] =	vst v63  }
0x1a4: {  	_ = 	snop  }
0x1a5: {  	[hbm4b:s15+s3] =	stream.indirect_vreg.scatter [tilespmem:s19], [sflag:$0x2], $0x80, v11, vm0, $0xb8;
	[tilespmem:$0x1E200] =	vst v63  }
0x1a6: {  	_ = 	snop  }
0x1a7: {  	[hbm4b:s24+s3] =	stream.indirect_vreg.scatter [tilespmem:s23], [sflag:$0x2], $0x80, v10, vm0, $0xb8;
	[tilespmem:$0x1E200] =	vst v63  }
0x1a8: {  	_ = 	snop  }
0x1a9: {  	[hbm4b:s13+s3] =	stream.indirect_vreg.scatter [tilespmem:s2], [sflag:$0x2], $0x80, v10, vm0, $0xb8;
	[tilespmem:$0x1E200] =	vst v63  }
0x1aa: {  	_ = 	snop  }
0x1ab: {  	[hbm4b:s14+s3] =	stream.indirect_vreg.scatter [tilespmem:s7], [sflag:$0x2], $0x80, v10, vm0, $0xb8;
	[tilespmem:$0x1E200] =	vst v63  }
0x1ac: {  	_ = 	snop  }
0x1ad: {  	[hbm4b:s15+s3] =	stream.indirect_vreg.scatter [tilespmem:s11], [sflag:$0x2], $0x80, v10, vm0, $0xb8;
	[tilespmem:$0x1E200] =	vst v63  }
0x1ae: {  	s11 =	simm.s32 $0x5  }
0x1af: {  	_ =	swait.ge [sflag:s11], $0x4000  }
0x1b0: {  	[sflag:s11] =	ssyncset.done $0x0  }
0x1b1: {  	s12 =	simm.s32 $0x6;
	[sflag:s11] =	ssyncadd.s32 $0xFFFFC000  }
0x1b2: {  	_ =	swait.ge [sflag:s12], $0x4000  }
0x1b3: {  	[sflag:s12] =	ssyncset.done $0x0  }
0x1b4: {  	s1 =	simm.s32 $0x1A200;
	s6 =	rddreg [dreg:$0xf];
	[sflag:s12] =	ssyncadd.s32 $0xFFFFC000  }
0x1b5: {  	[tilespmem:s1], [sflag:$0x9] =	stream.linear.gather [hbm4b:s6+s3], $0x4000, $0x38;
	[tilespmem:$0x1E200] =	vst v63  }
0x1b6: {  	_ =	swait.ge [sflag:s29], $0x4000  }
0x1b7: {  	[sflag:s29] =	ssyncset.done $0x0  }
0x1b8: {  	[sflag:s29] =	ssyncadd.s32 $0xFFFFC000  }
0x1b9: {  	v10 =	vld [tilespmem:$0x11400];
	_ =	sdelay $0x4  }
0x1ba: {  	v11 =	vshll.u32 v10, $0x3  }
0x1bb: {  	v10 =	vand.u32 $0x7, v10;
	v11 =	vand.u32 $0xFFFFFFC0, v11  }
0x1bc: {  	v10 =	vor.u32 v10, v11  }
0x1bd: {  	v11 =	vperm.xlane v10, v7;
	_ =	sdelay $0x1  }
0x1be: {  	v11 =	vadd.s32 v8, v11;
	_ =	sdelay $0x3  }
0x1bf: {  	s7 =	simm.s32 $0x16200  }
0x1c0: {  	[hbm4b:s24+s3] =	stream.indirect_vreg.scatter [tilespmem:s7], [sflag:$0x3], $0x80, v11, vm0, $0xb8;
	[tilespmem:$0x1E200] =	vst v63  }
0x1c1: {  	s19 =	simm.s32 $0x16A00;
	v10 =	vperm.xlane v10, v9  }
0x1c2: {  	[hbm4b:s13+s3] =	stream.indirect_vreg.scatter [tilespmem:s19], [sflag:$0x3], $0x80, v11, vm0, $0xb8;
	[tilespmem:$0x1E200] =	vst v63  }
0x1c3: {  	v10 =	vadd.s32 v8, v10  }
0x1c4: {  	[hbm4b:s14+s3] =	stream.indirect_vreg.scatter [tilespmem:s25], [sflag:$0x3], $0x80, v11, vm0, $0xb8;
	[tilespmem:$0x1E200] =	vst v63  }
0x1c5: {  	s1 =	simm.s32 $0x17A00  }
0x1c6: {  	[hbm4b:s15+s3] =	stream.indirect_vreg.scatter [tilespmem:s1], [sflag:$0x3], $0x80, v11, vm0, $0xb8;
	[tilespmem:$0x1E200] =	vst v63  }
0x1c7: {  	s21 =	simm.s32 $0x18200  }
0x1c8: {  	[hbm4b:s24+s3] =	stream.indirect_vreg.scatter [tilespmem:s21], [sflag:$0x3], $0x80, v10, vm0, $0xb8;
	[tilespmem:$0x1E200] =	vst v63  }
0x1c9: {  	s23 =	simm.s32 $0x18A00  }
0x1ca: {  	[hbm4b:s13+s3] =	stream.indirect_vreg.scatter [tilespmem:s23], [sflag:$0x3], $0x80, v10, vm0, $0xb8;
	[tilespmem:$0x1E200] =	vst v63  }
0x1cb: {  	s20 =	simm.s32 $0x19200  }
0x1cc: {  	[hbm4b:s14+s3] =	stream.indirect_vreg.scatter [tilespmem:s20], [sflag:$0x3], $0x80, v10, vm0, $0xb8;
	[tilespmem:$0x1E200] =	vst v63  }
0x1cd: {  	s6 =	simm.s32 $0x19A00  }
0x1ce: {  	[hbm4b:s15+s3] =	stream.indirect_vreg.scatter [tilespmem:s6], [sflag:$0x3], $0x80, v10, vm0, $0xb8;
	[tilespmem:$0x1E200] =	vst v63  }
0x1cf: {  	v10 =	vld [tilespmem:$0x11C00];
	_ =	sdelay $0x4  }
0x1d0: {  	v11 =	vshll.u32 v10, $0x3  }
0x1d1: {  	v10 =	vand.u32 $0x7, v10;
	v11 =	vand.u32 $0xFFFFFFC0, v11  }
0x1d2: {  	v10 =	vor.u32 v10, v11  }
0x1d3: {  	v11 =	vperm.xlane v10, v7;
	_ =	sdelay $0x1  }
0x1d4: {  	v11 =	vadd.s32 v8, v11;
	_ =	sdelay $0x3  }
0x1d5: {  	s7 =	simm.s32 $0x16200  }
0x1d6: {  	[hbm4b:s24+s3] =	stream.indirect_vreg.scatter [tilespmem:s7], [sflag:$0x4], $0x80, v11, vm0, $0xb8;
	[tilespmem:$0x1E200] =	vst v63  }
0x1d7: {  	v10 =	vperm.xlane v10, v9  }
0x1d8: {  	[hbm4b:s13+s3] =	stream.indirect_vreg.scatter [tilespmem:s19], [sflag:$0x4], $0x80, v11, vm0, $0xb8;
	[tilespmem:$0x1E200] =	vst v63  }
0x1d9: {  	v10 =	vadd.s32 v8, v10  }
0x1da: {  	[hbm4b:s14+s3] =	stream.indirect_vreg.scatter [tilespmem:s25], [sflag:$0x4], $0x80, v11, vm0, $0xb8;
	[tilespmem:$0x1E200] =	vst v63  }
0x1db: {  	_ = 	snop  }
0x1dc: {  	[hbm4b:s15+s3] =	stream.indirect_vreg.scatter [tilespmem:s1], [sflag:$0x4], $0x80, v11, vm0, $0xb8;
	[tilespmem:$0x1E200] =	vst v63  }
0x1dd: {  	_ = 	snop  }
0x1de: {  	[hbm4b:s24+s3] =	stream.indirect_vreg.scatter [tilespmem:s21], [sflag:$0x4], $0x80, v10, vm0, $0xb8;
	[tilespmem:$0x1E200] =	vst v63  }
0x1df: {  	_ = 	snop  }
0x1e0: {  	[hbm4b:s13+s3] =	stream.indirect_vreg.scatter [tilespmem:s23], [sflag:$0x4], $0x80, v10, vm0, $0xb8;
	[tilespmem:$0x1E200] =	vst v63  }
0x1e1: {  	_ = 	snop  }
0x1e2: {  	[hbm4b:s14+s3] =	stream.indirect_vreg.scatter [tilespmem:s20], [sflag:$0x4], $0x80, v10, vm0, $0xb8;
	[tilespmem:$0x1E200] =	vst v63  }
0x1e3: {  	_ = 	snop  }
0x1e4: {  	[hbm4b:s15+s3] =	stream.indirect_vreg.scatter [tilespmem:s6], [sflag:$0x4], $0x80, v10, vm0, $0xb8;
	[tilespmem:$0x1E200] =	vst v63  }
0x1e5: {  	_ =	swait.ge [sflag:s18], $0x4000  }
0x1e6: {  	[sflag:s18] =	ssyncset.done $0x0  }
0x1e7: {  	[sflag:s18] =	ssyncadd.s32 $0xFFFFC000  }
0x1e8: {  	_ =	swait.ge [sflag:s10], $0x4000  }
0x1e9: {  	[sflag:s10] =	ssyncset.done $0x0  }
0x1ea: {  	s25 =	simm.s32 $0x12200;
	s23 =	rddreg [dreg:$0x10];
	[sflag:s10] =	ssyncadd.s32 $0xFFFFC000  }
0x1eb: {  	[tilespmem:s25], [sflag:$0x7] =	stream.linear.gather [hbm4b:s23+s3], $0x4000, $0x38;
	[tilespmem:$0x1E200] =	vst v63  }
0x1ec: {  	_ =	swait.ge [sflag:s22], $0x4000  }
0x1ed: {  	[sflag:s22] =	ssyncset.done $0x0  }
0x1ee: {  	[sflag:s22] =	ssyncadd.s32 $0xFFFFC000  }
0x1ef: {  	v10 =	vld [tilespmem:$0x11480];
	_ =	sdelay $0x4  }
0x1f0: {  	v11 =	vshll.u32 v10, $0x3  }
0x1f1: {  	v10 =	vand.u32 $0x7, v10;
	v11 =	vand.u32 $0xFFFFFFC0, v11  }
0x1f2: {  	v10 =	vor.u32 v10, v11  }
0x1f3: {  	v11 =	vperm.xlane v10, v7;
	_ =	sdelay $0x1  }
0x1f4: {  	v11 =	vadd.s32 v8, v11;
	_ =	sdelay $0x3  }
0x1f5: {  	s0 =	simm.s32 $0x1A200  }
0x1f6: {  	[hbm4b:s24+s3] =	stream.indirect_vreg.scatter [tilespmem:s0], [sflag:$0x5], $0x80, v11, vm0, $0xb8;
	[tilespmem:$0x1E200] =	vst v63  }
0x1f7: {  	s2 =	simm.s32 $0x1AA00;
	v10 =	vperm.xlane v10, v9  }
0x1f8: {  	[hbm4b:s13+s3] =	stream.indirect_vreg.scatter [tilespmem:s2], [sflag:$0x5], $0x80, v11, vm0, $0xb8;
	[tilespmem:$0x1E200] =	vst v63  }
0x1f9: {  	s19 =	simm.s32 $0x1B200;
	v10 =	vadd.s32 v8, v10  }
0x1fa: {  	[hbm4b:s14+s3] =	stream.indirect_vreg.scatter [tilespmem:s19], [sflag:$0x5], $0x80, v11, vm0, $0xb8;
	[tilespmem:$0x1E200] =	vst v63  }
0x1fb: {  	s20 =	simm.s32 $0x1BA00  }
0x1fc: {  	[hbm4b:s15+s3] =	stream.indirect_vreg.scatter [tilespmem:s20], [sflag:$0x5], $0x80, v11, vm0, $0xb8;
	[tilespmem:$0x1E200] =	vst v63  }
0x1fd: {  	s23 =	simm.s32 $0x1C200  }
0x1fe: {  	[hbm4b:s24+s3] =	stream.indirect_vreg.scatter [tilespmem:s23], [sflag:$0x5], $0x80, v10, vm0, $0xb8;
	[tilespmem:$0x1E200] =	vst v63  }
0x1ff: {  	s25 =	simm.s32 $0x1CA00  }
0x200: {  	[hbm4b:s13+s3] =	stream.indirect_vreg.scatter [tilespmem:s25], [sflag:$0x5], $0x80, v10, vm0, $0xb8;
	[tilespmem:$0x1E200] =	vst v63  }
0x201: {  	_ = 	snop  }
0x202: {  	[hbm4b:s14+s3] =	stream.indirect_vreg.scatter [tilespmem:s30], [sflag:$0x5], $0x80, v10, vm0, $0xb8;
	[tilespmem:$0x1E200] =	vst v63  }
0x203: {  	s7 =	simm.s32 $0x1DA00  }
0x204: {  	[hbm4b:s15+s3] =	stream.indirect_vreg.scatter [tilespmem:s7], [sflag:$0x5], $0x80, v10, vm0, $0xb8;
	[tilespmem:$0x1E200] =	vst v63  }
0x205: {  	v10 =	vld [tilespmem:$0x11C80];
	_ =	sdelay $0x4  }
0x206: {  	v11 =	vshll.u32 v10, $0x3  }
0x207: {  	v10 =	vand.u32 $0x7, v10;
	v11 =	vand.u32 $0xFFFFFFC0, v11  }
0x208: {  	v10 =	vor.u32 v10, v11  }
0x209: {  	v11 =	vperm.xlane v10, v7;
	_ =	sdelay $0x1  }
0x20a: {  	v11 =	vadd.s32 v8, v11;
	_ =	sdelay $0x4  }
0x20b: {  	[hbm4b:s24+s3] =	stream.indirect_vreg.scatter [tilespmem:s0], [sflag:$0x6], $0x80, v11, vm0, $0xb8;
	[tilespmem:$0x1E200] =	vst v63  }
0x20c: {  	v10 =	vperm.xlane v10, v9  }
0x20d: {  	[hbm4b:s13+s3] =	stream.indirect_vreg.scatter [tilespmem:s2], [sflag:$0x6], $0x80, v11, vm0, $0xb8;
	[tilespmem:$0x1E200] =	vst v63  }
0x20e: {  	v10 =	vadd.s32 v8, v10  }
0x20f: {  	[hbm4b:s14+s3] =	stream.indirect_vreg.scatter [tilespmem:s19], [sflag:$0x6], $0x80, v11, vm0, $0xb8;
	[tilespmem:$0x1E200] =	vst v63  }
0x210: {  	_ = 	snop  }
0x211: {  	[hbm4b:s15+s3] =	stream.indirect_vreg.scatter [tilespmem:s20], [sflag:$0x6], $0x80, v11, vm0, $0xb8;
	[tilespmem:$0x1E200] =	vst v63  }
0x212: {  	_ = 	snop  }
0x213: {  	[hbm4b:s24+s3] =	stream.indirect_vreg.scatter [tilespmem:s23], [sflag:$0x6], $0x80, v10, vm0, $0xb8;
	[tilespmem:$0x1E200] =	vst v63  }
0x214: {  	_ = 	snop  }
0x215: {  	[hbm4b:s13+s3] =	stream.indirect_vreg.scatter [tilespmem:s25], [sflag:$0x6], $0x80, v10, vm0, $0xb8;
	[tilespmem:$0x1E200] =	vst v63  }
0x216: {  	_ = 	snop  }
0x217: {  	[hbm4b:s14+s3] =	stream.indirect_vreg.scatter [tilespmem:s30], [sflag:$0x6], $0x80, v10, vm0, $0xb8;
	[tilespmem:$0x1E200] =	vst v63  }
0x218: {  	_ = 	snop  }
0x219: {  	[hbm4b:s15+s3] =	stream.indirect_vreg.scatter [tilespmem:s7], [sflag:$0x6], $0x80, v10, vm0, $0xb8;
	[tilespmem:$0x1E200] =	vst v63  }
0x21a: {  	_ =	swait.ge [sflag:s28], $0x4000  }
0x21b: {  	[sflag:s28] =	ssyncset.done $0x0  }
0x21c: {  	[sflag:s28] =	ssyncadd.s32 $0xFFFFC000  }
0x21d: {  	_ =	swait.ge [sflag:s31], $0x4000  }
0x21e: {  	[sflag:s31] =	ssyncset.done $0x0  }
0x21f: {  	s25 =	simm.s32 $0x16200;
	s21 =	rddreg [dreg:$0x11];
	[sflag:s31] =	ssyncadd.s32 $0xFFFFC000  }
0x220: {  	[tilespmem:s25], [sflag:$0x8] =	stream.linear.gather [hbm4b:s21+s3], $0x4000, $0x38;
	[tilespmem:$0x1E200] =	vst v63  }
0x221: {  	_ =	swait.ge [sflag:s26], $0x4000  }
0x222: {  	[sflag:s26] =	ssyncset.done $0x0  }
0x223: {  	[sflag:s26] =	ssyncadd.s32 $0xFFFFC000  }
0x224: {  	v10 =	vld [tilespmem:$0x11500];
	_ =	sdelay $0x4  }
0x225: {  	v11 =	vshll.u32 v10, $0x3  }
0x226: {  	v10 =	vand.u32 $0x7, v10;
	v11 =	vand.u32 $0xFFFFFFC0, v11  }
0x227: {  	v10 =	vor.u32 v10, v11  }
0x228: {  	v11 =	vperm.xlane v10, v7;
	_ =	sdelay $0x1  }
0x229: {  	v11 =	vadd.s32 v8, v11;
	_ =	sdelay $0x3  }
0x22a: {  	s30 =	simm.s32 $0x12200  }
0x22b: {  	[hbm4b:s24+s3] =	stream.indirect_vreg.scatter [tilespmem:s30], [sflag:$0x1], $0x80, v11, vm0, $0xb8;
	[tilespmem:$0x1E200] =	vst v63  }
0x22c: {  	s20 =	simm.s32 $0x12A00;
	v10 =	vperm.xlane v10, v9  }
0x22d: {  	[hbm4b:s13+s3] =	stream.indirect_vreg.scatter [tilespmem:s20], [sflag:$0x1], $0x80, v11, vm0, $0xb8;
	[tilespmem:$0x1E200] =	vst v63  }
0x22e: {  	s21 =	simm.s32 $0x13200;
	v10 =	vadd.s32 v8, v10  }
0x22f: {  	[hbm4b:s14+s3] =	stream.indirect_vreg.scatter [tilespmem:s21], [sflag:$0x1], $0x80, v11, vm0, $0xb8;
	[tilespmem:$0x1E200] =	vst v63  }
0x230: {  	s4 =	simm.s32 $0x13A00  }
0x231: {  	[hbm4b:s15+s3] =	stream.indirect_vreg.scatter [tilespmem:s4], [sflag:$0x1], $0x80, v11, vm0, $0xb8;
	[tilespmem:$0x1E200] =	vst v63  }
0x232: {  	s19 =	simm.s32 $0x14200  }
0x233: {  	[hbm4b:s24+s3] =	stream.indirect_vreg.scatter [tilespmem:s19], [sflag:$0x1], $0x80, v10, vm0, $0xb8;
	[tilespmem:$0x1E200] =	vst v63  }
0x234: {  	s25 =	simm.s32 $0x14A00  }
0x235: {  	[hbm4b:s13+s3] =	stream.indirect_vreg.scatter [tilespmem:s25], [sflag:$0x1], $0x80, v10, vm0, $0xb8;
	[tilespmem:$0x1E200] =	vst v63  }
0x236: {  	s0 =	simm.s32 $0x15200  }
0x237: {  	[hbm4b:s14+s3] =	stream.indirect_vreg.scatter [tilespmem:s0], [sflag:$0x1], $0x80, v10, vm0, $0xb8;
	[tilespmem:$0x1E200] =	vst v63  }
0x238: {  	s2 =	simm.s32 $0x15A00  }
0x239: {  	[hbm4b:s15+s3] =	stream.indirect_vreg.scatter [tilespmem:s2], [sflag:$0x1], $0x80, v10, vm0, $0xb8;
	[tilespmem:$0x1E200] =	vst v63  }
0x23a: {  	v10 =	vld [tilespmem:$0x11D00];
	_ =	sdelay $0x4  }
0x23b: {  	v11 =	vshll.u32 v10, $0x3  }
0x23c: {  	v10 =	vand.u32 $0x7, v10;
	v11 =	vand.u32 $0xFFFFFFC0, v11  }
0x23d: {  	v10 =	vor.u32 v10, v11  }
0x23e: {  	v11 =	vperm.xlane v10, v7;
	_ =	sdelay $0x1  }
0x23f: {  	v11 =	vadd.s32 v8, v11;
	_ =	sdelay $0x3  }
0x240: {  	s7 =	simm.s32 $0x12200  }
0x241: {  	[hbm4b:s24+s3] =	stream.indirect_vreg.scatter [tilespmem:s7], [sflag:$0x2], $0x80, v11, vm0, $0xb8;
	[tilespmem:$0x1E200] =	vst v63  }
0x242: {  	v10 =	vperm.xlane v10, v9  }
0x243: {  	[hbm4b:s13+s3] =	stream.indirect_vreg.scatter [tilespmem:s20], [sflag:$0x2], $0x80, v11, vm0, $0xb8;
	[tilespmem:$0x1E200] =	vst v63  }
0x244: {  	v10 =	vadd.s32 v8, v10  }
0x245: {  	[hbm4b:s14+s3] =	stream.indirect_vreg.scatter [tilespmem:s21], [sflag:$0x2], $0x80, v11, vm0, $0xb8;
	[tilespmem:$0x1E200] =	vst v63  }
0x246: {  	_ = 	snop  }
0x247: {  	[hbm4b:s15+s3] =	stream.indirect_vreg.scatter [tilespmem:s4], [sflag:$0x2], $0x80, v11, vm0, $0xb8;
	[tilespmem:$0x1E200] =	vst v63  }
0x248: {  	_ = 	snop  }
0x249: {  	[hbm4b:s24+s3] =	stream.indirect_vreg.scatter [tilespmem:s19], [sflag:$0x2], $0x80, v10, vm0, $0xb8;
	[tilespmem:$0x1E200] =	vst v63  }
0x24a: {  	_ = 	snop  }
0x24b: {  	[hbm4b:s13+s3] =	stream.indirect_vreg.scatter [tilespmem:s25], [sflag:$0x2], $0x80, v10, vm0, $0xb8;
	[tilespmem:$0x1E200] =	vst v63  }
0x24c: {  	_ = 	snop  }
0x24d: {  	[hbm4b:s14+s3] =	stream.indirect_vreg.scatter [tilespmem:s0], [sflag:$0x2], $0x80, v10, vm0, $0xb8;
	[tilespmem:$0x1E200] =	vst v63  }
0x24e: {  	_ = 	snop  }
0x24f: {  	[hbm4b:s15+s3] =	stream.indirect_vreg.scatter [tilespmem:s2], [sflag:$0x2], $0x80, v10, vm0, $0xb8;
	[tilespmem:$0x1E200] =	vst v63  }
0x250: {  	_ =	swait.ge [sflag:s11], $0x4000  }
0x251: {  	[sflag:s11] =	ssyncset.done $0x0  }
0x252: {  	[sflag:s11] =	ssyncadd.s32 $0xFFFFC000  }
0x253: {  	_ =	swait.ge [sflag:s12], $0x4000  }
0x254: {  	[sflag:s12] =	ssyncset.done $0x0  }
0x255: {  	s6 =	simm.s32 $0x1A200;
	s25 =	rddreg [dreg:$0x12];
	[sflag:s12] =	ssyncadd.s32 $0xFFFFC000  }
0x256: {  	[tilespmem:s6], [sflag:$0x9] =	stream.linear.gather [hbm4b:s25+s3], $0x4000, $0x38;
	[tilespmem:$0x1E200] =	vst v63  }
0x257: {  	_ =	swait.ge [sflag:s29], $0x4000  }
0x258: {  	[sflag:s29] =	ssyncset.done $0x0  }
0x259: {  	[sflag:s29] =	ssyncadd.s32 $0xFFFFC000  }
0x25a: {  	v10 =	vld [tilespmem:$0x11580];
	_ =	sdelay $0x4  }
0x25b: {  	v11 =	vshll.u32 v10, $0x3  }
0x25c: {  	v10 =	vand.u32 $0x7, v10;
	v11 =	vand.u32 $0xFFFFFFC0, v11  }
0x25d: {  	v10 =	vor.u32 v10, v11  }
0x25e: {  	v11 =	vperm.xlane v10, v7;
	_ =	sdelay $0x1  }
0x25f: {  	v11 =	vadd.s32 v8, v11;
	_ =	sdelay $0x3  }
0x260: {  	s30 =	simm.s32 $0x16200  }
0x261: {  	[hbm4b:s24+s3] =	stream.indirect_vreg.scatter [tilespmem:s30], [sflag:$0x3], $0x80, v11, vm0, $0xb8;
	[tilespmem:$0x1E200] =	vst v63  }
0x262: {  	s2 =	simm.s32 $0x16A00;
	v10 =	vperm.xlane v10, v9  }
0x263: {  	[hbm4b:s13+s3] =	stream.indirect_vreg.scatter [tilespmem:s2], [sflag:$0x3], $0x80, v11, vm0, $0xb8;
	[tilespmem:$0x1E200] =	vst v63  }
0x264: {  	s19 =	simm.s32 $0x17200;
	v10 =	vadd.s32 v8, v10  }
0x265: {  	[hbm4b:s14+s3] =	stream.indirect_vreg.scatter [tilespmem:s19], [sflag:$0x3], $0x80, v11, vm0, $0xb8;
	[tilespmem:$0x1E200] =	vst v63  }
0x266: {  	s25 =	simm.s32 $0x17A00  }
0x267: {  	[hbm4b:s15+s3] =	stream.indirect_vreg.scatter [tilespmem:s25], [sflag:$0x3], $0x80, v11, vm0, $0xb8;
	[tilespmem:$0x1E200] =	vst v63  }
0x268: {  	s20 =	simm.s32 $0x18200  }
0x269: {  	[hbm4b:s24+s3] =	stream.indirect_vreg.scatter [tilespmem:s20], [sflag:$0x3], $0x80, v10, vm0, $0xb8;
	[tilespmem:$0x1E200] =	vst v63  }
0x26a: {  	s4 =	simm.s32 $0x18A00  }
0x26b: {  	[hbm4b:s13+s3] =	stream.indirect_vreg.scatter [tilespmem:s4], [sflag:$0x3], $0x80, v10, vm0, $0xb8;
	[tilespmem:$0x1E200] =	vst v63  }
0x26c: {  	s1 =	simm.s32 $0x19200  }
0x26d: {  	[hbm4b:s14+s3] =	stream.indirect_vreg.scatter [tilespmem:s1], [sflag:$0x3], $0x80, v10, vm0, $0xb8;
	[tilespmem:$0x1E200] =	vst v63  }
0x26e: {  	s30 =	simm.s32 $0x19A00  }
0x26f: {  	[hbm4b:s15+s3] =	stream.indirect_vreg.scatter [tilespmem:s30], [sflag:$0x3], $0x80, v10, vm0, $0xb8;
	[tilespmem:$0x1E200] =	vst v63  }
0x270: {  	v10 =	vld [tilespmem:$0x11D80];
	_ =	sdelay $0x4  }
0x271: {  	v11 =	vshll.u32 v10, $0x3  }
0x272: {  	v10 =	vand.u32 $0x7, v10;
	v11 =	vand.u32 $0xFFFFFFC0, v11  }
0x273: {  	v10 =	vor.u32 v10, v11  }
0x274: {  	v11 =	vperm.xlane v10, v7;
	_ =	sdelay $0x1  }
0x275: {  	v11 =	vadd.s32 v8, v11;
	_ =	sdelay $0x3  }
0x276: {  	s0 =	simm.s32 $0x16200  }
0x277: {  	[hbm4b:s24+s3] =	stream.indirect_vreg.scatter [tilespmem:s0], [sflag:$0x4], $0x80, v11, vm0, $0xb8;
	[tilespmem:$0x1E200] =	vst v63  }
0x278: {  	v10 =	vperm.xlane v10, v9  }
0x279: {  	[hbm4b:s13+s3] =	stream.indirect_vreg.scatter [tilespmem:s2], [sflag:$0x4], $0x80, v11, vm0, $0xb8;
	[tilespmem:$0x1E200] =	vst v63  }
0x27a: {  	v10 =	vadd.s32 v8, v10  }
0x27b: {  	[hbm4b:s14+s3] =	stream.indirect_vreg.scatter [tilespmem:s19], [sflag:$0x4], $0x80, v11, vm0, $0xb8;
	[tilespmem:$0x1E200] =	vst v63  }
0x27c: {  	_ = 	snop  }
0x27d: {  	[hbm4b:s15+s3] =	stream.indirect_vreg.scatter [tilespmem:s25], [sflag:$0x4], $0x80, v11, vm0, $0xb8;
	[tilespmem:$0x1E200] =	vst v63  }
0x27e: {  	_ = 	snop  }
0x27f: {  	[hbm4b:s24+s3] =	stream.indirect_vreg.scatter [tilespmem:s20], [sflag:$0x4], $0x80, v10, vm0, $0xb8;
	[tilespmem:$0x1E200] =	vst v63  }
0x280: {  	_ = 	snop  }
0x281: {  	[hbm4b:s13+s3] =	stream.indirect_vreg.scatter [tilespmem:s4], [sflag:$0x4], $0x80, v10, vm0, $0xb8;
	[tilespmem:$0x1E200] =	vst v63  }
0x282: {  	_ = 	snop  }
0x283: {  	[hbm4b:s14+s3] =	stream.indirect_vreg.scatter [tilespmem:s1], [sflag:$0x4], $0x80, v10, vm0, $0xb8;
	[tilespmem:$0x1E200] =	vst v63  }
0x284: {  	_ = 	snop  }
0x285: {  	[hbm4b:s15+s3] =	stream.indirect_vreg.scatter [tilespmem:s30], [sflag:$0x4], $0x80, v10, vm0, $0xb8;
	[tilespmem:$0x1E200] =	vst v63  }
0x286: {  	_ =	swait.ge [sflag:s18], $0x4000  }
0x287: {  	[sflag:s18] =	ssyncset.done $0x0  }
0x288: {  	[sflag:s18] =	ssyncadd.s32 $0xFFFFC000  }
0x289: {  	_ =	swait.ge [sflag:s10], $0x4000  }
0x28a: {  	[sflag:s10] =	ssyncset.done $0x0  }
0x28b: {  	s1 =	simm.s32 $0x12200;
	s0 =	rddreg [dreg:$0x13];
	[sflag:s10] =	ssyncadd.s32 $0xFFFFC000  }
0x28c: {  	[tilespmem:s1], [sflag:$0x7] =	stream.linear.gather [hbm4b:s0+s3], $0x4000, $0x38;
	[tilespmem:$0x1E200] =	vst v63  }
0x28d: {  	_ =	swait.ge [sflag:s22], $0x4000  }
0x28e: {  	[sflag:s22] =	ssyncset.done $0x0  }
0x28f: {  	[sflag:s22] =	ssyncadd.s32 $0xFFFFC000  }
0x290: {  	v10 =	vld [tilespmem:$0x11600];
	_ =	sdelay $0x4  }
0x291: {  	v11 =	vshll.u32 v10, $0x3  }
0x292: {  	v10 =	vand.u32 $0x7, v10;
	v11 =	vand.u32 $0xFFFFFFC0, v11  }
0x293: {  	v10 =	vor.u32 v10, v11  }
0x294: {  	v11 =	vperm.xlane v10, v7;
	_ =	sdelay $0x1  }
0x295: {  	v11 =	vadd.s32 v8, v11;
	_ =	sdelay $0x4  }
0x296: {  	[hbm4b:s24+s3] =	stream.indirect_vreg.scatter [tilespmem:s6], [sflag:$0x5], $0x80, v11, vm0, $0xb8;
	[tilespmem:$0x1E200] =	vst v63  }
0x297: {  	s30 =	simm.s32 $0x1AA00;
	v10 =	vperm.xlane v10, v9  }
0x298: {  	[hbm4b:s13+s3] =	stream.indirect_vreg.scatter [tilespmem:s30], [sflag:$0x5], $0x80, v11, vm0, $0xb8;
	[tilespmem:$0x1E200] =	vst v63  }
0x299: {  	s20 =	simm.s32 $0x1B200;
	v10 =	vadd.s32 v8, v10  }
0x29a: {  	[hbm4b:s14+s3] =	stream.indirect_vreg.scatter [tilespmem:s20], [sflag:$0x5], $0x80, v11, vm0, $0xb8;
	[tilespmem:$0x1E200] =	vst v63  }
0x29b: {  	s4 =	simm.s32 $0x1BA00  }
0x29c: {  	[hbm4b:s15+s3] =	stream.indirect_vreg.scatter [tilespmem:s4], [sflag:$0x5], $0x80, v11, vm0, $0xb8;
	[tilespmem:$0x1E200] =	vst v63  }
0x29d: {  	s23 =	simm.s32 $0x1C200  }
0x29e: {  	[hbm4b:s24+s3] =	stream.indirect_vreg.scatter [tilespmem:s23], [sflag:$0x5], $0x80, v10, vm0, $0xb8;
	[tilespmem:$0x1E200] =	vst v63  }
0x29f: {  	s0 =	simm.s32 $0x1CA00  }
0x2a0: {  	[hbm4b:s13+s3] =	stream.indirect_vreg.scatter [tilespmem:s0], [sflag:$0x5], $0x80, v10, vm0, $0xb8;
	[tilespmem:$0x1E200] =	vst v63  }
0x2a1: {  	s19 =	simm.s32 $0x1D200  }
0x2a2: {  	[hbm4b:s14+s3] =	stream.indirect_vreg.scatter [tilespmem:s19], [sflag:$0x5], $0x80, v10, vm0, $0xb8;
	[tilespmem:$0x1E200] =	vst v63  }
0x2a3: {  	s1 =	simm.s32 $0x1DA00  }
0x2a4: {  	[hbm4b:s15+s3] =	stream.indirect_vreg.scatter [tilespmem:s1], [sflag:$0x5], $0x80, v10, vm0, $0xb8;
	[tilespmem:$0x1E200] =	vst v63  }
0x2a5: {  	v10 =	vld [tilespmem:$0x11E00];
	_ =	sdelay $0x4  }
0x2a6: {  	v11 =	vshll.u32 v10, $0x3  }
0x2a7: {  	v10 =	vand.u32 $0x7, v10;
	v11 =	vand.u32 $0xFFFFFFC0, v11  }
0x2a8: {  	v10 =	vor.u32 v10, v11  }
0x2a9: {  	v11 =	vperm.xlane v10, v7;
	_ =	sdelay $0x1  }
0x2aa: {  	v11 =	vadd.s32 v8, v11;
	_ =	sdelay $0x4  }
0x2ab: {  	[hbm4b:s24+s3] =	stream.indirect_vreg.scatter [tilespmem:s6], [sflag:$0x6], $0x80, v11, vm0, $0xb8;
	[tilespmem:$0x1E200] =	vst v63  }
0x2ac: {  	v10 =	vperm.xlane v10, v9  }
0x2ad: {  	[hbm4b:s13+s3] =	stream.indirect_vreg.scatter [tilespmem:s30], [sflag:$0x6], $0x80, v11, vm0, $0xb8;
	[tilespmem:$0x1E200] =	vst v63  }
0x2ae: {  	v10 =	vadd.s32 v8, v10  }
0x2af: {  	[hbm4b:s14+s3] =	stream.indirect_vreg.scatter [tilespmem:s20], [sflag:$0x6], $0x80, v11, vm0, $0xb8;
	[tilespmem:$0x1E200] =	vst v63  }
0x2b0: {  	_ = 	snop  }
0x2b1: {  	[hbm4b:s15+s3] =	stream.indirect_vreg.scatter [tilespmem:s4], [sflag:$0x6], $0x80, v11, vm0, $0xb8;
	[tilespmem:$0x1E200] =	vst v63  }
0x2b2: {  	_ = 	snop  }
0x2b3: {  	[hbm4b:s24+s3] =	stream.indirect_vreg.scatter [tilespmem:s23], [sflag:$0x6], $0x80, v10, vm0, $0xb8;
	[tilespmem:$0x1E200] =	vst v63  }
0x2b4: {  	_ = 	snop  }
0x2b5: {  	[hbm4b:s13+s3] =	stream.indirect_vreg.scatter [tilespmem:s0], [sflag:$0x6], $0x80, v10, vm0, $0xb8;
	[tilespmem:$0x1E200] =	vst v63  }
0x2b6: {  	_ = 	snop  }
0x2b7: {  	[hbm4b:s14+s3] =	stream.indirect_vreg.scatter [tilespmem:s19], [sflag:$0x6], $0x80, v10, vm0, $0xb8;
	[tilespmem:$0x1E200] =	vst v63  }
0x2b8: {  	_ = 	snop  }
0x2b9: {  	[hbm4b:s15+s3] =	stream.indirect_vreg.scatter [tilespmem:s1], [sflag:$0x6], $0x80, v10, vm0, $0xb8;
	[tilespmem:$0x1E200] =	vst v63  }
0x2ba: {  	_ =	swait.ge [sflag:s28], $0x4000  }
0x2bb: {  	[sflag:s28] =	ssyncset.done $0x0  }
0x2bc: {  	[sflag:s28] =	ssyncadd.s32 $0xFFFFC000  }
0x2bd: {  	_ =	swait.ge [sflag:s31], $0x4000  }
0x2be: {  	[sflag:s31] =	ssyncset.done $0x0  }
0x2bf: {  	s20 =	simm.s32 $0x16200;
	s4 =	rddreg [dreg:$0x15];
	[sflag:s31] =	ssyncadd.s32 $0xFFFFC000  }
0x2c0: {  	[tilespmem:s20], [sflag:$0x8] =	stream.linear.gather [hbm4b:s4+s3], $0x4000, $0x38;
	[tilespmem:$0x1E200] =	vst v63  }
0x2c1: {  	_ =	swait.ge [sflag:s26], $0x4000  }
0x2c2: {  	[sflag:s26] =	ssyncset.done $0x0  }
0x2c3: {  	[sflag:s26] =	ssyncadd.s32 $0xFFFFC000  }
0x2c4: {  	v10 =	vld [tilespmem:$0x11680];
	_ =	sdelay $0x4  }
0x2c5: {  	v11 =	vshll.u32 v10, $0x3  }
0x2c6: {  	v10 =	vand.u32 $0x7, v10;
	v11 =	vand.u32 $0xFFFFFFC0, v11  }
0x2c7: {  	v10 =	vor.u32 v10, v11  }
0x2c8: {  	v11 =	vperm.xlane v10, v7;
	_ =	sdelay $0x1  }
0x2c9: {  	v11 =	vadd.s32 v8, v11;
	_ =	sdelay $0x3  }
0x2ca: {  	s23 =	simm.s32 $0x12200  }
0x2cb: {  	[hbm4b:s24+s3] =	stream.indirect_vreg.scatter [tilespmem:s23], [sflag:$0x1], $0x80, v11, vm0, $0xb8;
	[tilespmem:$0x1E200] =	vst v63  }
0x2cc: {  	s1 =	simm.s32 $0x12A00;
	v10 =	vperm.xlane v10, v9  }
0x2cd: {  	[hbm4b:s13+s3] =	stream.indirect_vreg.scatter [tilespmem:s1], [sflag:$0x1], $0x80, v11, vm0, $0xb8;
	[tilespmem:$0x1E200] =	vst v63  }
0x2ce: {  	s21 =	simm.s32 $0x13200;
	v10 =	vadd.s32 v8, v10  }
0x2cf: {  	[hbm4b:s14+s3] =	stream.indirect_vreg.scatter [tilespmem:s21], [sflag:$0x1], $0x80, v11, vm0, $0xb8;
	[tilespmem:$0x1E200] =	vst v63  }
0x2d0: {  	s19 =	simm.s32 $0x13A00  }
0x2d1: {  	[hbm4b:s15+s3] =	stream.indirect_vreg.scatter [tilespmem:s19], [sflag:$0x1], $0x80, v11, vm0, $0xb8;
	[tilespmem:$0x1E200] =	vst v63  }
0x2d2: {  	s0 =	simm.s32 $0x14200  }
0x2d3: {  	[hbm4b:s24+s3] =	stream.indirect_vreg.scatter [tilespmem:s0], [sflag:$0x1], $0x80, v10, vm0, $0xb8;
	[tilespmem:$0x1E200] =	vst v63  }
0x2d4: {  	s7 =	simm.s32 $0x14A00  }
0x2d5: {  	[hbm4b:s13+s3] =	stream.indirect_vreg.scatter [tilespmem:s7], [sflag:$0x1], $0x80, v10, vm0, $0xb8;
	[tilespmem:$0x1E200] =	vst v63  }
0x2d6: {  	s23 =	simm.s32 $0x15200  }
0x2d7: {  	[hbm4b:s14+s3] =	stream.indirect_vreg.scatter [tilespmem:s23], [sflag:$0x1], $0x80, v10, vm0, $0xb8;
	[tilespmem:$0x1E200] =	vst v63  }
0x2d8: {  	s20 =	simm.s32 $0x15A00  }
0x2d9: {  	[hbm4b:s15+s3] =	stream.indirect_vreg.scatter [tilespmem:s20], [sflag:$0x1], $0x80, v10, vm0, $0xb8;
	[tilespmem:$0x1E200] =	vst v63  }
0x2da: {  	v10 =	vld [tilespmem:$0x11E80];
	_ =	sdelay $0x4  }
0x2db: {  	v11 =	vshll.u32 v10, $0x3  }
0x2dc: {  	v10 =	vand.u32 $0x7, v10;
	v11 =	vand.u32 $0xFFFFFFC0, v11  }
0x2dd: {  	v10 =	vor.u32 v10, v11  }
0x2de: {  	v11 =	vperm.xlane v10, v7;
	_ =	sdelay $0x1  }
0x2df: {  	v11 =	vadd.s32 v8, v11;
	_ =	sdelay $0x3  }
0x2e0: {  	s30 =	simm.s32 $0x12200  }
0x2e1: {  	[hbm4b:s24+s3] =	stream.indirect_vreg.scatter [tilespmem:s30], [sflag:$0x2], $0x80, v11, vm0, $0xb8;
	[tilespmem:$0x1E200] =	vst v63  }
0x2e2: {  	v10 =	vperm.xlane v10, v9  }
0x2e3: {  	[hbm4b:s13+s3] =	stream.indirect_vreg.scatter [tilespmem:s1], [sflag:$0x2], $0x80, v11, vm0, $0xb8;
	[tilespmem:$0x1E200] =	vst v63  }
0x2e4: {  	v10 =	vadd.s32 v8, v10  }
0x2e5: {  	[hbm4b:s14+s3] =	stream.indirect_vreg.scatter [tilespmem:s21], [sflag:$0x2], $0x80, v11, vm0, $0xb8;
	[tilespmem:$0x1E200] =	vst v63  }
0x2e6: {  	_ = 	snop  }
0x2e7: {  	[hbm4b:s15+s3] =	stream.indirect_vreg.scatter [tilespmem:s19], [sflag:$0x2], $0x80, v11, vm0, $0xb8;
	[tilespmem:$0x1E200] =	vst v63  }
0x2e8: {  	_ = 	snop  }
0x2e9: {  	[hbm4b:s24+s3] =	stream.indirect_vreg.scatter [tilespmem:s0], [sflag:$0x2], $0x80, v10, vm0, $0xb8;
	[tilespmem:$0x1E200] =	vst v63  }
0x2ea: {  	_ = 	snop  }
0x2eb: {  	[hbm4b:s13+s3] =	stream.indirect_vreg.scatter [tilespmem:s7], [sflag:$0x2], $0x80, v10, vm0, $0xb8;
	[tilespmem:$0x1E200] =	vst v63  }
0x2ec: {  	_ = 	snop  }
0x2ed: {  	[hbm4b:s14+s3] =	stream.indirect_vreg.scatter [tilespmem:s23], [sflag:$0x2], $0x80, v10, vm0, $0xb8;
	[tilespmem:$0x1E200] =	vst v63  }
0x2ee: {  	_ = 	snop  }
0x2ef: {  	[hbm4b:s15+s3] =	stream.indirect_vreg.scatter [tilespmem:s20], [sflag:$0x2], $0x80, v10, vm0, $0xb8;
	[tilespmem:$0x1E200] =	vst v63  }
0x2f0: {  	_ =	swait.ge [sflag:s11], $0x4000  }
0x2f1: {  	[sflag:s11] =	ssyncset.done $0x0  }
0x2f2: {  	[sflag:s11] =	ssyncadd.s32 $0xFFFFC000  }
0x2f3: {  	_ =	swait.ge [sflag:s12], $0x4000  }
0x2f4: {  	[sflag:s12] =	ssyncset.done $0x0  }
0x2f5: {  	s23 =	rddreg [dreg:$0x16];
	[sflag:s12] =	ssyncadd.s32 $0xFFFFC000  }
0x2f6: {  	[tilespmem:s6], [sflag:$0x9] =	stream.linear.gather [hbm4b:s23+s3], $0x4000, $0x38;
	[tilespmem:$0x1E200] =	vst v63  }
0x2f7: {  	_ =	swait.ge [sflag:s29], $0x4000  }
0x2f8: {  	[sflag:s29] =	ssyncset.done $0x0  }
0x2f9: {  	[sflag:s29] =	ssyncadd.s32 $0xFFFFC000  }
0x2fa: {  	v10 =	vld [tilespmem:$0x11700];
	_ =	sdelay $0x4  }
0x2fb: {  	v11 =	vshll.u32 v10, $0x3  }
0x2fc: {  	v10 =	vand.u32 $0x7, v10;
	v11 =	vand.u32 $0xFFFFFFC0, v11  }
0x2fd: {  	v10 =	vor.u32 v10, v11  }
0x2fe: {  	v11 =	vperm.xlane v10, v7;
	_ =	sdelay $0x1  }
0x2ff: {  	v11 =	vadd.s32 v8, v11;
	_ =	sdelay $0x3  }
0x300: {  	s30 =	simm.s32 $0x16200  }
0x301: {  	[hbm4b:s24+s3] =	stream.indirect_vreg.scatter [tilespmem:s30], [sflag:$0x3], $0x80, v11, vm0, $0xb8;
	[tilespmem:$0x1E200] =	vst v63  }
0x302: {  	s1 =	simm.s32 $0x16A00;
	v10 =	vperm.xlane v10, v9  }
0x303: {  	[hbm4b:s13+s3] =	stream.indirect_vreg.scatter [tilespmem:s1], [sflag:$0x3], $0x80, v11, vm0, $0xb8;
	[tilespmem:$0x1E200] =	vst v63  }
0x304: {  	s19 =	simm.s32 $0x17200;
	v10 =	vadd.s32 v8, v10  }
0x305: {  	[hbm4b:s14+s3] =	stream.indirect_vreg.scatter [tilespmem:s19], [sflag:$0x3], $0x80, v11, vm0, $0xb8;
	[tilespmem:$0x1E200] =	vst v63  }
0x306: {  	s25 =	simm.s32 $0x17A00  }
0x307: {  	[hbm4b:s15+s3] =	stream.indirect_vreg.scatter [tilespmem:s25], [sflag:$0x3], $0x80, v11, vm0, $0xb8;
	[tilespmem:$0x1E200] =	vst v63  }
0x308: {  	s21 =	simm.s32 $0x18200  }
0x309: {  	[hbm4b:s24+s3] =	stream.indirect_vreg.scatter [tilespmem:s21], [sflag:$0x3], $0x80, v10, vm0, $0xb8;
	[tilespmem:$0x1E200] =	vst v63  }
0x30a: {  	s23 =	simm.s32 $0x18A00  }
0x30b: {  	[hbm4b:s13+s3] =	stream.indirect_vreg.scatter [tilespmem:s23], [sflag:$0x3], $0x80, v10, vm0, $0xb8;
	[tilespmem:$0x1E200] =	vst v63  }
0x30c: {  	s6 =	simm.s32 $0x19200  }
0x30d: {  	[hbm4b:s14+s3] =	stream.indirect_vreg.scatter [tilespmem:s6], [sflag:$0x3], $0x80, v10, vm0, $0xb8;
	[tilespmem:$0x1E200] =	vst v63  }
0x30e: {  	s2 =	simm.s32 $0x19A00  }
0x30f: {  	[hbm4b:s15+s3] =	stream.indirect_vreg.scatter [tilespmem:s2], [sflag:$0x3], $0x80, v10, vm0, $0xb8;
	[tilespmem:$0x1E200] =	vst v63  }
0x310: {  	v10 =	vld [tilespmem:$0x11F00];
	_ =	sdelay $0x4  }
0x311: {  	v11 =	vshll.u32 v10, $0x3  }
0x312: {  	v10 =	vand.u32 $0x7, v10;
	v11 =	vand.u32 $0xFFFFFFC0, v11  }
0x313: {  	v10 =	vor.u32 v10, v11  }
0x314: {  	v11 =	vperm.xlane v10, v7;
	_ =	sdelay $0x1  }
0x315: {  	v11 =	vadd.s32 v8, v11;
	_ =	sdelay $0x3  }
0x316: {  	s7 =	simm.s32 $0x16200  }
0x317: {  	[hbm4b:s24+s3] =	stream.indirect_vreg.scatter [tilespmem:s7], [sflag:$0x4], $0x80, v11, vm0, $0xb8;
	[tilespmem:$0x1E200] =	vst v63  }
0x318: {  	v10 =	vperm.xlane v10, v9  }
0x319: {  	[hbm4b:s13+s3] =	stream.indirect_vreg.scatter [tilespmem:s1], [sflag:$0x4], $0x80, v11, vm0, $0xb8;
	[tilespmem:$0x1E200] =	vst v63  }
0x31a: {  	v10 =	vadd.s32 v8, v10  }
0x31b: {  	[hbm4b:s14+s3] =	stream.indirect_vreg.scatter [tilespmem:s19], [sflag:$0x4], $0x80, v11, vm0, $0xb8;
	[tilespmem:$0x1E200] =	vst v63  }
0x31c: {  	_ = 	snop  }
0x31d: {  	[hbm4b:s15+s3] =	stream.indirect_vreg.scatter [tilespmem:s25], [sflag:$0x4], $0x80, v11, vm0, $0xb8;
	[tilespmem:$0x1E200] =	vst v63  }
0x31e: {  	_ = 	snop  }
0x31f: {  	[hbm4b:s24+s3] =	stream.indirect_vreg.scatter [tilespmem:s21], [sflag:$0x4], $0x80, v10, vm0, $0xb8;
	[tilespmem:$0x1E200] =	vst v63  }
0x320: {  	_ = 	snop  }
0x321: {  	[hbm4b:s13+s3] =	stream.indirect_vreg.scatter [tilespmem:s23], [sflag:$0x4], $0x80, v10, vm0, $0xb8;
	[tilespmem:$0x1E200] =	vst v63  }
0x322: {  	_ = 	snop  }
0x323: {  	[hbm4b:s14+s3] =	stream.indirect_vreg.scatter [tilespmem:s6], [sflag:$0x4], $0x80, v10, vm0, $0xb8;
	[tilespmem:$0x1E200] =	vst v63  }
0x324: {  	_ = 	snop  }
0x325: {  	[hbm4b:s15+s3] =	stream.indirect_vreg.scatter [tilespmem:s2], [sflag:$0x4], $0x80, v10, vm0, $0xb8;
	[tilespmem:$0x1E200] =	vst v63  }
0x326: {  	_ =	swait.ge [sflag:s18], $0x4000  }
0x327: {  	[sflag:s18] =	ssyncset.done $0x0  }
0x328: {  	[sflag:s18] =	ssyncadd.s32 $0xFFFFC000  }
0x329: {  	_ =	swait.ge [sflag:s10], $0x4000  }
0x32a: {  	[sflag:s10] =	ssyncset.done $0x0  }
0x32b: {  	s21 =	simm.s32 $0x12200;
	s20 =	rddreg [dreg:$0x17];
	[sflag:s10] =	ssyncadd.s32 $0xFFFFC000  }
0x32c: {  	[tilespmem:s21], [sflag:$0x7] =	stream.linear.gather [hbm4b:s20+s3], $0x4000, $0x38;
	[tilespmem:$0x1E200] =	vst v63  }
0x32d: {  	_ =	swait.ge [sflag:s22], $0x4000  }
0x32e: {  	[sflag:s22] =	ssyncset.done $0x0  }
0x32f: {  	[sflag:s22] =	ssyncadd.s32 $0xFFFFC000  }
0x330: {  	v10 =	vld [tilespmem:$0x11780];
	_ =	sdelay $0x4  }
0x331: {  	v11 =	vshll.u32 v10, $0x3  }
0x332: {  	v10 =	vand.u32 $0x7, v10;
	v11 =	vand.u32 $0xFFFFFFC0, v11  }
0x333: {  	v10 =	vor.u32 v10, v11  }
0x334: {  	v11 =	vperm.xlane v10, v7;
	_ =	sdelay $0x1  }
0x335: {  	v11 =	vadd.s32 v8, v11;
	_ =	sdelay $0x3  }
0x336: {  	s23 =	simm.s32 $0x1A200  }
0x337: {  	[hbm4b:s24+s3] =	stream.indirect_vreg.scatter [tilespmem:s23], [sflag:$0x5], $0x80, v11, vm0, $0xb8;
	[tilespmem:$0x1E200] =	vst v63  }
0x338: {  	s0 =	simm.s32 $0x1AA00;
	v10 =	vperm.xlane v10, v9  }
0x339: {  	[hbm4b:s13+s3] =	stream.indirect_vreg.scatter [tilespmem:s0], [sflag:$0x5], $0x80, v11, vm0, $0xb8;
	[tilespmem:$0x1E200] =	vst v63  }
0x33a: {  	s1 =	simm.s32 $0x1B200;
	v10 =	vadd.s32 v8, v10  }
0x33b: {  	[hbm4b:s14+s3] =	stream.indirect_vreg.scatter [tilespmem:s1], [sflag:$0x5], $0x80, v11, vm0, $0xb8;
	[tilespmem:$0x1E200] =	vst v63  }
0x33c: {  	s2 =	simm.s32 $0x1BA00  }
0x33d: {  	[hbm4b:s15+s3] =	stream.indirect_vreg.scatter [tilespmem:s2], [sflag:$0x5], $0x80, v11, vm0, $0xb8;
	[tilespmem:$0x1E200] =	vst v63  }
0x33e: {  	s6 =	simm.s32 $0x1C200  }
0x33f: {  	[hbm4b:s24+s3] =	stream.indirect_vreg.scatter [tilespmem:s6], [sflag:$0x5], $0x80, v10, vm0, $0xb8;
	[tilespmem:$0x1E200] =	vst v63  }
0x340: {  	s7 =	simm.s32 $0x1CA00  }
0x341: {  	[hbm4b:s13+s3] =	stream.indirect_vreg.scatter [tilespmem:s7], [sflag:$0x5], $0x80, v10, vm0, $0xb8;
	[tilespmem:$0x1E200] =	vst v63  }
0x342: {  	s21 =	simm.s32 $0x1D200  }
0x343: {  	[hbm4b:s14+s3] =	stream.indirect_vreg.scatter [tilespmem:s21], [sflag:$0x5], $0x80, v10, vm0, $0xb8;
	[tilespmem:$0x1E200] =	vst v63  }
0x344: {  	s25 =	simm.s32 $0x1DA00  }
0x345: {  	[hbm4b:s15+s3] =	stream.indirect_vreg.scatter [tilespmem:s25], [sflag:$0x5], $0x80, v10, vm0, $0xb8;
	[tilespmem:$0x1E200] =	vst v63  }
0x346: {  	v10 =	vld [tilespmem:$0x11F80];
	_ =	sdelay $0x4  }
0x347: {  	v11 =	vshll.u32 v10, $0x3  }
0x348: {  	v10 =	vand.u32 $0x7, v10;
	v11 =	vand.u32 $0xFFFFFFC0, v11  }
0x349: {  	v10 =	vor.u32 v10, v11  }
0x34a: {  	v11 =	vperm.xlane v10, v7;
	_ =	sdelay $0x1  }
0x34b: {  	v11 =	vadd.s32 v8, v11;
	_ =	sdelay $0x4  }
0x34c: {  	[hbm4b:s24+s3] =	stream.indirect_vreg.scatter [tilespmem:s23], [sflag:$0x6], $0x80, v11, vm0, $0xb8;
	[tilespmem:$0x1E200] =	vst v63  }
0x34d: {  	v10 =	vperm.xlane v10, v9  }
0x34e: {  	[hbm4b:s13+s3] =	stream.indirect_vreg.scatter [tilespmem:s0], [sflag:$0x6], $0x80, v11, vm0, $0xb8;
	[tilespmem:$0x1E200] =	vst v63  }
0x34f: {  	v10 =	vadd.s32 v8, v10  }
0x350: {  	[hbm4b:s14+s3] =	stream.indirect_vreg.scatter [tilespmem:s1], [sflag:$0x6], $0x80, v11, vm0, $0xb8;
	[tilespmem:$0x1E200] =	vst v63  }
0x351: {  	_ = 	snop  }
0x352: {  	[hbm4b:s15+s3] =	stream.indirect_vreg.scatter [tilespmem:s2], [sflag:$0x6], $0x80, v11, vm0, $0xb8;
	[tilespmem:$0x1E200] =	vst v63  }
0x353: {  	_ = 	snop  }
0x354: {  	[hbm4b:s24+s3] =	stream.indirect_vreg.scatter [tilespmem:s6], [sflag:$0x6], $0x80, v10, vm0, $0xb8;
	[tilespmem:$0x1E200] =	vst v63  }
0x355: {  	_ = 	snop  }
0x356: {  	[hbm4b:s13+s3] =	stream.indirect_vreg.scatter [tilespmem:s7], [sflag:$0x6], $0x80, v10, vm0, $0xb8;
	[tilespmem:$0x1E200] =	vst v63  }
0x357: {  	_ = 	snop  }
0x358: {  	[hbm4b:s14+s3] =	stream.indirect_vreg.scatter [tilespmem:s21], [sflag:$0x6], $0x80, v10, vm0, $0xb8;
	[tilespmem:$0x1E200] =	vst v63  }
0x359: {  	_ = 	snop  }
0x35a: {  	[hbm4b:s15+s3] =	stream.indirect_vreg.scatter [tilespmem:s25], [sflag:$0x6], $0x80, v10, vm0, $0xb8;
	[tilespmem:$0x1E200] =	vst v63  }
0x35b: {  	_ =	swait.ge [sflag:s28], $0x4000  }
0x35c: {  	[sflag:s28] =	ssyncset.done $0x0  }
0x35d: {  	[sflag:s28] =	ssyncadd.s32 $0xFFFFC000  }
0x35e: {  	_ =	swait.ge [sflag:s31], $0x4000  }
0x35f: {  	[sflag:s31] =	ssyncset.done $0x0  }
0x360: {  	s6 =	simm.s32 $0x16200;
	s4 =	rddreg [dreg:$0x18];
	[sflag:s31] =	ssyncadd.s32 $0xFFFFC000  }
0x361: {  	[tilespmem:s6], [sflag:$0x8] =	stream.linear.gather [hbm4b:s4+s3], $0x4000, $0x38;
	[tilespmem:$0x1E200] =	vst v63  }
0x362: {  	_ =	swait.ge [sflag:s26], $0x4000  }
0x363: {  	[sflag:s26] =	ssyncset.done $0x0  }
0x364: {  	[sflag:s26] =	ssyncadd.s32 $0xFFFFC000  }
0x365: {  	v10 =	vld [tilespmem:$0x11800];
	_ =	sdelay $0x4  }
0x366: {  	v11 =	vshll.u32 v10, $0x3  }
0x367: {  	v10 =	vand.u32 $0x7, v10;
	v11 =	vand.u32 $0xFFFFFFC0, v11  }
0x368: {  	v10 =	vor.u32 v10, v11  }
0x369: {  	v11 =	vperm.xlane v10, v7;
	_ =	sdelay $0x1  }
0x36a: {  	v11 =	vadd.s32 v8, v11;
	_ =	sdelay $0x3  }
0x36b: {  	s7 =	simm.s32 $0x12200  }
0x36c: {  	[hbm4b:s24+s3] =	stream.indirect_vreg.scatter [tilespmem:s7], [sflag:$0x1], $0x80, v11, vm0, $0xb8;
	[tilespmem:$0x1E200] =	vst v63  }
0x36d: {  	s19 =	simm.s32 $0x12A00;
	v10 =	vperm.xlane v10, v9  }
0x36e: {  	[hbm4b:s13+s3] =	stream.indirect_vreg.scatter [tilespmem:s19], [sflag:$0x1], $0x80, v11, vm0, $0xb8;
	[tilespmem:$0x1E200] =	vst v63  }
0x36f: {  	s25 =	simm.s32 $0x13200;
	v10 =	vadd.s32 v8, v10  }
0x370: {  	[hbm4b:s14+s3] =	stream.indirect_vreg.scatter [tilespmem:s25], [sflag:$0x1], $0x80, v11, vm0, $0xb8;
	[tilespmem:$0x1E200] =	vst v63  }
0x371: {  	s1 =	simm.s32 $0x13A00  }
0x372: {  	[hbm4b:s15+s3] =	stream.indirect_vreg.scatter [tilespmem:s1], [sflag:$0x1], $0x80, v11, vm0, $0xb8;
	[tilespmem:$0x1E200] =	vst v63  }
0x373: {  	s20 =	simm.s32 $0x14200  }
0x374: {  	[hbm4b:s24+s3] =	stream.indirect_vreg.scatter [tilespmem:s20], [sflag:$0x1], $0x80, v10, vm0, $0xb8;
	[tilespmem:$0x1E200] =	vst v63  }
0x375: {  	s21 =	simm.s32 $0x14A00  }
0x376: {  	[hbm4b:s13+s3] =	stream.indirect_vreg.scatter [tilespmem:s21], [sflag:$0x1], $0x80, v10, vm0, $0xb8;
	[tilespmem:$0x1E200] =	vst v63  }
0x377: {  	s4 =	simm.s32 $0x15200  }
0x378: {  	[hbm4b:s14+s3] =	stream.indirect_vreg.scatter [tilespmem:s4], [sflag:$0x1], $0x80, v10, vm0, $0xb8;
	[tilespmem:$0x1E200] =	vst v63  }
0x379: {  	s7 =	simm.s32 $0x15A00  }
0x37a: {  	[hbm4b:s15+s3] =	stream.indirect_vreg.scatter [tilespmem:s7], [sflag:$0x1], $0x80, v10, vm0, $0xb8;
	[tilespmem:$0x1E200] =	vst v63  }
0x37b: {  	v10 =	vld [tilespmem:$0x12000];
	_ =	sdelay $0x4  }
0x37c: {  	v11 =	vshll.u32 v10, $0x3  }
0x37d: {  	v10 =	vand.u32 $0x7, v10;
	v11 =	vand.u32 $0xFFFFFFC0, v11  }
0x37e: {  	v10 =	vor.u32 v10, v11  }
0x37f: {  	v11 =	vperm.xlane v10, v7;
	_ =	sdelay $0x1  }
0x380: {  	v11 =	vadd.s32 v8, v11;
	_ =	sdelay $0x3  }
0x381: {  	s30 =	simm.s32 $0x12200  }
0x382: {  	[hbm4b:s24+s3] =	stream.indirect_vreg.scatter [tilespmem:s30], [sflag:$0x2], $0x80, v11, vm0, $0xb8;
	[tilespmem:$0x1E200] =	vst v63  }
0x383: {  	v10 =	vperm.xlane v10, v9  }
0x384: {  	[hbm4b:s13+s3] =	stream.indirect_vreg.scatter [tilespmem:s19], [sflag:$0x2], $0x80, v11, vm0, $0xb8;
	[tilespmem:$0x1E200] =	vst v63  }
0x385: {  	v10 =	vadd.s32 v8, v10  }
0x386: {  	[hbm4b:s14+s3] =	stream.indirect_vreg.scatter [tilespmem:s25], [sflag:$0x2], $0x80, v11, vm0, $0xb8;
	[tilespmem:$0x1E200] =	vst v63  }
0x387: {  	_ = 	snop  }
0x388: {  	[hbm4b:s15+s3] =	stream.indirect_vreg.scatter [tilespmem:s1], [sflag:$0x2], $0x80, v11, vm0, $0xb8;
	[tilespmem:$0x1E200] =	vst v63  }
0x389: {  	_ = 	snop  }
0x38a: {  	[hbm4b:s24+s3] =	stream.indirect_vreg.scatter [tilespmem:s20], [sflag:$0x2], $0x80, v10, vm0, $0xb8;
	[tilespmem:$0x1E200] =	vst v63  }
0x38b: {  	_ = 	snop  }
0x38c: {  	[hbm4b:s13+s3] =	stream.indirect_vreg.scatter [tilespmem:s21], [sflag:$0x2], $0x80, v10, vm0, $0xb8;
	[tilespmem:$0x1E200] =	vst v63  }
0x38d: {  	_ = 	snop  }
0x38e: {  	[hbm4b:s14+s3] =	stream.indirect_vreg.scatter [tilespmem:s4], [sflag:$0x2], $0x80, v10, vm0, $0xb8;
	[tilespmem:$0x1E200] =	vst v63  }
0x38f: {  	_ = 	snop  }
0x390: {  	[hbm4b:s15+s3] =	stream.indirect_vreg.scatter [tilespmem:s7], [sflag:$0x2], $0x80, v10, vm0, $0xb8;
	[tilespmem:$0x1E200] =	vst v63  }
0x391: {  	_ =	swait.ge [sflag:s11], $0x4000  }
0x392: {  	[sflag:s11] =	ssyncset.done $0x0  }
0x393: {  	[sflag:s11] =	ssyncadd.s32 $0xFFFFC000  }
0x394: {  	_ =	swait.ge [sflag:s12], $0x4000  }
0x395: {  	[sflag:s12] =	ssyncset.done $0x0  }
0x396: {  	s23 =	simm.s32 $0x1A200;
	s4 =	rddreg [dreg:$0x19];
	[sflag:s12] =	ssyncadd.s32 $0xFFFFC000  }
0x397: {  	[tilespmem:s23], [sflag:$0x9] =	stream.linear.gather [hbm4b:s4+s3], $0x4000, $0x38;
	[tilespmem:$0x1E200] =	vst v63  }
0x398: {  	_ =	swait.ge [sflag:s29], $0x4000  }
0x399: {  	[sflag:s29] =	ssyncset.done $0x0  }
0x39a: {  	[sflag:s29] =	ssyncadd.s32 $0xFFFFC000  }
0x39b: {  	v10 =	vld [tilespmem:$0x11880];
	_ =	sdelay $0x4  }
0x39c: {  	v11 =	vshll.u32 v10, $0x3  }
0x39d: {  	v10 =	vand.u32 $0x7, v10;
	v11 =	vand.u32 $0xFFFFFFC0, v11  }
0x39e: {  	v10 =	vor.u32 v10, v11  }
0x39f: {  	v11 =	vperm.xlane v10, v7;
	_ =	sdelay $0x1  }
0x3a0: {  	v11 =	vadd.s32 v8, v11;
	_ =	sdelay $0x3  }
0x3a1: {  	s6 =	simm.s32 $0x16200  }
0x3a2: {  	[hbm4b:s24+s3] =	stream.indirect_vreg.scatter [tilespmem:s6], [sflag:$0x3], $0x80, v11, vm0, $0xb8;
	[tilespmem:$0x1E200] =	vst v63  }
0x3a3: {  	s1 =	simm.s32 $0x16A00;
	v10 =	vperm.xlane v10, v9  }
0x3a4: {  	[hbm4b:s13+s3] =	stream.indirect_vreg.scatter [tilespmem:s1], [sflag:$0x3], $0x80, v11, vm0, $0xb8;
	[tilespmem:$0x1E200] =	vst v63  }
0x3a5: {  	v10 =	vadd.s32 v8, v10;
	s6 =	simm.s32 $0x17200  }
0x3a6: {  	[hbm4b:s14+s3] =	stream.indirect_vreg.scatter [tilespmem:s6], [sflag:$0x3], $0x80, v11, vm0, $0xb8;
	[tilespmem:$0x1E200] =	vst v63  }
0x3a7: {  	s2 =	simm.s32 $0x17A00  }
0x3a8: {  	[hbm4b:s15+s3] =	stream.indirect_vreg.scatter [tilespmem:s2], [sflag:$0x3], $0x80, v11, vm0, $0xb8;
	[tilespmem:$0x1E200] =	vst v63  }
0x3a9: {  	s7 =	simm.s32 $0x18200  }
0x3aa: {  	[hbm4b:s24+s3] =	stream.indirect_vreg.scatter [tilespmem:s7], [sflag:$0x3], $0x80, v10, vm0, $0xb8;
	[tilespmem:$0x1E200] =	vst v63  }
0x3ab: {  	s29 =	simm.s32 $0x18A00  }
0x3ac: {  	[hbm4b:s13+s3] =	stream.indirect_vreg.scatter [tilespmem:s29], [sflag:$0x3], $0x80, v10, vm0, $0xb8;
	[tilespmem:$0x1E200] =	vst v63  }
0x3ad: {  	s0 =	simm.s32 $0x19200  }
0x3ae: {  	[hbm4b:s14+s3] =	stream.indirect_vreg.scatter [tilespmem:s0], [sflag:$0x3], $0x80, v10, vm0, $0xb8;
	[tilespmem:$0x1E200] =	vst v63  }
0x3af: {  	s19 =	simm.s32 $0x19A00  }
0x3b0: {  	[hbm4b:s15+s3] =	stream.indirect_vreg.scatter [tilespmem:s19], [sflag:$0x3], $0x80, v10, vm0, $0xb8;
	[tilespmem:$0x1E200] =	vst v63  }
0x3b1: {  	v10 =	vld [tilespmem:$0x12080];
	_ =	sdelay $0x4  }
0x3b2: {  	v11 =	vshll.u32 v10, $0x3  }
0x3b3: {  	v10 =	vand.u32 $0x7, v10;
	v11 =	vand.u32 $0xFFFFFFC0, v11  }
0x3b4: {  	v10 =	vor.u32 v10, v11  }
0x3b5: {  	v11 =	vperm.xlane v10, v7;
	_ =	sdelay $0x1  }
0x3b6: {  	v11 =	vadd.s32 v8, v11;
	_ =	sdelay $0x3  }
0x3b7: {  	s4 =	simm.s32 $0x16200  }
0x3b8: {  	[hbm4b:s24+s3] =	stream.indirect_vreg.scatter [tilespmem:s4], [sflag:$0x4], $0x80, v11, vm0, $0xb8;
	[tilespmem:$0x1E200] =	vst v63  }
0x3b9: {  	v10 =	vperm.xlane v10, v9  }
0x3ba: {  	[hbm4b:s13+s3] =	stream.indirect_vreg.scatter [tilespmem:s1], [sflag:$0x4], $0x80, v11, vm0, $0xb8;
	[tilespmem:$0x1E200] =	vst v63  }
0x3bb: {  	v10 =	vadd.s32 v8, v10  }
0x3bc: {  	[hbm4b:s14+s3] =	stream.indirect_vreg.scatter [tilespmem:s6], [sflag:$0x4], $0x80, v11, vm0, $0xb8;
	[tilespmem:$0x1E200] =	vst v63  }
0x3bd: {  	_ = 	snop  }
0x3be: {  	[hbm4b:s15+s3] =	stream.indirect_vreg.scatter [tilespmem:s2], [sflag:$0x4], $0x80, v11, vm0, $0xb8;
	[tilespmem:$0x1E200] =	vst v63  }
0x3bf: {  	_ = 	snop  }
0x3c0: {  	[hbm4b:s24+s3] =	stream.indirect_vreg.scatter [tilespmem:s7], [sflag:$0x4], $0x80, v10, vm0, $0xb8;
	[tilespmem:$0x1E200] =	vst v63  }
0x3c1: {  	_ = 	snop  }
0x3c2: {  	[hbm4b:s13+s3] =	stream.indirect_vreg.scatter [tilespmem:s29], [sflag:$0x4], $0x80, v10, vm0, $0xb8;
	[tilespmem:$0x1E200] =	vst v63  }
0x3c3: {  	_ = 	snop  }
0x3c4: {  	[hbm4b:s14+s3] =	stream.indirect_vreg.scatter [tilespmem:s0], [sflag:$0x4], $0x80, v10, vm0, $0xb8;
	[tilespmem:$0x1E200] =	vst v63  }
0x3c5: {  	_ = 	snop  }
0x3c6: {  	[hbm4b:s15+s3] =	stream.indirect_vreg.scatter [tilespmem:s19], [sflag:$0x4], $0x80, v10, vm0, $0xb8;
	[tilespmem:$0x1E200] =	vst v63  }
0x3c7: {  	_ =	swait.ge [sflag:s18], $0x4000  }
0x3c8: {  	[sflag:s18] =	ssyncset.done $0x0  }
0x3c9: {  	[sflag:s18] =	ssyncadd.s32 $0xFFFFC000  }
0x3ca: {  	_ =	swait.ge [sflag:s10], $0x4000  }
0x3cb: {  	[sflag:s10] =	ssyncset.done $0x0  }
0x3cc: {  	s29 =	simm.s32 $0x12200;
	s7 =	rddreg [dreg:$0x1a];
	[sflag:s10] =	ssyncadd.s32 $0xFFFFC000  }
0x3cd: {  	[tilespmem:s29], [sflag:$0x7] =	stream.linear.gather [hbm4b:s7+s3], $0x4000, $0x38;
	[tilespmem:$0x1E200] =	vst v63  }
0x3ce: {  	_ =	swait.ge [sflag:s22], $0x4000  }
0x3cf: {  	[sflag:s22] =	ssyncset.done $0x0  }
0x3d0: {  	[sflag:s22] =	ssyncadd.s32 $0xFFFFC000  }
0x3d1: {  	v10 =	vld [tilespmem:$0x11900];
	_ =	sdelay $0x4  }
0x3d2: {  	v11 =	vshll.u32 v10, $0x3  }
0x3d3: {  	v10 =	vand.u32 $0x7, v10;
	v11 =	vand.u32 $0xFFFFFFC0, v11  }
0x3d4: {  	v10 =	vor.u32 v10, v11  }
0x3d5: {  	v11 =	vperm.xlane v10, v7;
	_ =	sdelay $0x1  }
0x3d6: {  	v11 =	vadd.s32 v8, v11;
	_ =	sdelay $0x4  }
0x3d7: {  	[hbm4b:s24+s3] =	stream.indirect_vreg.scatter [tilespmem:s23], [sflag:$0x5], $0x80, v11, vm0, $0xb8;
	[tilespmem:$0x1E200] =	vst v63  }
0x3d8: {  	s0 =	simm.s32 $0x1AA00;
	v10 =	vperm.xlane v10, v9  }
0x3d9: {  	[hbm4b:s13+s3] =	stream.indirect_vreg.scatter [tilespmem:s0], [sflag:$0x5], $0x80, v11, vm0, $0xb8;
	[tilespmem:$0x1E200] =	vst v63  }
0x3da: {  	s7 =	simm.s32 $0x1B200;
	v10 =	vadd.s32 v8, v10  }
0x3db: {  	[hbm4b:s14+s3] =	stream.indirect_vreg.scatter [tilespmem:s7], [sflag:$0x5], $0x80, v11, vm0, $0xb8;
	[tilespmem:$0x1E200] =	vst v63  }
0x3dc: {  	s1 =	simm.s32 $0x1BA00  }
0x3dd: {  	[hbm4b:s15+s3] =	stream.indirect_vreg.scatter [tilespmem:s1], [sflag:$0x5], $0x80, v11, vm0, $0xb8;
	[tilespmem:$0x1E200] =	vst v63  }
0x3de: {  	s19 =	simm.s32 $0x1C200  }
0x3df: {  	[hbm4b:s24+s3] =	stream.indirect_vreg.scatter [tilespmem:s19], [sflag:$0x5], $0x80, v10, vm0, $0xb8;
	[tilespmem:$0x1E200] =	vst v63  }
0x3e0: {  	s22 =	simm.s32 $0x1CA00  }
0x3e1: {  	[hbm4b:s13+s3] =	stream.indirect_vreg.scatter [tilespmem:s22], [sflag:$0x5], $0x80, v10, vm0, $0xb8;
	[tilespmem:$0x1E200] =	vst v63  }
0x3e2: {  	s6 =	simm.s32 $0x1D200  }
0x3e3: {  	[hbm4b:s14+s3] =	stream.indirect_vreg.scatter [tilespmem:s6], [sflag:$0x5], $0x80, v10, vm0, $0xb8;
	[tilespmem:$0x1E200] =	vst v63  }
0x3e4: {  	s2 =	simm.s32 $0x1DA00  }
0x3e5: {  	[hbm4b:s15+s3] =	stream.indirect_vreg.scatter [tilespmem:s2], [sflag:$0x5], $0x80, v10, vm0, $0xb8;
	[tilespmem:$0x1E200] =	vst v63  }
0x3e6: {  	v10 =	vld [tilespmem:$0x12100];
	_ =	sdelay $0x4  }
0x3e7: {  	v11 =	vshll.u32 v10, $0x3  }
0x3e8: {  	v10 =	vand.u32 $0x7, v10;
	v11 =	vand.u32 $0xFFFFFFC0, v11  }
0x3e9: {  	v10 =	vor.u32 v10, v11  }
0x3ea: {  	v11 =	vperm.xlane v10, v7;
	_ =	sdelay $0x1  }
0x3eb: {  	v11 =	vadd.s32 v8, v11;
	_ =	sdelay $0x4  }
0x3ec: {  	[hbm4b:s24+s3] =	stream.indirect_vreg.scatter [tilespmem:s23], [sflag:$0x6], $0x80, v11, vm0, $0xb8;
	[tilespmem:$0x1E200] =	vst v63  }
0x3ed: {  	v10 =	vperm.xlane v10, v9  }
0x3ee: {  	[hbm4b:s13+s3] =	stream.indirect_vreg.scatter [tilespmem:s0], [sflag:$0x6], $0x80, v11, vm0, $0xb8;
	[tilespmem:$0x1E200] =	vst v63  }
0x3ef: {  	v10 =	vadd.s32 v8, v10  }
0x3f0: {  	[hbm4b:s14+s3] =	stream.indirect_vreg.scatter [tilespmem:s7], [sflag:$0x6], $0x80, v11, vm0, $0xb8;
	[tilespmem:$0x1E200] =	vst v63  }
0x3f1: {  	_ = 	snop  }
0x3f2: {  	[hbm4b:s15+s3] =	stream.indirect_vreg.scatter [tilespmem:s1], [sflag:$0x6], $0x80, v11, vm0, $0xb8;
	[tilespmem:$0x1E200] =	vst v63  }
0x3f3: {  	_ = 	snop  }
0x3f4: {  	[hbm4b:s24+s3] =	stream.indirect_vreg.scatter [tilespmem:s19], [sflag:$0x6], $0x80, v10, vm0, $0xb8;
	[tilespmem:$0x1E200] =	vst v63  }
0x3f5: {  	_ = 	snop  }
0x3f6: {  	[hbm4b:s13+s3] =	stream.indirect_vreg.scatter [tilespmem:s22], [sflag:$0x6], $0x80, v10, vm0, $0xb8;
	[tilespmem:$0x1E200] =	vst v63  }
0x3f7: {  	_ = 	snop  }
0x3f8: {  	[hbm4b:s14+s3] =	stream.indirect_vreg.scatter [tilespmem:s6], [sflag:$0x6], $0x80, v10, vm0, $0xb8;
	[tilespmem:$0x1E200] =	vst v63  }
0x3f9: {  	_ = 	snop  }
0x3fa: {  	[hbm4b:s15+s3] =	stream.indirect_vreg.scatter [tilespmem:s2], [sflag:$0x6], $0x80, v10, vm0, $0xb8;
	[tilespmem:$0x1E200] =	vst v63  }
0x3fb: {  	_ =	swait.ge [sflag:s26], $0x4000  }
0x3fc: {  	[sflag:s26] =	ssyncset.done $0x0  }
0x3fd: {  	[sflag:s26] =	ssyncadd.s32 $0xFFFFC000  }
0x3fe: {  	v10 =	vld [tilespmem:$0x11980];
	_ =	sdelay $0x4  }
0x3ff: {  	v11 =	vshll.u32 v10, $0x3  }
0x400: {  	v10 =	vand.u32 $0x7, v10;
	v11 =	vand.u32 $0xFFFFFFC0, v11  }
0x401: {  	v10 =	vor.u32 v10, v11  }
0x402: {  	v11 =	vperm.xlane v10, v7;
	_ =	sdelay $0x1  }
0x403: {  	v11 =	vadd.s32 v8, v11;
	_ =	sdelay $0x4  }
0x404: {  	[hbm4b:s24+s3] =	stream.indirect_vreg.scatter [tilespmem:s29], [sflag:$0x1], $0x80, v11, vm0, $0xb8;
	[tilespmem:$0x1E200] =	vst v63  }
0x405: {  	s19 =	simm.s32 $0x12A00;
	v10 =	vperm.xlane v10, v9  }
0x406: {  	[hbm4b:s13+s3] =	stream.indirect_vreg.scatter [tilespmem:s19], [sflag:$0x1], $0x80, v11, vm0, $0xb8;
	[tilespmem:$0x1E200] =	vst v63  }
0x407: {  	s25 =	simm.s32 $0x13200;
	v10 =	vadd.s32 v8, v10  }
0x408: {  	[hbm4b:s14+s3] =	stream.indirect_vreg.scatter [tilespmem:s25], [sflag:$0x1], $0x80, v11, vm0, $0xb8;
	[tilespmem:$0x1E200] =	vst v63  }
0x409: {  	s22 =	simm.s32 $0x13A00  }
0x40a: {  	[hbm4b:s15+s3] =	stream.indirect_vreg.scatter [tilespmem:s22], [sflag:$0x1], $0x80, v11, vm0, $0xb8;
	[tilespmem:$0x1E200] =	vst v63  }
0x40b: {  	s30 =	simm.s32 $0x14200  }
0x40c: {  	[hbm4b:s24+s3] =	stream.indirect_vreg.scatter [tilespmem:s30], [sflag:$0x1], $0x80, v10, vm0, $0xb8;
	[tilespmem:$0x1E200] =	vst v63  }
0x40d: {  	s20 =	simm.s32 $0x14A00  }
0x40e: {  	[hbm4b:s13+s3] =	stream.indirect_vreg.scatter [tilespmem:s20], [sflag:$0x1], $0x80, v10, vm0, $0xb8;
	[tilespmem:$0x1E200] =	vst v63  }
0x40f: {  	s21 =	simm.s32 $0x15200  }
0x410: {  	[hbm4b:s14+s3] =	stream.indirect_vreg.scatter [tilespmem:s21], [sflag:$0x1], $0x80, v10, vm0, $0xb8;
	[tilespmem:$0x1E200] =	vst v63  }
0x411: {  	s23 =	simm.s32 $0x15A00  }
0x412: {  	[hbm4b:s15+s3] =	stream.indirect_vreg.scatter [tilespmem:s23], [sflag:$0x1], $0x80, v10, vm0, $0xb8;
	[tilespmem:$0x1E200] =	vst v63  }
0x413: {  	v10 =	vld [tilespmem:$0x12180];
	_ =	sdelay $0x4  }
0x414: {  	v11 =	vshll.u32 v10, $0x3  }
0x415: {  	v10 =	vand.u32 $0x7, v10;
	v11 =	vand.u32 $0xFFFFFFC0, v11  }
0x416: {  	v10 =	vor.u32 v10, v11  }
0x417: {  	v11 =	vperm.xlane v10, v7;
	_ =	sdelay $0x1  }
0x418: {  	v11 =	vadd.s32 v8, v11;
	_ =	sdelay $0x4  }
0x419: {  	[hbm4b:s24+s3] =	stream.indirect_vreg.scatter [tilespmem:s29], [sflag:$0x2], $0x80, v11, vm0, $0xb8;
	[tilespmem:$0x1E200] =	vst v63  }
0x41a: {  	v10 =	vperm.xlane v10, v9  }
0x41b: {  	[hbm4b:s13+s3] =	stream.indirect_vreg.scatter [tilespmem:s19], [sflag:$0x2], $0x80, v11, vm0, $0xb8;
	[tilespmem:$0x1E200] =	vst v63  }
0x41c: {  	v10 =	vadd.s32 v8, v10  }
0x41d: {  	[hbm4b:s14+s3] =	stream.indirect_vreg.scatter [tilespmem:s25], [sflag:$0x2], $0x80, v11, vm0, $0xb8;
	[tilespmem:$0x1E200] =	vst v63  }
0x41e: {  	_ = 	snop  }
0x41f: {  	[hbm4b:s15+s3] =	stream.indirect_vreg.scatter [tilespmem:s22], [sflag:$0x2], $0x80, v11, vm0, $0xb8;
	[tilespmem:$0x1E200] =	vst v63  }
0x420: {  	_ = 	snop  }
0x421: {  	[hbm4b:s24+s3] =	stream.indirect_vreg.scatter [tilespmem:s30], [sflag:$0x2], $0x80, v10, vm0, $0xb8;
	[tilespmem:$0x1E200] =	vst v63  }
0x422: {  	_ = 	snop  }
0x423: {  	[hbm4b:s13+s3] =	stream.indirect_vreg.scatter [tilespmem:s20], [sflag:$0x2], $0x80, v10, vm0, $0xb8;
	[tilespmem:$0x1E200] =	vst v63  }
0x424: {  	_ = 	snop  }
0x425: {  	[hbm4b:s14+s3] =	stream.indirect_vreg.scatter [tilespmem:s21], [sflag:$0x2], $0x80, v10, vm0, $0xb8;
	[tilespmem:$0x1E200] =	vst v63  }
0x426: {  	_ = 	snop  }
0x427: {  	[hbm4b:s15+s3] =	stream.indirect_vreg.scatter [tilespmem:s23], [sflag:$0x2], $0x80, v10, vm0, $0xb8;
	[tilespmem:$0x1E200] =	vst v63  }
0x428: {  	s19 =	simm.s32 @!p0 $0x0;
	s20 =	simm.s32 @!p0 $0x11100;
	s21 =	rddreg [dreg:$0x3]  }
0x429: {  	[hbm4b:s21+s19] =	stream.linear.scatter @!p0 [tilespmem:s20], [sflag:$0xD], $0x80, $0x38;
	[tilespmem:$0x1E200] =	vst v63  }
0x42a: {  	s19 =	simm.s32 @!p0 $0xD  }
0x42b: {  	_ =	swait.ge @!p0 [sflag:s19], $0x80  }
0x42c: {  	[sflag:s19] =	ssyncset.done @!p0 $0x0  }
0x42d: {  	[sflag:s19] =	ssyncadd.s32 @!p0 $0xFFFFFF80  }
0x42e: {  	_ =	swait.ge [sflag:s18], $0x4000  }
0x42f: {  	[sflag:s18] =	ssyncset.done $0x0  }
0x430: {  	[sflag:s18] =	ssyncadd.s32 $0xFFFFC000  }
0x431: {  	_ =	swait.ge [sflag:s10], $0x4000  }
0x432: {  	[sflag:s10] =	ssyncset.done $0x0  }
0x433: {  	[sflag:s10] =	ssyncadd.s32 $0xFFFFC000  }
0x434: {  	_ =	swait.ge [sflag:s28], $0x4000  }
0x435: {  	[sflag:s28] =	ssyncset.done $0x0  }
0x436: {  	[sflag:s28] =	ssyncadd.s32 $0xFFFFC000  }
0x437: {  	_ =	swait.ge [sflag:s31], $0x4000  }
0x438: {  	[sflag:s31] =	ssyncset.done $0x0  }
0x439: {  	[sflag:s31] =	ssyncadd.s32 $0xFFFFC000  }
0x43a: {  	_ =	swait.ge [sflag:s11], $0x4000  }
0x43b: {  	[sflag:s11] =	ssyncset.done $0x0  }
0x43c: {  	[sflag:s11] =	ssyncadd.s32 $0xFFFFC000  }
0x43d: {  	_ =	swait.ge [sflag:s12], $0x4000  }
0x43e: {  	s25 =	rddreg [dreg:$0x1b]  }
0x43f: {  	s30 =	rddreg [dreg:$0x14];
	s0 =	sadd.s32 $0x1, s25  }
0x440: {  	p1 =	sne.s32 s0, s30  }
.Ltmp7:
0x441: {  	_ = 	snop;
	(pc) =	sbr.rel @p1 .LBB2_1-.Ltmp7, $3  }
0x442: {  	_ =	sdelay $0x1  }
0x443: {  	[sflag:s12] =	ssyncset.done $0x0  }
0x444: {  	s4 =	simm.s32 $0x16200;
	[sflag:s12] =	ssyncadd.s32 $0xFFFFC000  }
0x445: {  	_ =	sfence.sel $0x180000  }
0x446: {  	[bflag:$0x0] =	sbarrier.arrive $0xFFFF  }
0x447: {  	_ =	strace $0x90000047  }
0x448: {  	s0 =	stileid.u32;
	[bflag:$0x2] =	sbarrier.arrive $0xFFFF  }
0x449: {  	p0 =	sne.s32 s0, $0x0;
	s0 =	rddreg [dreg:$0x4]  }
0x44a: {  	s0 =	sadd.s32 @!p0 $0x100000, s0  }
0x44b: {  	[sflag:s0] =	ssyncadd.tile.s32 @!p0 $0x1;
	_ =	shalt  }
.Lfunc_end2:
_tile_overlayer_lowered:
.L_overlay_start_2:
0x44c: {  	(tag) =	ssettag $0x2  }
0x44d: {  	s0 =	rddreg [dreg:$0x0];
	s2 =	stileid.u32  }
0x44e: {  	s1 =	rddreg [dreg:$0x1];
	p0 =	sne.s32 s2, $0x0  }
0x44f: {  	s3 =	rddreg [dreg:$0x2];
	[bflag:$0x3] =	sbarrier.arrive $0xFFFF;
	s2 =	simm.s32 @!p0 $0x1C0D  }
0x450: {  	[timem:s3], [sflag:s2] =	dma.local @!p0 [hbm:s0], s1  }
0x451: {  	s0 =	simm.s32 @!p0 $0xD  }
0x452: {  	_ =	swait.ge @!p0 [sflag:s0], s1  }
0x453: {  	s1 =	ssub.s32 @!p0 $0x0, s1;
	[sflag:s0] =	ssyncset.done @!p0 $0x0  }
0x454: {  	[sflag:s0] =	ssyncadd.s32 @!p0 s1  }
0x455: {  	[bflag:$0x3] =	sbarrier.arrive $0xFFFF  }
0x456: {  	_ =	shalt  }

</sc_bundles>
